<compile_context>
chip_gen: v7x
topology: tpu7x:2x2x1
jax: 0.10.2.dev20260603
libtpu: 0.0.44.dev20260713+nightly
codegen_flags: <defaults>
</compile_context>

<pallas_src>
import functools

import jax
import jax.numpy as jnp
from jax import lax
from jax.experimental import pallas as pl
from jax.experimental.pallas import tpu as pltpu
from jax.experimental.pallas import tpu_sc as plsc

K = 512
CAP = 640
CAPP = CAP + 16
HK = K // 2
I32_MIN = -(2 ** 31)
PAD_IDX = 1 << 29
MASK31 = 0x7FFFFFFF


def _monotone_key(bits):
    return bits ^ ((bits >> 31) & jnp.int32(MASK31))


def _select_body(x_ref, pos_ref):
    x = x_ref[...]
    bt, t = x.shape
    b = bt // t
    bits = lax.bitcast_convert_type(x, jnp.int32)
    key = _monotone_key(bits).reshape(b, t, t)

    def cnt_ge(th):
        return jnp.sum((key >= th).astype(jnp.int32), axis=(1, 2),
                       keepdims=True)

    zero = jnp.zeros((b, 1, 1), jnp.int32)
    imin = jnp.full((b, 1, 1), I32_MIN, jnp.int32)
    th = jnp.where(cnt_ge(zero) >= K, zero, imin)
    for bit in range(30, -1, -1):
        trial = th | jnp.int32(1 << bit)
        th = jnp.where(cnt_ge(trial) >= K, trial, th)

    mask = (key >= th).reshape(bt, t)
    mf = mask.astype(jnp.float32)
    r_i = lax.broadcasted_iota(jnp.int32, (t, t), 0)
    c_i = lax.broadcasted_iota(jnp.int32, (t, t), 1)
    upper = (r_i < c_i).astype(jnp.float32)
    excl = jax.lax.dot(mf, upper)
    ones_col = jnp.ones((t, 1), jnp.float32)
    rs_col = jax.lax.dot(mf, ones_col)
    rr = lax.broadcasted_iota(jnp.int32, (bt, bt), 0)
    cc = lax.broadcasted_iota(jnp.int32, (bt, bt), 1)
    blk = jnp.logical_and(cc < rr, (cc // t) == (rr // t)).astype(jnp.float32)
    row_off = jax.lax.dot(blk, rs_col)
    posf = excl + row_off
    posi = posf.astype(jnp.int32)
    pos_ref[...] = jnp.where(mask, posi, jnp.int32(CAP))


def _select(logit2):
    b, n = logit2.shape
    t = 128
    return pl.pallas_call(
        _select_body,
        out_shape=jax.ShapeDtypeStruct((b * t, t), jnp.int32),
    )(logit2.reshape(b * t, t))


def _compact(logit3, pos2):
    b_total, t, _ = logit3.shape
    n = t * t
    mesh = plsc.VectorSubcoreMesh(core_axis_name="c", subcore_axis_name="s")

    @functools.partial(
        pl.kernel,
        out_type=[jax.ShapeDtypeStruct((b_total, CAP), jnp.float32),
                  jax.ShapeDtypeStruct((b_total, CAP), jnp.int32)],
        mesh=mesh,
        compiler_params=pltpu.CompilerParams(needs_layout_passes=False),
        scratch_types=[
            pltpu.VMEM((t, t), jnp.float32),
            pltpu.VMEM((t, t), jnp.int32),
            pltpu.VMEM((CAPP,), jnp.float32),
            pltpu.VMEM((CAPP,), jnp.int32),
            pltpu.SemaphoreType.DMA,
        ],
    )
    def run(logit_hbm, pos_hbm, ckey_hbm, cidx_hbm, vals_v, pos_v, ckey_v,
            cidx_v, sem):
        c = lax.axis_index("c")
        s = lax.axis_index("s")

        @pl.when(c == 0)
        def _():
            b = s
            cp = pltpu.async_copy(pos_hbm.at[pl.ds(b * t, t)], pos_v, sem)
            pltpu.sync_copy(logit_hbm.at[b], vals_v)
            cp.wait()
            lane = lax.broadcasted_iota(jnp.int32, (16,), 0)

            def pre(i, carry):
                ckey_v[pl.ds(i * 16, 16)] = jnp.full((16,), -jnp.inf,
                                                     jnp.float32)
                cidx_v[pl.ds(i * 16, 16)] = jnp.full((16,), PAD_IDX,
                                                     jnp.int32)
                return carry

            lax.fori_loop(0, CAPP // 16, pre, 0)

            def body(i, carry):
                row = i >> 3
                col = (i & 7) * 16
                v = vals_v[row, pl.ds(col, 16)]
                p = pos_v[row, pl.ds(col, 16)]
                m = p < CAP
                plsc.store_scatter(ckey_v, [p], v, mask=m)
                plsc.store_scatter(cidx_v, [p], lane + i * 16, mask=m)
                return carry

            lax.fori_loop(0, n // 16, body, 0)
            pltpu.sync_copy(ckey_v.at[pl.ds(0, CAP)], ckey_hbm.at[b])
            pltpu.sync_copy(cidx_v.at[pl.ds(0, CAP)], cidx_hbm.at[b])

    return run(logit3, pos2)


def _rank_body(k_ref, i_ref, out_ref):
    kk = k_ref[...]
    ii = i_ref[...]
    for b in range(kk.shape[0]):
        krow = kk[b:b + 1, :]
        irow = ii[b:b + 1, :]
        kcol = jnp.transpose(krow)
        icol = jnp.transpose(irow)
        gt = kcol > krow
        tie = jnp.logical_and(kcol == krow, icol < irow)
        out_ref[b:b + 1, :] = jnp.sum(
            jnp.logical_or(gt, tie).astype(jnp.int32), axis=0, keepdims=True)


def _rank(ckey, cidx):
    b = ckey.shape[0]
    return pl.pallas_call(
        _rank_body,
        out_shape=jax.ShapeDtypeStruct((b, CAP), jnp.int32),
    )(ckey, cidx)


def _gather_all(cidx, rank, map_flat, off_rows, tmap_rows):
    b_total = cidx.shape[0]
    n = map_flat.shape[0] // b_total
    d = map_flat.shape[1]
    nm1 = b_total * n - 1
    mesh = plsc.VectorSubcoreMesh(core_axis_name="c", subcore_axis_name="s")

    @functools.partial(
        pl.kernel,
        out_type=[jax.ShapeDtypeStruct((b_total, K, d), jnp.float32),
                  jax.ShapeDtypeStruct((b_total, K, 2), jnp.int32),
                  jax.ShapeDtypeStruct((b_total, K, 2), jnp.float32),
                  jax.ShapeDtypeStruct((b_total, K), jnp.float32)],
        mesh=mesh,
        compiler_params=pltpu.CompilerParams(needs_layout_passes=False,
                                             use_tc_tiling_on_sc=True),
        scratch_types=[
            pltpu.VMEM((CAP,), jnp.int32),
            pltpu.VMEM((CAP,), jnp.int32),
            pltpu.VMEM((4, 64), jnp.int32),
            pltpu.VMEM((HK,), jnp.int32),
            pltpu.VMEM((4, 128), jnp.int32),
            pltpu.VMEM((2, 128), jnp.int32),
            pltpu.VMEM((64, d), jnp.float32),
            pltpu.VMEM((64, d), jnp.float32),
            pltpu.VMEM((128, 128), jnp.float32),
            pltpu.VMEM((HK, 2), jnp.float32),
            pltpu.VMEM((HK,), jnp.float32),
            pltpu.VMEM((HK, 2), jnp.int32),
            pltpu.SemaphoreType.DMA,
            pltpu.SemaphoreType.DMA,
            pltpu.SemaphoreType.DMA,
            pltpu.SemaphoreType.DMA,
        ],
    )
    def run(cidx_hbm, rank_hbm, map_hbm, offr_hbm, tmapr_hbm,
            prop_hbm, pred_hbm, off_hbm, score_hbm,
            cidx_v, rank_v, gmap_v, gflat_v, orow_v, trow_v,
            rows_map_a, rows_map_b, rows_sm,
            off_v, sc_v, pred_v, sem_a, sem_b, sem_c, sem_d):
        c = lax.axis_index("c")
        s = lax.axis_index("s")
        b = s
        lo = c * HK
        pltpu.sync_copy(cidx_hbm.at[b], cidx_v)
        pltpu.sync_copy(rank_hbm.at[b], rank_v)
        lane = lax.broadcasted_iota(jnp.int32, (16,), 0)
        zeros16 = jnp.zeros((16,), jnp.int32)
        ones16 = jnp.full((16,), 1, jnp.int32)

        def sbody(i, carry):
            rk = rank_v[pl.ds(i * 16, 16)]
            ix = cidx_v[pl.ds(i * 16, 16)]
            rrel = rk - lo
            m = jnp.logical_and(rrel >= 0, rrel < HK)
            rsafe = rrel & (HK - 1)
            g = (ix + b * n) & nm1
            plsc.store_scatter(gmap_v, [rsafe >> 6, rsafe & 63], g, mask=m)
            plsc.store_scatter(gflat_v, [rsafe], g, mask=m)
            jl2 = (rsafe & 63) * 2
            plsc.store_scatter(orow_v, [rsafe >> 6, jl2], (g >> 7) * 2,
                               mask=m)
            plsc.store_scatter(orow_v, [rsafe >> 6, jl2 + 1],
                               (g >> 7) * 2 + 1, mask=m)
            plsc.store_scatter(trow_v, [rsafe >> 7, rsafe & 127], g >> 7,
                               mask=m)
            return carry

        lax.fori_loop(0, CAP // 16, sbody, 0)

        map_bufs = [rows_map_a, rows_map_b]
        map_sems = [sem_a, sem_b]
        map_cps = [
            pltpu.async_copy(map_hbm.at[gmap_v.at[0]], rows_map_a, sem_a),
            pltpu.async_copy(map_hbm.at[gmap_v.at[1]], rows_map_b, sem_b),
        ]
        sm_cps = [
            pltpu.async_copy(offr_hbm.at[orow_v.at[0]], rows_sm, sem_c),
        ]
        for j in range(4):
            map_cps[j].wait()
            pltpu.sync_copy(map_bufs[j % 2],
                            prop_hbm.at[b, pl.ds(lo + j * 64, 64)])
            if j + 2 < 4:
                map_cps.append(pltpu.async_copy(
                    map_hbm.at[gmap_v.at[j + 2]], map_bufs[j % 2],
                    map_sems[j % 2]))

        for tchunk in range(4):
            buf = rows_sm
            sm_cps[tchunk].wait()
            for i in range(4):
                base = tchunk * 64 + i * 16
                g16 = gflat_v[pl.ds(base, 16)]
                j16 = lane + i * 16
                jl2 = ((j16 * 2) & 127)
                col = g16 & 127
                o0 = plsc.load_gather(buf, [jl2, col])
                o1 = plsc.load_gather(buf, [jl2 + 1, col])
                ridx = j16 + tchunk * 64
                plsc.store_scatter(off_v, [ridx, zeros16], o0)
                plsc.store_scatter(off_v, [ridx, ones16], o1)
            if tchunk + 1 < 4:
                sm_cps.append(pltpu.async_copy(
                    offr_hbm.at[orow_v.at[tchunk + 1]], buf, sem_c))
            else:
                sm_cps.append(pltpu.async_copy(
                    tmapr_hbm.at[trow_v.at[0]], buf, sem_c))

        for tchunk in range(2):
            buf = rows_sm
            sm_cps[4 + tchunk].wait()
            for i in range(8):
                base = tchunk * 128 + i * 16
                g16 = gflat_v[pl.ds(base, 16)]
                j16 = lane + i * 16
                sc_v[pl.ds(base, 16)] = plsc.load_gather(
                    buf, [j16, g16 & 127])
            if tchunk == 0:
                sm_cps.append(pltpu.async_copy(
                    tmapr_hbm.at[trow_v.at[1]], buf, sem_c))

        for i in range(HK // 16):
            g16 = gflat_v[pl.ds(i * 16, 16)]
            ii = g16 - b * n
            ridx = lane + i * 16
            plsc.store_scatter(pred_v, [ridx, zeros16], ii >> 7)
            plsc.store_scatter(pred_v, [ridx, ones16], (ii & 127) + 1)

        out_slice = pl.ds(lo, HK)
        pltpu.sync_copy(pred_v, pred_hbm.at[b, out_slice])
        pltpu.sync_copy(off_v, off_hbm.at[b, out_slice])
        pltpu.sync_copy(sc_v, score_hbm.at[b, out_slice])

    return run(cidx, rank, map_flat, off_rows, tmap_rows)


@jax.jit
def kernel(selection_logit, map2d, offset_gt, tmap):
    b, t, _ = selection_logit.shape
    n = t * t
    d = map2d.shape[-1]
    logit2 = selection_logit.reshape(b, n)
    pos = _select(logit2)
    ckey, cidx = _compact(selection_logit, pos)
    rank = _rank(ckey, cidx)
    off_rows = offset_gt.transpose(0, 1, 3, 2).reshape(b * t * 2, t)
    return tuple(_gather_all(cidx, rank,
                             map2d.reshape(b * n, d),
                             off_rows,
                             tmap.reshape(b * n // 128, 128)))

# --- scband reference (transcript-rebuilt; emitter-appended) ---
"""Pipeline reference for scband-proposal-sampling-11759620456745 (READ-ONLY COPY).

The authoritative reference and input builder live on the scoring server;
editing this copy changes nothing except your own understanding.
"""

import jax, jax.numpy as jnp
import numpy as np

MAX_NUM = 512

def setup_inputs(seed: int = 0) -> dict:
    key = jax.random.key(seed)
    k1, k2, k3, k4 = jax.random.split(key, 4)
    B, T, D = 16, 128, 256
    return {
        "selection_logit": jax.random.normal(k1, (B, T, T), dtype=jnp.float32),
        "map2d": jax.random.normal(k2, (B, T, T, D), dtype=jnp.float32),
        "offset_gt": jax.random.normal(k3, (B, T, T, 2), dtype=jnp.float32),
        "tmap": jax.random.normal(k4, (B, T, T), dtype=jnp.float32),
    }


def reference(selection_logit, map2d, offset_gt, tmap):
    # With continuous random logits, every grid entry is nonzero with prob 1,
    # so torch's nonzero() enumerates all T*T cells; sort-descending + take
    # first max_num is exactly top_k over the flattened score map.
    B, T, _ = selection_logit.shape

    def per_b(logit_b, map_b, off_b, tmap_b):
        scores = logit_b.reshape(-1)
        vals, idx = jax.lax.top_k(scores, MAX_NUM)
        rows = idx // T
        cols = idx % T
        # torch code does grids[:,1] += 1 then indexes with col-1, so feature
        # gathers use (rows, cols) while pred_s_e reports (rows, cols+1).
        segs = map_b[rows, cols]
        off = off_b[rows, cols]
        sc = tmap_b[rows, cols]
        pred = jnp.stack([rows, cols + 1], axis=1)
        return segs, pred, off, sc

    prop_lists, pred_s_e, offset_gt_list, pred_score = jax.vmap(per_b)(
        selection_logit, map2d, offset_gt, tmap
    )
    # padding=False path: equal-length per-batch lists, stacked along batch dim.
    return prop_lists, pred_s_e, offset_gt_list, pred_score

if __name__ == "__main__":
    import jax
    _d = setup_inputs()
    print(jax.jit(kernel)(*tuple(_d.values())))

</pallas_src>

<mosaic_0001>
#map = affine_map<(d0, d1) -> (0, 0, 0)>
#map1 = affine_map<(d0, d1) -> (0, 0)>
module attributes {stable_mosaic.version = 14 : i64} {
  func.func @run(%arg0: i32, %arg1: i32, %arg2: memref<16x128x128xf32, #tpu.memory_space<hbm>>, %arg3: memref<2048x128xi32, #tpu.memory_space<hbm>>, %arg4: memref<16x640xf32, #tpu.memory_space<hbm>>, %arg5: memref<16x640xi32, #tpu.memory_space<hbm>>, %arg6: memref<128x128xf32, #tpu.memory_space<vmem>>, %arg7: memref<128x128xi32, #tpu.memory_space<vmem>>, %arg8: memref<656xf32, #tpu.memory_space<vmem>>, %arg9: memref<656xi32, #tpu.memory_space<vmem>>, %arg10: memref<!tpu.dma_semaphore, #tpu.memory_space<semaphore_mem>>) attributes {dimension_semantics = [#tpu.dimension_semantics<core_parallel>, #tpu.dimension_semantics<subcore_parallel>], iteration_bounds = array<i64: 2, 16>, scalar_prefetch = 0 : i64, scratch_operands = 5 : i64, tpu.core_type = #tpu.core_type<sc_vector_subcore>, window_params = [{transform_indices = #map}, {transform_indices = #map1}, {transform_indices = #map1}, {transform_indices = #map1}]} {
    %eq3A = arith.constant 0 : i32
    %eq3A_0 = arith.cmpi eq, %arg0, %eq3A : i32
    %convert_element_type3A = arith.extui %eq3A_0 : i1 to i32
    %cond3A = arith.constant 0 : i32
    %cond3A_1 = arith.cmpi ne, %convert_element_type3A, %cond3A : i32
    scf.if %cond3A_1 {
      %mul3A = arith.constant 128 : i32
      %mul3A_2 = arith.muli %arg1, %mul3A : i32
      %dma_start3A = arith.constant 0 : i32
      %dma_start3A_3 = tpu.memref_slice %arg3[%mul3A_2, %dma_start3A] : memref<2048x128xi32, #tpu.memory_space<hbm>> -> memref<128x128xi32, #tpu.memory_space<hbm>>
      %dma_start3A_4 = arith.constant 0 : i32
      %dma_start3A_5 = tpu.memref_slice %arg3[%mul3A_2, %dma_start3A_4] : memref<2048x128xi32, #tpu.memory_space<hbm>> -> memref<128x128xi32, #tpu.memory_space<hbm>>
      tpu.enqueue_dma source(%dma_start3A_5 : memref<128x128xi32, #tpu.memory_space<hbm>>) target(%arg7 : memref<128x128xi32, #tpu.memory_space<vmem>>) target_semaphore(%arg10 : memref<!tpu.dma_semaphore, #tpu.memory_space<semaphore_mem>>)
      "tpu.region"() ({
        %run_scoped3A = tpu.sem_alloc : memref<!tpu.dma_semaphore, #tpu.memory_space<semaphore_mem>>
        %dma_start3A_20 = arith.constant 0 : i32
        %dma_start3A_21 = arith.constant 0 : i32
        %dma_start3A_22 = tpu.memref_slice %arg2[%arg1, %dma_start3A_20, %dma_start3A_21] : memref<16x128x128xf32, #tpu.memory_space<hbm>> -> memref<1x128x128xf32, #tpu.memory_space<hbm>>
        %dma_start3A_23 = tpu.memref_squeeze %dma_start3A_22 : memref<1x128x128xf32, #tpu.memory_space<hbm>> -> memref<128x128xf32, #tpu.memory_space<hbm>>
        %dma_start3A_24 = arith.constant 0 : i32
        %dma_start3A_25 = arith.constant 0 : i32
        %dma_start3A_26 = tpu.memref_slice %arg2[%arg1, %dma_start3A_24, %dma_start3A_25] : memref<16x128x128xf32, #tpu.memory_space<hbm>> -> memref<1x128x128xf32, #tpu.memory_space<hbm>>
        %dma_start3A_27 = tpu.memref_squeeze %dma_start3A_26 : memref<1x128x128xf32, #tpu.memory_space<hbm>> -> memref<128x128xf32, #tpu.memory_space<hbm>>
        tpu.enqueue_dma source(%dma_start3A_27 : memref<128x128xf32, #tpu.memory_space<hbm>>) target(%arg6 : memref<128x128xf32, #tpu.memory_space<vmem>>) target_semaphore(%run_scoped3A : memref<!tpu.dma_semaphore, #tpu.memory_space<semaphore_mem>>)
        %dma_wait3A_28 = arith.constant 0 : i32
        %dma_wait3A_29 = arith.constant 0 : i32
        %dma_wait3A_30 = tpu.memref_slice %arg2[%arg1, %dma_wait3A_28, %dma_wait3A_29] : memref<16x128x128xf32, #tpu.memory_space<hbm>> -> memref<1x128x128xf32, #tpu.memory_space<hbm>>
        %dma_wait3A_31 = tpu.memref_squeeze %dma_wait3A_30 : memref<1x128x128xf32, #tpu.memory_space<hbm>> -> memref<128x128xf32, #tpu.memory_space<hbm>>
        %dma_wait3A_32 = arith.constant 0 : i32
        %dma_wait3A_33 = arith.constant 0 : i32
        %dma_wait3A_34 = tpu.memref_slice %arg2[%arg1, %dma_wait3A_32, %dma_wait3A_33] : memref<16x128x128xf32, #tpu.memory_space<hbm>> -> memref<1x128x128xf32, #tpu.memory_space<hbm>>
        %dma_wait3A_35 = tpu.memref_squeeze %dma_wait3A_34 : memref<1x128x128xf32, #tpu.memory_space<hbm>> -> memref<128x128xf32, #tpu.memory_space<hbm>>
        tpu.wait_dma2 semaphore(%run_scoped3A : memref<!tpu.dma_semaphore, #tpu.memory_space<semaphore_mem>>) src(%dma_wait3A_35 : memref<128x128xf32, #tpu.memory_space<hbm>>) dst(%arg6 : memref<128x128xf32, #tpu.memory_space<vmem>>)
        tpu.yield
      }) : () -> ()
      %dma_wait3A = arith.constant 0 : i32
      %dma_wait3A_6 = tpu.memref_slice %arg3[%mul3A_2, %dma_wait3A] : memref<2048x128xi32, #tpu.memory_space<hbm>> -> memref<128x128xi32, #tpu.memory_space<hbm>>
      %dma_wait3A_7 = arith.constant 0 : i32
      %dma_wait3A_8 = tpu.memref_slice %arg3[%mul3A_2, %dma_wait3A_7] : memref<2048x128xi32, #tpu.memory_space<hbm>> -> memref<128x128xi32, #tpu.memory_space<hbm>>
      tpu.wait_dma2 semaphore(%arg10 : memref<!tpu.dma_semaphore, #tpu.memory_space<semaphore_mem>>) src(%dma_wait3A_8 : memref<128x128xi32, #tpu.memory_space<hbm>>) dst(%arg7 : memref<128x128xi32, #tpu.memory_space<vmem>>)
      %iota3A = tpu.iota {dimensions = array<i32: 0>} : vector<16xi32>
      %scan3A = arith.constant 0 : i32
      %scan3A_9 = arith.constant 0 : i32
      %scan3A_10 = arith.constant 41 : i32
      %scan3A_11 = arith.addi %scan3A_9, %scan3A_10 : i32
      %scan3A_12 = arith.constant 1 : i32
      scf.for %scan3A_20 = %scan3A_9 to %scan3A_11 step %scan3A_12  : i32 {
        %broadcast_in_dim3A = arith.constant 0xFF800000 : f32
        %broadcast_in_dim3A_21 = vector.broadcast %broadcast_in_dim3A : f32 to vector<16xf32>
        %mul3A_22 = arith.constant 16 : i32
        %mul3A_23 = arith.muli %scan3A_20, %mul3A_22 : i32
        %swap3A = arith.index_cast %mul3A_23 : i32 to index
        %swap3A_24 = tpu.vector_load %arg8[%swap3A] {strides = array<i32>} : memref<656xf32, #tpu.memory_space<vmem>>, vector<16xf32>,
        tpu.vector_store %arg8[%swap3A], %broadcast_in_dim3A_21 {strides = array<i32>} : memref<656xf32, #tpu.memory_space<vmem>>, vector<16xf32>,
        %broadcast_in_dim3A_25 = arith.constant 536870912 : i32
        %broadcast_in_dim3A_26 = vector.broadcast %broadcast_in_dim3A_25 : i32 to vector<16xi32>
        %mul3A_27 = arith.constant 16 : i32
        %mul3A_28 = arith.muli %scan3A_20, %mul3A_27 : i32
        %swap3A_29 = arith.index_cast %mul3A_28 : i32 to index
        %swap3A_30 = tpu.vector_load %arg9[%swap3A_29] {strides = array<i32>} : memref<656xi32, #tpu.memory_space<vmem>>, vector<16xi32>,
        tpu.vector_store %arg9[%swap3A_29], %broadcast_in_dim3A_26 {strides = array<i32>} : memref<656xi32, #tpu.memory_space<vmem>>, vector<16xi32>,
      }
      %scan3A_13 = arith.constant 41 : i32
      %scan3A_14 = arith.constant 0 : i32
      %scan3A_15 = arith.constant 0 : i32
      %scan3A_16 = arith.constant 1024 : i32
      %scan3A_17 = arith.addi %scan3A_15, %scan3A_16 : i32
      %scan3A_18 = arith.constant 1 : i32
      scf.for %scan3A_20 = %scan3A_15 to %scan3A_17 step %scan3A_18  : i32 {
        %shift_right_arithmetic3A = arith.constant 3 : i32
        %shift_right_arithmetic3A_21 = arith.shrsi %scan3A_20, %shift_right_arithmetic3A : i32
        %and3A = arith.constant 7 : i32
        %and3A_22 = arith.andi %scan3A_20, %and3A : i32
        %mul3A_23 = arith.constant 16 : i32
        %mul3A_24 = arith.muli %and3A_22, %mul3A_23 : i32
        %get3A = arith.index_cast %shift_right_arithmetic3A_21 : i32 to index
        %get3A_25 = arith.index_cast %mul3A_24 : i32 to index
        %get3A_26 = tpu.vector_load %arg6[%get3A, %get3A_25] {strides = array<i32>} : memref<128x128xf32, #tpu.memory_space<vmem>>, vector<16xf32>,
        %get3A_27 = arith.index_cast %shift_right_arithmetic3A_21 : i32 to index
        %get3A_28 = arith.index_cast %mul3A_24 : i32 to index
        %get3A_29 = tpu.vector_load %arg7[%get3A_27, %get3A_28] {strides = array<i32>} : memref<128x128xi32, #tpu.memory_space<vmem>>, vector<16xi32>,
        %lt3A = arith.constant 640 : i32
        %lt3A_30 = vector.broadcast %lt3A : i32 to vector<16xi32>
        %lt3A_31 = arith.cmpi slt, %get3A_29, %lt3A_30 : vector<16xi32>
        tpu.vector_store_idx %arg8[%get3A_29], %get3A_26 masked %lt3A_31 : memref<656xf32, #tpu.memory_space<vmem>>[vector<16xi32>], vector<16xf32>, vector<16xi1>
        %mul3A_32 = arith.constant 16 : i32
        %mul3A_33 = arith.muli %scan3A_20, %mul3A_32 : i32
        %add3A = vector.broadcast %mul3A_33 : i32 to vector<16xi32>
        %add3A_34 = arith.addi %iota3A, %add3A : vector<16xi32>
        tpu.vector_store_idx %arg9[%get3A_29], %add3A_34 masked %lt3A_31 : memref<656xi32, #tpu.memory_space<vmem>>[vector<16xi32>], vector<16xi32>, vector<16xi1>
      }
      %scan3A_19 = arith.constant 1024 : i32
      "tpu.region"() ({
        %run_scoped3A = tpu.sem_alloc : memref<!tpu.dma_semaphore, #tpu.memory_space<semaphore_mem>>
        %dma_start3A_20 = arith.constant 0 : i32
        %dma_start3A_21 = tpu.memref_slice %arg8[%dma_start3A_20] : memref<656xf32, #tpu.memory_space<vmem>> -> memref<640xf32, #tpu.memory_space<vmem>>
        %dma_start3A_22 = arith.constant 0 : i32
        %dma_start3A_23 = tpu.memref_slice %arg4[%arg1, %dma_start3A_22] : memref<16x640xf32, #tpu.memory_space<hbm>> -> memref<1x640xf32, #tpu.memory_space<hbm>>
        %dma_start3A_24 = tpu.memref_squeeze %dma_start3A_23 : memref<1x640xf32, #tpu.memory_space<hbm>> -> memref<640xf32, #tpu.memory_space<hbm>>
        %dma_start3A_25 = arith.constant 0 : i32
        %dma_start3A_26 = tpu.memref_slice %arg4[%arg1, %dma_start3A_25] : memref<16x640xf32, #tpu.memory_space<hbm>> -> memref<1x640xf32, #tpu.memory_space<hbm>>
        %dma_start3A_27 = tpu.memref_squeeze %dma_start3A_26 : memref<1x640xf32, #tpu.memory_space<hbm>> -> memref<640xf32, #tpu.memory_space<hbm>>
        %dma_start3A_28 = arith.constant 0 : i32
        %dma_start3A_29 = tpu.memref_slice %arg8[%dma_start3A_28] : memref<656xf32, #tpu.memory_space<vmem>> -> memref<640xf32, #tpu.memory_space<vmem>>
        tpu.enqueue_dma source(%dma_start3A_29 : memref<640xf32, #tpu.memory_space<vmem>>) target(%dma_start3A_27 : memref<640xf32, #tpu.memory_space<hbm>>) target_semaphore(%run_scoped3A : memref<!tpu.dma_semaphore, #tpu.memory_space<semaphore_mem>>)
        %dma_wait3A_30 = arith.constant 0 : i32
        %dma_wait3A_31 = tpu.memref_slice %arg8[%dma_wait3A_30] : memref<656xf32, #tpu.memory_space<vmem>> -> memref<640xf32, #tpu.memory_space<vmem>>
        %dma_wait3A_32 = arith.constant 0 : i32
        %dma_wait3A_33 = tpu.memref_slice %arg4[%arg1, %dma_wait3A_32] : memref<16x640xf32, #tpu.memory_space<hbm>> -> memref<1x640xf32, #tpu.memory_space<hbm>>
        %dma_wait3A_34 = tpu.memref_squeeze %dma_wait3A_33 : memref<1x640xf32, #tpu.memory_space<hbm>> -> memref<640xf32, #tpu.memory_space<hbm>>
        %dma_wait3A_35 = arith.constant 0 : i32
        %dma_wait3A_36 = tpu.memref_slice %arg4[%arg1, %dma_wait3A_35] : memref<16x640xf32, #tpu.memory_space<hbm>> -> memref<1x640xf32, #tpu.memory_space<hbm>>
        %dma_wait3A_37 = tpu.memref_squeeze %dma_wait3A_36 : memref<1x640xf32, #tpu.memory_space<hbm>> -> memref<640xf32, #tpu.memory_space<hbm>>
        %dma_wait3A_38 = arith.constant 0 : i32
        %dma_wait3A_39 = tpu.memref_slice %arg8[%dma_wait3A_38] : memref<656xf32, #tpu.memory_space<vmem>> -> memref<640xf32, #tpu.memory_space<vmem>>
        tpu.wait_dma2 semaphore(%run_scoped3A : memref<!tpu.dma_semaphore, #tpu.memory_space<semaphore_mem>>) src(%dma_wait3A_39 : memref<640xf32, #tpu.memory_space<vmem>>) dst(%dma_wait3A_37 : memref<640xf32, #tpu.memory_space<hbm>>)
        tpu.yield
      }) : () -> ()
      "tpu.region"() ({
        %run_scoped3A = tpu.sem_alloc : memref<!tpu.dma_semaphore, #tpu.memory_space<semaphore_mem>>
        %dma_start3A_20 = arith.constant 0 : i32
        %dma_start3A_21 = tpu.memref_slice %arg9[%dma_start3A_20] : memref<656xi32, #tpu.memory_space<vmem>> -> memref<640xi32, #tpu.memory_space<vmem>>
        %dma_start3A_22 = arith.constant 0 : i32
        %dma_start3A_23 = tpu.memref_slice %arg5[%arg1, %dma_start3A_22] : memref<16x640xi32, #tpu.memory_space<hbm>> -> memref<1x640xi32, #tpu.memory_space<hbm>>
        %dma_start3A_24 = tpu.memref_squeeze %dma_start3A_23 : memref<1x640xi32, #tpu.memory_space<hbm>> -> memref<640xi32, #tpu.memory_space<hbm>>
        %dma_start3A_25 = arith.constant 0 : i32
        %dma_start3A_26 = tpu.memref_slice %arg5[%arg1, %dma_start3A_25] : memref<16x640xi32, #tpu.memory_space<hbm>> -> memref<1x640xi32, #tpu.memory_space<hbm>>
        %dma_start3A_27 = tpu.memref_squeeze %dma_start3A_26 : memref<1x640xi32, #tpu.memory_space<hbm>> -> memref<640xi32, #tpu.memory_space<hbm>>
        %dma_start3A_28 = arith.constant 0 : i32
        %dma_start3A_29 = tpu.memref_slice %arg9[%dma_start3A_28] : memref<656xi32, #tpu.memory_space<vmem>> -> memref<640xi32, #tpu.memory_space<vmem>>
        tpu.enqueue_dma source(%dma_start3A_29 : memref<640xi32, #tpu.memory_space<vmem>>) target(%dma_start3A_27 : memref<640xi32, #tpu.memory_space<hbm>>) target_semaphore(%run_scoped3A : memref<!tpu.dma_semaphore, #tpu.memory_space<semaphore_mem>>)
        %dma_wait3A_30 = arith.constant 0 : i32
        %dma_wait3A_31 = tpu.memref_slice %arg9[%dma_wait3A_30] : memref<656xi32, #tpu.memory_space<vmem>> -> memref<640xi32, #tpu.memory_space<vmem>>
        %dma_wait3A_32 = arith.constant 0 : i32
        %dma_wait3A_33 = tpu.memref_slice %arg5[%arg1, %dma_wait3A_32] : memref<16x640xi32, #tpu.memory_space<hbm>> -> memref<1x640xi32, #tpu.memory_space<hbm>>
        %dma_wait3A_34 = tpu.memref_squeeze %dma_wait3A_33 : memref<1x640xi32, #tpu.memory_space<hbm>> -> memref<640xi32, #tpu.memory_space<hbm>>
        %dma_wait3A_35 = arith.constant 0 : i32
        %dma_wait3A_36 = tpu.memref_slice %arg5[%arg1, %dma_wait3A_35] : memref<16x640xi32, #tpu.memory_space<hbm>> -> memref<1x640xi32, #tpu.memory_space<hbm>>
        %dma_wait3A_37 = tpu.memref_squeeze %dma_wait3A_36 : memref<1x640xi32, #tpu.memory_space<hbm>> -> memref<640xi32, #tpu.memory_space<hbm>>
        %dma_wait3A_38 = arith.constant 0 : i32
        %dma_wait3A_39 = tpu.memref_slice %arg9[%dma_wait3A_38] : memref<656xi32, #tpu.memory_space<vmem>> -> memref<640xi32, #tpu.memory_space<vmem>>
        tpu.wait_dma2 semaphore(%run_scoped3A : memref<!tpu.dma_semaphore, #tpu.memory_space<semaphore_mem>>) src(%dma_wait3A_39 : memref<640xi32, #tpu.memory_space<vmem>>) dst(%dma_wait3A_37 : memref<640xi32, #tpu.memory_space<hbm>>)
        tpu.yield
      }) : () -> ()
    } else {
    }
    return
  }
}

#map = affine_map<(d0, d1) -> (0, 0)>
#map1 = affine_map<(d0, d1) -> (0, 0, 0)>
module attributes {stable_mosaic.version = 14 : i64} {
  func.func @run(%arg0: i32, %arg1: i32, %arg2: memref<16x640xi32, #tpu.memory_space<hbm>>, %arg3: memref<16x640xi32, #tpu.memory_space<hbm>>, %arg4: memref<262144x256xf32, #tpu.memory_space<hbm>>, %arg5: memref<4096x128xf32, #tpu.memory_space<hbm>>, %arg6: memref<2048x128xf32, #tpu.memory_space<hbm>>, %arg7: memref<16x512x256xf32, #tpu.memory_space<hbm>>, %arg8: memref<16x512x2xi32, #tpu.memory_space<hbm>>, %arg9: memref<16x512x2xf32, #tpu.memory_space<hbm>>, %arg10: memref<16x512xf32, #tpu.memory_space<hbm>>, %arg11: memref<640xi32, #tpu.memory_space<vmem>>, %arg12: memref<640xi32, #tpu.memory_space<vmem>>, %arg13: memref<4x64xi32, #tpu.memory_space<vmem>>, %arg14: memref<256xi32, #tpu.memory_space<vmem>>, %arg15: memref<4x128xi32, #tpu.memory_space<vmem>>, %arg16: memref<2x128xi32, #tpu.memory_space<vmem>>, %arg17: memref<64x256xf32, #tpu.memory_space<vmem>>, %arg18: memref<64x256xf32, #tpu.memory_space<vmem>>, %arg19: memref<128x128xf32, #tpu.memory_space<vmem>>, %arg20: memref<256x2xf32, #tpu.memory_space<vmem>>, %arg21: memref<256xf32, #tpu.memory_space<vmem>>, %arg22: memref<256x2xi32, #tpu.memory_space<vmem>>, %arg23: memref<!tpu.dma_semaphore, #tpu.memory_space<semaphore_mem>>, %arg24: memref<!tpu.dma_semaphore, #tpu.memory_space<semaphore_mem>>, %arg25: memref<!tpu.dma_semaphore, #tpu.memory_space<semaphore_mem>>, %arg26: memref<!tpu.dma_semaphore, #tpu.memory_space<semaphore_mem>>) attributes {dimension_semantics = [#tpu.dimension_semantics<core_parallel>, #tpu.dimension_semantics<subcore_parallel>], iteration_bounds = array<i64: 2, 16>, scalar_prefetch = 0 : i64, scratch_operands = 16 : i64, tpu.core_type = #tpu.core_type<sc_vector_subcore>, window_params = [{transform_indices = #map}, {transform_indices = #map}, {transform_indices = #map}, {transform_indices = #map}, {transform_indices = #map}, {transform_indices = #map1}, {transform_indices = #map1}, {transform_indices = #map1}, {transform_indices = #map}]} {
    %mul3A = arith.constant 256 : i32
    %mul3A_0 = arith.muli %arg0, %mul3A : i32
    "tpu.region"() ({
      %run_scoped3A = tpu.sem_alloc : memref<!tpu.dma_semaphore, #tpu.memory_space<semaphore_mem>>
      %dma_start3A_964 = arith.constant 0 : i32
      %dma_start3A_965 = tpu.memref_slice %arg2[%arg1, %dma_start3A_964] : memref<16x640xi32, #tpu.memory_space<hbm>> -> memref<1x640xi32, #tpu.memory_space<hbm>>
      %dma_start3A_966 = tpu.memref_squeeze %dma_start3A_965 : memref<1x640xi32, #tpu.memory_space<hbm>> -> memref<640xi32, #tpu.memory_space<hbm>>
      %dma_start3A_967 = arith.constant 0 : i32
      %dma_start3A_968 = tpu.memref_slice %arg2[%arg1, %dma_start3A_967] : memref<16x640xi32, #tpu.memory_space<hbm>> -> memref<1x640xi32, #tpu.memory_space<hbm>>
      %dma_start3A_969 = tpu.memref_squeeze %dma_start3A_968 : memref<1x640xi32, #tpu.memory_space<hbm>> -> memref<640xi32, #tpu.memory_space<hbm>>
      tpu.enqueue_dma source(%dma_start3A_969 : memref<640xi32, #tpu.memory_space<hbm>>) target(%arg11 : memref<640xi32, #tpu.memory_space<vmem>>) target_semaphore(%run_scoped3A : memref<!tpu.dma_semaphore, #tpu.memory_space<semaphore_mem>>)
      %dma_wait3A_970 = arith.constant 0 : i32
      %dma_wait3A_971 = tpu.memref_slice %arg2[%arg1, %dma_wait3A_970] : memref<16x640xi32, #tpu.memory_space<hbm>> -> memref<1x640xi32, #tpu.memory_space<hbm>>
      %dma_wait3A_972 = tpu.memref_squeeze %dma_wait3A_971 : memref<1x640xi32, #tpu.memory_space<hbm>> -> memref<640xi32, #tpu.memory_space<hbm>>
      %dma_wait3A_973 = arith.constant 0 : i32
      %dma_wait3A_974 = tpu.memref_slice %arg2[%arg1, %dma_wait3A_973] : memref<16x640xi32, #tpu.memory_space<hbm>> -> memref<1x640xi32, #tpu.memory_space<hbm>>
      %dma_wait3A_975 = tpu.memref_squeeze %dma_wait3A_974 : memref<1x640xi32, #tpu.memory_space<hbm>> -> memref<640xi32, #tpu.memory_space<hbm>>
      tpu.wait_dma2 semaphore(%run_scoped3A : memref<!tpu.dma_semaphore, #tpu.memory_space<semaphore_mem>>) src(%dma_wait3A_975 : memref<640xi32, #tpu.memory_space<hbm>>) dst(%arg11 : memref<640xi32, #tpu.memory_space<vmem>>)
      tpu.yield
    }) : () -> ()
    "tpu.region"() ({
      %run_scoped3A = tpu.sem_alloc : memref<!tpu.dma_semaphore, #tpu.memory_space<semaphore_mem>>
      %dma_start3A_964 = arith.constant 0 : i32
      %dma_start3A_965 = tpu.memref_slice %arg3[%arg1, %dma_start3A_964] : memref<16x640xi32, #tpu.memory_space<hbm>> -> memref<1x640xi32, #tpu.memory_space<hbm>>
      %dma_start3A_966 = tpu.memref_squeeze %dma_start3A_965 : memref<1x640xi32, #tpu.memory_space<hbm>> -> memref<640xi32, #tpu.memory_space<hbm>>
      %dma_start3A_967 = arith.constant 0 : i32
      %dma_start3A_968 = tpu.memref_slice %arg3[%arg1, %dma_start3A_967] : memref<16x640xi32, #tpu.memory_space<hbm>> -> memref<1x640xi32, #tpu.memory_space<hbm>>
      %dma_start3A_969 = tpu.memref_squeeze %dma_start3A_968 : memref<1x640xi32, #tpu.memory_space<hbm>> -> memref<640xi32, #tpu.memory_space<hbm>>
      tpu.enqueue_dma source(%dma_start3A_969 : memref<640xi32, #tpu.memory_space<hbm>>) target(%arg12 : memref<640xi32, #tpu.memory_space<vmem>>) target_semaphore(%run_scoped3A : memref<!tpu.dma_semaphore, #tpu.memory_space<semaphore_mem>>)
      %dma_wait3A_970 = arith.constant 0 : i32
      %dma_wait3A_971 = tpu.memref_slice %arg3[%arg1, %dma_wait3A_970] : memref<16x640xi32, #tpu.memory_space<hbm>> -> memref<1x640xi32, #tpu.memory_space<hbm>>
      %dma_wait3A_972 = tpu.memref_squeeze %dma_wait3A_971 : memref<1x640xi32, #tpu.memory_space<hbm>> -> memref<640xi32, #tpu.memory_space<hbm>>
      %dma_wait3A_973 = arith.constant 0 : i32
      %dma_wait3A_974 = tpu.memref_slice %arg3[%arg1, %dma_wait3A_973] : memref<16x640xi32, #tpu.memory_space<hbm>> -> memref<1x640xi32, #tpu.memory_space<hbm>>
      %dma_wait3A_975 = tpu.memref_squeeze %dma_wait3A_974 : memref<1x640xi32, #tpu.memory_space<hbm>> -> memref<640xi32, #tpu.memory_space<hbm>>
      tpu.wait_dma2 semaphore(%run_scoped3A : memref<!tpu.dma_semaphore, #tpu.memory_space<semaphore_mem>>) src(%dma_wait3A_975 : memref<640xi32, #tpu.memory_space<hbm>>) dst(%arg12 : memref<640xi32, #tpu.memory_space<vmem>>)
      tpu.yield
    }) : () -> ()
    %iota3A = tpu.iota {dimensions = array<i32: 0>} : vector<16xi32>
    %broadcast_in_dim3A = arith.constant 0 : i32
    %broadcast_in_dim3A_1 = vector.broadcast %broadcast_in_dim3A : i32 to vector<16xi32>
    %broadcast_in_dim3A_2 = arith.constant 1 : i32
    %broadcast_in_dim3A_3 = vector.broadcast %broadcast_in_dim3A_2 : i32 to vector<16xi32>
    %scan3A = arith.constant 0 : i32
    %scan3A_4 = arith.constant 0 : i32
    %scan3A_5 = arith.constant 40 : i32
    %scan3A_6 = arith.addi %scan3A_4, %scan3A_5 : i32
    %scan3A_7 = arith.constant 1 : i32
    scf.for %scan3A_964 = %scan3A_4 to %scan3A_6 step %scan3A_7  : i32 {
      %mul3A_965 = arith.constant 16 : i32
      %mul3A_966 = arith.muli %scan3A_964, %mul3A_965 : i32
      %get3A_967 = arith.index_cast %mul3A_966 : i32 to index
      %get3A_968 = tpu.vector_load %arg12[%get3A_967] {strides = array<i32>} : memref<640xi32, #tpu.memory_space<vmem>>, vector<16xi32>,
      %mul3A_969 = arith.constant 16 : i32
      %mul3A_970 = arith.muli %scan3A_964, %mul3A_969 : i32
      %get3A_971 = arith.index_cast %mul3A_970 : i32 to index
      %get3A_972 = tpu.vector_load %arg11[%get3A_971] {strides = array<i32>} : memref<640xi32, #tpu.memory_space<vmem>>, vector<16xi32>,
      %sub3A_973 = vector.broadcast %mul3A_0 : i32 to vector<16xi32>
      %sub3A_974 = arith.subi %get3A_968, %sub3A_973 : vector<16xi32>
      %ge3A = arith.constant 0 : i32
      %ge3A_975 = vector.broadcast %ge3A : i32 to vector<16xi32>
      %ge3A_976 = arith.cmpi sge, %sub3A_974, %ge3A_975 : vector<16xi32>
      %lt3A = arith.constant 256 : i32
      %lt3A_977 = vector.broadcast %lt3A : i32 to vector<16xi32>
      %lt3A_978 = arith.cmpi slt, %sub3A_974, %lt3A_977 : vector<16xi32>
      %and3A_979 = arith.andi %ge3A_976, %lt3A_978 : vector<16xi1>
      %and3A_980 = arith.constant 255 : i32
      %and3A_981 = vector.broadcast %and3A_980 : i32 to vector<16xi32>
      %and3A_982 = arith.andi %sub3A_974, %and3A_981 : vector<16xi32>
      %mul3A_983 = arith.constant 16384 : i32
      %mul3A_984 = arith.muli %arg1, %mul3A_983 : i32
      %add3A_985 = vector.broadcast %mul3A_984 : i32 to vector<16xi32>
      %add3A_986 = arith.addi %get3A_972, %add3A_985 : vector<16xi32>
      %and3A_987 = arith.constant 262143 : i32
      %and3A_988 = vector.broadcast %and3A_987 : i32 to vector<16xi32>
      %and3A_989 = arith.andi %add3A_986, %and3A_988 : vector<16xi32>
      %shift_right_arithmetic3A_990 = arith.constant 6 : i32
      %shift_right_arithmetic3A_991 = vector.broadcast %shift_right_arithmetic3A_990 : i32 to vector<16xi32>
      %shift_right_arithmetic3A_992 = arith.shrsi %and3A_982, %shift_right_arithmetic3A_991 : vector<16xi32>
      %and3A_993 = arith.constant 63 : i32
      %and3A_994 = vector.broadcast %and3A_993 : i32 to vector<16xi32>
      %and3A_995 = arith.andi %and3A_982, %and3A_994 : vector<16xi32>
      tpu.vector_store_idx %arg13[%shift_right_arithmetic3A_992, %and3A_995], %and3A_989 masked %and3A_979 : memref<4x64xi32, #tpu.memory_space<vmem>>[vector<16xi32>, vector<16xi32>], vector<16xi32>, vector<16xi1>
      tpu.vector_store_idx %arg14[%and3A_982], %and3A_989 masked %and3A_979 : memref<256xi32, #tpu.memory_space<vmem>>[vector<16xi32>], vector<16xi32>, vector<16xi1>
      %and3A_996 = arith.constant 63 : i32
      %and3A_997 = vector.broadcast %and3A_996 : i32 to vector<16xi32>
      %and3A_998 = arith.andi %and3A_982, %and3A_997 : vector<16xi32>
      %mul3A_999 = arith.constant 2 : i32
      %mul3A_1000 = vector.broadcast %mul3A_999 : i32 to vector<16xi32>
      %mul3A_1001 = arith.muli %and3A_998, %mul3A_1000 : vector<16xi32>
      %shift_right_arithmetic3A_1002 = arith.constant 6 : i32
      %shift_right_arithmetic3A_1003 = vector.broadcast %shift_right_arithmetic3A_1002 : i32 to vector<16xi32>
      %shift_right_arithmetic3A_1004 = arith.shrsi %and3A_982, %shift_right_arithmetic3A_1003 : vector<16xi32>
      %shift_right_arithmetic3A_1005 = arith.constant 7 : i32
      %shift_right_arithmetic3A_1006 = vector.broadcast %shift_right_arithmetic3A_1005 : i32 to vector<16xi32>
      %shift_right_arithmetic3A_1007 = arith.shrsi %and3A_989, %shift_right_arithmetic3A_1006 : vector<16xi32>
      %mul3A_1008 = arith.constant 2 : i32
      %mul3A_1009 = vector.broadcast %mul3A_1008 : i32 to vector<16xi32>
      %mul3A_1010 = arith.muli %shift_right_arithmetic3A_1007, %mul3A_1009 : vector<16xi32>
      tpu.vector_store_idx %arg15[%shift_right_arithmetic3A_1004, %mul3A_1001], %mul3A_1010 masked %and3A_979 : memref<4x128xi32, #tpu.memory_space<vmem>>[vector<16xi32>, vector<16xi32>], vector<16xi32>, vector<16xi1>
      %shift_right_arithmetic3A_1011 = arith.constant 6 : i32
      %shift_right_arithmetic3A_1012 = vector.broadcast %shift_right_arithmetic3A_1011 : i32 to vector<16xi32>
      %shift_right_arithmetic3A_1013 = arith.shrsi %and3A_982, %shift_right_arithmetic3A_1012 : vector<16xi32>
      %add3A_1014 = arith.constant 1 : i32
      %add3A_1015 = vector.broadcast %add3A_1014 : i32 to vector<16xi32>
      %add3A_1016 = arith.addi %mul3A_1001, %add3A_1015 : vector<16xi32>
      %shift_right_arithmetic3A_1017 = arith.constant 7 : i32
      %shift_right_arithmetic3A_1018 = vector.broadcast %shift_right_arithmetic3A_1017 : i32 to vector<16xi32>
      %shift_right_arithmetic3A_1019 = arith.shrsi %and3A_989, %shift_right_arithmetic3A_1018 : vector<16xi32>
      %mul3A_1020 = arith.constant 2 : i32
      %mul3A_1021 = vector.broadcast %mul3A_1020 : i32 to vector<16xi32>
      %mul3A_1022 = arith.muli %shift_right_arithmetic3A_1019, %mul3A_1021 : vector<16xi32>
      %add3A_1023 = arith.constant 1 : i32
      %add3A_1024 = vector.broadcast %add3A_1023 : i32 to vector<16xi32>
      %add3A_1025 = arith.addi %mul3A_1022, %add3A_1024 : vector<16xi32>
      tpu.vector_store_idx %arg15[%shift_right_arithmetic3A_1013, %add3A_1016], %add3A_1025 masked %and3A_979 : memref<4x128xi32, #tpu.memory_space<vmem>>[vector<16xi32>, vector<16xi32>], vector<16xi32>, vector<16xi1>
      %shift_right_arithmetic3A_1026 = arith.constant 7 : i32
      %shift_right_arithmetic3A_1027 = vector.broadcast %shift_right_arithmetic3A_1026 : i32 to vector<16xi32>
      %shift_right_arithmetic3A_1028 = arith.shrsi %and3A_982, %shift_right_arithmetic3A_1027 : vector<16xi32>
      %and3A_1029 = arith.constant 127 : i32
      %and3A_1030 = vector.broadcast %and3A_1029 : i32 to vector<16xi32>
      %and3A_1031 = arith.andi %and3A_982, %and3A_1030 : vector<16xi32>
      %shift_right_arithmetic3A_1032 = arith.constant 7 : i32
      %shift_right_arithmetic3A_1033 = vector.broadcast %shift_right_arithmetic3A_1032 : i32 to vector<16xi32>
      %shift_right_arithmetic3A_1034 = arith.shrsi %and3A_989, %shift_right_arithmetic3A_1033 : vector<16xi32>
      tpu.vector_store_idx %arg16[%shift_right_arithmetic3A_1028, %and3A_1031], %shift_right_arithmetic3A_1034 masked %and3A_979 : memref<2x128xi32, #tpu.memory_space<vmem>>[vector<16xi32>, vector<16xi32>], vector<16xi32>, vector<16xi1>
    }
    %scan3A_8 = arith.constant 40 : i32
    %dma_start3A = arith.constant 0 : i32
    %dma_start3A_9 = arith.constant 0 : i32
    %dma_start3A_10 = tpu.memref_slice %arg13[%dma_start3A, %dma_start3A_9] : memref<4x64xi32, #tpu.memory_space<vmem>> -> memref<1x64xi32, #tpu.memory_space<vmem>>
    %dma_start3A_11 = tpu.memref_squeeze %dma_start3A_10 : memref<1x64xi32, #tpu.memory_space<vmem>> -> memref<64xi32, #tpu.memory_space<vmem>>
    %dma_start3A_12 = arith.constant 0 : i32
    %dma_start3A_13 = arith.constant 0 : i32
    %dma_start3A_14 = tpu.memref_slice %arg4[%dma_start3A_12, %dma_start3A_13] : memref<262144x256xf32, #tpu.memory_space<hbm>> -> memref<262144x256xf32, #tpu.memory_space<hbm>>
    tpu.enqueue_indirect_dma source(%dma_start3A_14 : memref<262144x256xf32, #tpu.memory_space<hbm>>) target(%arg17 : memref<64x256xf32, #tpu.memory_space<vmem>>) offsets(%dma_start3A_11 : memref<64xi32, #tpu.memory_space<vmem>>) semaphore(%arg23 : memref<!tpu.dma_semaphore, #tpu.memory_space<semaphore_mem>>)
    %dma_start3A_15 = arith.constant 1 : i32
    %dma_start3A_16 = arith.constant 0 : i32
    %dma_start3A_17 = tpu.memref_slice %arg13[%dma_start3A_15, %dma_start3A_16] : memref<4x64xi32, #tpu.memory_space<vmem>> -> memref<1x64xi32, #tpu.memory_space<vmem>>
    %dma_start3A_18 = tpu.memref_squeeze %dma_start3A_17 : memref<1x64xi32, #tpu.memory_space<vmem>> -> memref<64xi32, #tpu.memory_space<vmem>>
    %dma_start3A_19 = arith.constant 0 : i32
    %dma_start3A_20 = arith.constant 0 : i32
    %dma_start3A_21 = tpu.memref_slice %arg4[%dma_start3A_19, %dma_start3A_20] : memref<262144x256xf32, #tpu.memory_space<hbm>> -> memref<262144x256xf32, #tpu.memory_space<hbm>>
    tpu.enqueue_indirect_dma source(%dma_start3A_21 : memref<262144x256xf32, #tpu.memory_space<hbm>>) target(%arg18 : memref<64x256xf32, #tpu.memory_space<vmem>>) offsets(%dma_start3A_18 : memref<64xi32, #tpu.memory_space<vmem>>) semaphore(%arg24 : memref<!tpu.dma_semaphore, #tpu.memory_space<semaphore_mem>>)
    %dma_start3A_22 = arith.constant 0 : i32
    %dma_start3A_23 = arith.constant 0 : i32
    %dma_start3A_24 = tpu.memref_slice %arg15[%dma_start3A_22, %dma_start3A_23] : memref<4x128xi32, #tpu.memory_space<vmem>> -> memref<1x128xi32, #tpu.memory_space<vmem>>
    %dma_start3A_25 = tpu.memref_squeeze %dma_start3A_24 : memref<1x128xi32, #tpu.memory_space<vmem>> -> memref<128xi32, #tpu.memory_space<vmem>>
    %dma_start3A_26 = arith.constant 0 : i32
    %dma_start3A_27 = arith.constant 0 : i32
    %dma_start3A_28 = tpu.memref_slice %arg5[%dma_start3A_26, %dma_start3A_27] : memref<4096x128xf32, #tpu.memory_space<hbm>> -> memref<4096x128xf32, #tpu.memory_space<hbm>>
    tpu.enqueue_indirect_dma source(%dma_start3A_28 : memref<4096x128xf32, #tpu.memory_space<hbm>>) target(%arg19 : memref<128x128xf32, #tpu.memory_space<vmem>>) offsets(%dma_start3A_25 : memref<128xi32, #tpu.memory_space<vmem>>) semaphore(%arg25 : memref<!tpu.dma_semaphore, #tpu.memory_space<semaphore_mem>>)
    %dma_wait3A = arith.constant 0 : i32
    %dma_wait3A_29 = arith.constant 0 : i32
    %dma_wait3A_30 = tpu.memref_slice %arg13[%dma_wait3A, %dma_wait3A_29] : memref<4x64xi32, #tpu.memory_space<vmem>> -> memref<1x64xi32, #tpu.memory_space<vmem>>
    %dma_wait3A_31 = tpu.memref_squeeze %dma_wait3A_30 : memref<1x64xi32, #tpu.memory_space<vmem>> -> memref<64xi32, #tpu.memory_space<vmem>>
    %dma_wait3A_32 = arith.constant 0 : i32
    %dma_wait3A_33 = arith.constant 0 : i32
    %dma_wait3A_34 = tpu.memref_slice %arg4[%dma_wait3A_32, %dma_wait3A_33] : memref<262144x256xf32, #tpu.memory_space<hbm>> -> memref<262144x256xf32, #tpu.memory_space<hbm>>
    tpu.wait_indirect_dma semaphore(%arg23 : memref<!tpu.dma_semaphore, #tpu.memory_space<semaphore_mem>>) src(%dma_wait3A_34 : memref<262144x256xf32, #tpu.memory_space<hbm>>) dst(%arg17 : memref<64x256xf32, #tpu.memory_space<vmem>>)
    %add3A = arith.constant 0 : i32
    %add3A_35 = arith.addi %mul3A_0, %add3A : i32
    "tpu.region"() ({
      %run_scoped3A = tpu.sem_alloc : memref<!tpu.dma_semaphore, #tpu.memory_space<semaphore_mem>>
      %dma_start3A_964 = arith.constant 0 : i32
      %dma_start3A_965 = tpu.memref_slice %arg7[%arg1, %add3A_35, %dma_start3A_964] : memref<16x512x256xf32, #tpu.memory_space<hbm>> -> memref<1x64x256xf32, #tpu.memory_space<hbm>>
      %dma_start3A_966 = tpu.memref_squeeze %dma_start3A_965 : memref<1x64x256xf32, #tpu.memory_space<hbm>> -> memref<64x256xf32, #tpu.memory_space<hbm>>
      %dma_start3A_967 = arith.constant 0 : i32
      %dma_start3A_968 = tpu.memref_slice %arg7[%arg1, %add3A_35, %dma_start3A_967] : memref<16x512x256xf32, #tpu.memory_space<hbm>> -> memref<1x64x256xf32, #tpu.memory_space<hbm>>
      %dma_start3A_969 = tpu.memref_squeeze %dma_start3A_968 : memref<1x64x256xf32, #tpu.memory_space<hbm>> -> memref<64x256xf32, #tpu.memory_space<hbm>>
      tpu.enqueue_dma source(%arg17 : memref<64x256xf32, #tpu.memory_space<vmem>>) target(%dma_start3A_969 : memref<64x256xf32, #tpu.memory_space<hbm>>) target_semaphore(%run_scoped3A : memref<!tpu.dma_semaphore, #tpu.memory_space<semaphore_mem>>)
      %dma_wait3A_970 = arith.constant 0 : i32
      %dma_wait3A_971 = tpu.memref_slice %arg7[%arg1, %add3A_35, %dma_wait3A_970] : memref<16x512x256xf32, #tpu.memory_space<hbm>> -> memref<1x64x256xf32, #tpu.memory_space<hbm>>
      %dma_wait3A_972 = tpu.memref_squeeze %dma_wait3A_971 : memref<1x64x256xf32, #tpu.memory_space<hbm>> -> memref<64x256xf32, #tpu.memory_space<hbm>>
      %dma_wait3A_973 = arith.constant 0 : i32
      %dma_wait3A_974 = tpu.memref_slice %arg7[%arg1, %add3A_35, %dma_wait3A_973] : memref<16x512x256xf32, #tpu.memory_space<hbm>> -> memref<1x64x256xf32, #tpu.memory_space<hbm>>
      %dma_wait3A_975 = tpu.memref_squeeze %dma_wait3A_974 : memref<1x64x256xf32, #tpu.memory_space<hbm>> -> memref<64x256xf32, #tpu.memory_space<hbm>>
      tpu.wait_dma2 semaphore(%run_scoped3A : memref<!tpu.dma_semaphore, #tpu.memory_space<semaphore_mem>>) src(%arg17 : memref<64x256xf32, #tpu.memory_space<vmem>>) dst(%dma_wait3A_975 : memref<64x256xf32, #tpu.memory_space<hbm>>)
      tpu.yield
    }) : () -> ()
    %dma_start3A_36 = arith.constant 2 : i32
    %dma_start3A_37 = arith.constant 0 : i32
    %dma_start3A_38 = tpu.memref_slice %arg13[%dma_start3A_36, %dma_start3A_37] : memref<4x64xi32, #tpu.memory_space<vmem>> -> memref<1x64xi32, #tpu.memory_space<vmem>>
    %dma_start3A_39 = tpu.memref_squeeze %dma_start3A_38 : memref<1x64xi32, #tpu.memory_space<vmem>> -> memref<64xi32, #tpu.memory_space<vmem>>
    %dma_start3A_40 = arith.constant 0 : i32
    %dma_start3A_41 = arith.constant 0 : i32
    %dma_start3A_42 = tpu.memref_slice %arg4[%dma_start3A_40, %dma_start3A_41] : memref<262144x256xf32, #tpu.memory_space<hbm>> -> memref<262144x256xf32, #tpu.memory_space<hbm>>
    tpu.enqueue_indirect_dma source(%dma_start3A_42 : memref<262144x256xf32, #tpu.memory_space<hbm>>) target(%arg17 : memref<64x256xf32, #tpu.memory_space<vmem>>) offsets(%dma_start3A_39 : memref<64xi32, #tpu.memory_space<vmem>>) semaphore(%arg23 : memref<!tpu.dma_semaphore, #tpu.memory_space<semaphore_mem>>)
    %dma_wait3A_43 = arith.constant 1 : i32
    %dma_wait3A_44 = arith.constant 0 : i32
    %dma_wait3A_45 = tpu.memref_slice %arg13[%dma_wait3A_43, %dma_wait3A_44] : memref<4x64xi32, #tpu.memory_space<vmem>> -> memref<1x64xi32, #tpu.memory_space<vmem>>
    %dma_wait3A_46 = tpu.memref_squeeze %dma_wait3A_45 : memref<1x64xi32, #tpu.memory_space<vmem>> -> memref<64xi32, #tpu.memory_space<vmem>>
    %dma_wait3A_47 = arith.constant 0 : i32
    %dma_wait3A_48 = arith.constant 0 : i32
    %dma_wait3A_49 = tpu.memref_slice %arg4[%dma_wait3A_47, %dma_wait3A_48] : memref<262144x256xf32, #tpu.memory_space<hbm>> -> memref<262144x256xf32, #tpu.memory_space<hbm>>
    tpu.wait_indirect_dma semaphore(%arg24 : memref<!tpu.dma_semaphore, #tpu.memory_space<semaphore_mem>>) src(%dma_wait3A_49 : memref<262144x256xf32, #tpu.memory_space<hbm>>) dst(%arg18 : memref<64x256xf32, #tpu.memory_space<vmem>>)
    %add3A_50 = arith.constant 64 : i32
    %add3A_51 = arith.addi %mul3A_0, %add3A_50 : i32
    "tpu.region"() ({
      %run_scoped3A = tpu.sem_alloc : memref<!tpu.dma_semaphore, #tpu.memory_space<semaphore_mem>>
      %dma_start3A_964 = arith.constant 0 : i32
      %dma_start3A_965 = tpu.memref_slice %arg7[%arg1, %add3A_51, %dma_start3A_964] : memref<16x512x256xf32, #tpu.memory_space<hbm>> -> memref<1x64x256xf32, #tpu.memory_space<hbm>>
      %dma_start3A_966 = tpu.memref_squeeze %dma_start3A_965 : memref<1x64x256xf32, #tpu.memory_space<hbm>> -> memref<64x256xf32, #tpu.memory_space<hbm>>
      %dma_start3A_967 = arith.constant 0 : i32
      %dma_start3A_968 = tpu.memref_slice %arg7[%arg1, %add3A_51, %dma_start3A_967] : memref<16x512x256xf32, #tpu.memory_space<hbm>> -> memref<1x64x256xf32, #tpu.memory_space<hbm>>
      %dma_start3A_969 = tpu.memref_squeeze %dma_start3A_968 : memref<1x64x256xf32, #tpu.memory_space<hbm>> -> memref<64x256xf32, #tpu.memory_space<hbm>>
      tpu.enqueue_dma source(%arg18 : memref<64x256xf32, #tpu.memory_space<vmem>>) target(%dma_start3A_969 : memref<64x256xf32, #tpu.memory_space<hbm>>) target_semaphore(%run_scoped3A : memref<!tpu.dma_semaphore, #tpu.memory_space<semaphore_mem>>)
      %dma_wait3A_970 = arith.constant 0 : i32
      %dma_wait3A_971 = tpu.memref_slice %arg7[%arg1, %add3A_51, %dma_wait3A_970] : memref<16x512x256xf32, #tpu.memory_space<hbm>> -> memref<1x64x256xf32, #tpu.memory_space<hbm>>
      %dma_wait3A_972 = tpu.memref_squeeze %dma_wait3A_971 : memref<1x64x256xf32, #tpu.memory_space<hbm>> -> memref<64x256xf32, #tpu.memory_space<hbm>>
      %dma_wait3A_973 = arith.constant 0 : i32
      %dma_wait3A_974 = tpu.memref_slice %arg7[%arg1, %add3A_51, %dma_wait3A_973] : memref<16x512x256xf32, #tpu.memory_space<hbm>> -> memref<1x64x256xf32, #tpu.memory_space<hbm>>
      %dma_wait3A_975 = tpu.memref_squeeze %dma_wait3A_974 : memref<1x64x256xf32, #tpu.memory_space<hbm>> -> memref<64x256xf32, #tpu.memory_space<hbm>>
      tpu.wait_dma2 semaphore(%run_scoped3A : memref<!tpu.dma_semaphore, #tpu.memory_space<semaphore_mem>>) src(%arg18 : memref<64x256xf32, #tpu.memory_space<vmem>>) dst(%dma_wait3A_975 : memref<64x256xf32, #tpu.memory_space<hbm>>)
      tpu.yield
    }) : () -> ()
    %dma_start3A_52 = arith.constant 3 : i32
    %dma_start3A_53 = arith.constant 0 : i32
    %dma_start3A_54 = tpu.memref_slice %arg13[%dma_start3A_52, %dma_start3A_53] : memref<4x64xi32, #tpu.memory_space<vmem>> -> memref<1x64xi32, #tpu.memory_space<vmem>>
    %dma_start3A_55 = tpu.memref_squeeze %dma_start3A_54 : memref<1x64xi32, #tpu.memory_space<vmem>> -> memref<64xi32, #tpu.memory_space<vmem>>
    %dma_start3A_56 = arith.constant 0 : i32
    %dma_start3A_57 = arith.constant 0 : i32
    %dma_start3A_58 = tpu.memref_slice %arg4[%dma_start3A_56, %dma_start3A_57] : memref<262144x256xf32, #tpu.memory_space<hbm>> -> memref<262144x256xf32, #tpu.memory_space<hbm>>
    tpu.enqueue_indirect_dma source(%dma_start3A_58 : memref<262144x256xf32, #tpu.memory_space<hbm>>) target(%arg18 : memref<64x256xf32, #tpu.memory_space<vmem>>) offsets(%dma_start3A_55 : memref<64xi32, #tpu.memory_space<vmem>>) semaphore(%arg24 : memref<!tpu.dma_semaphore, #tpu.memory_space<semaphore_mem>>)
    %dma_wait3A_59 = arith.constant 2 : i32
    %dma_wait3A_60 = arith.constant 0 : i32
    %dma_wait3A_61 = tpu.memref_slice %arg13[%dma_wait3A_59, %dma_wait3A_60] : memref<4x64xi32, #tpu.memory_space<vmem>> -> memref<1x64xi32, #tpu.memory_space<vmem>>
    %dma_wait3A_62 = tpu.memref_squeeze %dma_wait3A_61 : memref<1x64xi32, #tpu.memory_space<vmem>> -> memref<64xi32, #tpu.memory_space<vmem>>
    %dma_wait3A_63 = arith.constant 0 : i32
    %dma_wait3A_64 = arith.constant 0 : i32
    %dma_wait3A_65 = tpu.memref_slice %arg4[%dma_wait3A_63, %dma_wait3A_64] : memref<262144x256xf32, #tpu.memory_space<hbm>> -> memref<262144x256xf32, #tpu.memory_space<hbm>>
    tpu.wait_indirect_dma semaphore(%arg23 : memref<!tpu.dma_semaphore, #tpu.memory_space<semaphore_mem>>) src(%dma_wait3A_65 : memref<262144x256xf32, #tpu.memory_space<hbm>>) dst(%arg17 : memref<64x256xf32, #tpu.memory_space<vmem>>)
    %add3A_66 = arith.constant 128 : i32
    %add3A_67 = arith.addi %mul3A_0, %add3A_66 : i32
    "tpu.region"() ({
      %run_scoped3A = tpu.sem_alloc : memref<!tpu.dma_semaphore, #tpu.memory_space<semaphore_mem>>
      %dma_start3A_964 = arith.constant 0 : i32
      %dma_start3A_965 = tpu.memref_slice %arg7[%arg1, %add3A_67, %dma_start3A_964] : memref<16x512x256xf32, #tpu.memory_space<hbm>> -> memref<1x64x256xf32, #tpu.memory_space<hbm>>
      %dma_start3A_966 = tpu.memref_squeeze %dma_start3A_965 : memref<1x64x256xf32, #tpu.memory_space<hbm>> -> memref<64x256xf32, #tpu.memory_space<hbm>>
      %dma_start3A_967 = arith.constant 0 : i32
      %dma_start3A_968 = tpu.memref_slice %arg7[%arg1, %add3A_67, %dma_start3A_967] : memref<16x512x256xf32, #tpu.memory_space<hbm>> -> memref<1x64x256xf32, #tpu.memory_space<hbm>>
      %dma_start3A_969 = tpu.memref_squeeze %dma_start3A_968 : memref<1x64x256xf32, #tpu.memory_space<hbm>> -> memref<64x256xf32, #tpu.memory_space<hbm>>
      tpu.enqueue_dma source(%arg17 : memref<64x256xf32, #tpu.memory_space<vmem>>) target(%dma_start3A_969 : memref<64x256xf32, #tpu.memory_space<hbm>>) target_semaphore(%run_scoped3A : memref<!tpu.dma_semaphore, #tpu.memory_space<semaphore_mem>>)
      %dma_wait3A_970 = arith.constant 0 : i32
      %dma_wait3A_971 = tpu.memref_slice %arg7[%arg1, %add3A_67, %dma_wait3A_970] : memref<16x512x256xf32, #tpu.memory_space<hbm>> -> memref<1x64x256xf32, #tpu.memory_space<hbm>>
      %dma_wait3A_972 = tpu.memref_squeeze %dma_wait3A_971 : memref<1x64x256xf32, #tpu.memory_space<hbm>> -> memref<64x256xf32, #tpu.memory_space<hbm>>
      %dma_wait3A_973 = arith.constant 0 : i32
      %dma_wait3A_974 = tpu.memref_slice %arg7[%arg1, %add3A_67, %dma_wait3A_973] : memref<16x512x256xf32, #tpu.memory_space<hbm>> -> memref<1x64x256xf32, #tpu.memory_space<hbm>>
      %dma_wait3A_975 = tpu.memref_squeeze %dma_wait3A_974 : memref<1x64x256xf32, #tpu.memory_space<hbm>> -> memref<64x256xf32, #tpu.memory_space<hbm>>
      tpu.wait_dma2 semaphore(%run_scoped3A : memref<!tpu.dma_semaphore, #tpu.memory_space<semaphore_mem>>) src(%arg17 : memref<64x256xf32, #tpu.memory_space<vmem>>) dst(%dma_wait3A_975 : memref<64x256xf32, #tpu.memory_space<hbm>>)
      tpu.yield
    }) : () -> ()
    %dma_wait3A_68 = arith.constant 3 : i32
    %dma_wait3A_69 = arith.constant 0 : i32
    %dma_wait3A_70 = tpu.memref_slice %arg13[%dma_wait3A_68, %dma_wait3A_69] : memref<4x64xi32, #tpu.memory_space<vmem>> -> memref<1x64xi32, #tpu.memory_space<vmem>>
    %dma_wait3A_71 = tpu.memref_squeeze %dma_wait3A_70 : memref<1x64xi32, #tpu.memory_space<vmem>> -> memref<64xi32, #tpu.memory_space<vmem>>
    %dma_wait3A_72 = arith.constant 0 : i32
    %dma_wait3A_73 = arith.constant 0 : i32
    %dma_wait3A_74 = tpu.memref_slice %arg4[%dma_wait3A_72, %dma_wait3A_73] : memref<262144x256xf32, #tpu.memory_space<hbm>> -> memref<262144x256xf32, #tpu.memory_space<hbm>>
    tpu.wait_indirect_dma semaphore(%arg24 : memref<!tpu.dma_semaphore, #tpu.memory_space<semaphore_mem>>) src(%dma_wait3A_74 : memref<262144x256xf32, #tpu.memory_space<hbm>>) dst(%arg18 : memref<64x256xf32, #tpu.memory_space<vmem>>)
    %add3A_75 = arith.constant 192 : i32
    %add3A_76 = arith.addi %mul3A_0, %add3A_75 : i32
    "tpu.region"() ({
      %run_scoped3A = tpu.sem_alloc : memref<!tpu.dma_semaphore, #tpu.memory_space<semaphore_mem>>
      %dma_start3A_964 = arith.constant 0 : i32
      %dma_start3A_965 = tpu.memref_slice %arg7[%arg1, %add3A_76, %dma_start3A_964] : memref<16x512x256xf32, #tpu.memory_space<hbm>> -> memref<1x64x256xf32, #tpu.memory_space<hbm>>
      %dma_start3A_966 = tpu.memref_squeeze %dma_start3A_965 : memref<1x64x256xf32, #tpu.memory_space<hbm>> -> memref<64x256xf32, #tpu.memory_space<hbm>>
      %dma_start3A_967 = arith.constant 0 : i32
      %dma_start3A_968 = tpu.memref_slice %arg7[%arg1, %add3A_76, %dma_start3A_967] : memref<16x512x256xf32, #tpu.memory_space<hbm>> -> memref<1x64x256xf32, #tpu.memory_space<hbm>>
      %dma_start3A_969 = tpu.memref_squeeze %dma_start3A_968 : memref<1x64x256xf32, #tpu.memory_space<hbm>> -> memref<64x256xf32, #tpu.memory_space<hbm>>
      tpu.enqueue_dma source(%arg18 : memref<64x256xf32, #tpu.memory_space<vmem>>) target(%dma_start3A_969 : memref<64x256xf32, #tpu.memory_space<hbm>>) target_semaphore(%run_scoped3A : memref<!tpu.dma_semaphore, #tpu.memory_space<semaphore_mem>>)
      %dma_wait3A_970 = arith.constant 0 : i32
      %dma_wait3A_971 = tpu.memref_slice %arg7[%arg1, %add3A_76, %dma_wait3A_970] : memref<16x512x256xf32, #tpu.memory_space<hbm>> -> memref<1x64x256xf32, #tpu.memory_space<hbm>>
      %dma_wait3A_972 = tpu.memref_squeeze %dma_wait3A_971 : memref<1x64x256xf32, #tpu.memory_space<hbm>> -> memref<64x256xf32, #tpu.memory_space<hbm>>
      %dma_wait3A_973 = arith.constant 0 : i32
      %dma_wait3A_974 = tpu.memref_slice %arg7[%arg1, %add3A_76, %dma_wait3A_973] : memref<16x512x256xf32, #tpu.memory_space<hbm>> -> memref<1x64x256xf32, #tpu.memory_space<hbm>>
      %dma_wait3A_975 = tpu.memref_squeeze %dma_wait3A_974 : memref<1x64x256xf32, #tpu.memory_space<hbm>> -> memref<64x256xf32, #tpu.memory_space<hbm>>
      tpu.wait_dma2 semaphore(%run_scoped3A : memref<!tpu.dma_semaphore, #tpu.memory_space<semaphore_mem>>) src(%arg18 : memref<64x256xf32, #tpu.memory_space<vmem>>) dst(%dma_wait3A_975 : memref<64x256xf32, #tpu.memory_space<hbm>>)
      tpu.yield
    }) : () -> ()
    %dma_wait3A_77 = arith.constant 0 : i32
    %dma_wait3A_78 = arith.constant 0 : i32
    %dma_wait3A_79 = tpu.memref_slice %arg15[%dma_wait3A_77, %dma_wait3A_78] : memref<4x128xi32, #tpu.memory_space<vmem>> -> memref<1x128xi32, #tpu.memory_space<vmem>>
    %dma_wait3A_80 = tpu.memref_squeeze %dma_wait3A_79 : memref<1x128xi32, #tpu.memory_space<vmem>> -> memref<128xi32, #tpu.memory_space<vmem>>
    %dma_wait3A_81 = arith.constant 0 : i32
    %dma_wait3A_82 = arith.constant 0 : i32
    %dma_wait3A_83 = tpu.memref_slice %arg5[%dma_wait3A_81, %dma_wait3A_82] : memref<4096x128xf32, #tpu.memory_space<hbm>> -> memref<4096x128xf32, #tpu.memory_space<hbm>>
    tpu.wait_indirect_dma semaphore(%arg25 : memref<!tpu.dma_semaphore, #tpu.memory_space<semaphore_mem>>) src(%dma_wait3A_83 : memref<4096x128xf32, #tpu.memory_space<hbm>>) dst(%arg19 : memref<128x128xf32, #tpu.memory_space<vmem>>)
    %get3A = arith.constant 0 : index
    %get3A_84 = tpu.vector_load %arg14[%get3A] {strides = array<i32>} : memref<256xi32, #tpu.memory_space<vmem>>, vector<16xi32>,
    %add3A_85 = arith.constant 0 : i32
    %add3A_86 = vector.broadcast %add3A_85 : i32 to vector<16xi32>
    %add3A_87 = arith.addi %iota3A, %add3A_86 : vector<16xi32>
    %mul3A_88 = arith.constant 2 : i32
    %mul3A_89 = vector.broadcast %mul3A_88 : i32 to vector<16xi32>
    %mul3A_90 = arith.muli %add3A_87, %mul3A_89 : vector<16xi32>
    %and3A = arith.constant 127 : i32
    %and3A_91 = vector.broadcast %and3A : i32 to vector<16xi32>
    %and3A_92 = arith.andi %mul3A_90, %and3A_91 : vector<16xi32>
    %and3A_93 = arith.constant 127 : i32
    %and3A_94 = vector.broadcast %and3A_93 : i32 to vector<16xi32>
    %and3A_95 = arith.andi %get3A_84, %and3A_94 : vector<16xi32>
    %gather3A = tpu.vector_load_idx %arg19[%and3A_92, %and3A_95] : memref<128x128xf32, #tpu.memory_space<vmem>>[vector<16xi32>, vector<16xi32>], vector<16xf32>,
    %add3A_96 = arith.constant 1 : i32
    %add3A_97 = vector.broadcast %add3A_96 : i32 to vector<16xi32>
    %add3A_98 = arith.addi %and3A_92, %add3A_97 : vector<16xi32>
    %gather3A_99 = tpu.vector_load_idx %arg19[%add3A_98, %and3A_95] : memref<128x128xf32, #tpu.memory_space<vmem>>[vector<16xi32>, vector<16xi32>], vector<16xf32>,
    %add3A_100 = arith.constant 0 : i32
    %add3A_101 = vector.broadcast %add3A_100 : i32 to vector<16xi32>
    %add3A_102 = arith.addi %add3A_87, %add3A_101 : vector<16xi32>
    tpu.vector_store_idx %arg20[%add3A_102, %broadcast_in_dim3A_1], %gather3A : memref<256x2xf32, #tpu.memory_space<vmem>>[vector<16xi32>, vector<16xi32>], vector<16xf32>,
    tpu.vector_store_idx %arg20[%add3A_102, %broadcast_in_dim3A_3], %gather3A_99 : memref<256x2xf32, #tpu.memory_space<vmem>>[vector<16xi32>, vector<16xi32>], vector<16xf32>,
    %get3A_103 = arith.constant 16 : index
    %get3A_104 = tpu.vector_load %arg14[%get3A_103] {strides = array<i32>} : memref<256xi32, #tpu.memory_space<vmem>>, vector<16xi32>,
    %add3A_105 = arith.constant 16 : i32
    %add3A_106 = vector.broadcast %add3A_105 : i32 to vector<16xi32>
    %add3A_107 = arith.addi %iota3A, %add3A_106 : vector<16xi32>
    %mul3A_108 = arith.constant 2 : i32
    %mul3A_109 = vector.broadcast %mul3A_108 : i32 to vector<16xi32>
    %mul3A_110 = arith.muli %add3A_107, %mul3A_109 : vector<16xi32>
    %and3A_111 = arith.constant 127 : i32
    %and3A_112 = vector.broadcast %and3A_111 : i32 to vector<16xi32>
    %and3A_113 = arith.andi %mul3A_110, %and3A_112 : vector<16xi32>
    %and3A_114 = arith.constant 127 : i32
    %and3A_115 = vector.broadcast %and3A_114 : i32 to vector<16xi32>
    %and3A_116 = arith.andi %get3A_104, %and3A_115 : vector<16xi32>
    %gather3A_117 = tpu.vector_load_idx %arg19[%and3A_113, %and3A_116] : memref<128x128xf32, #tpu.memory_space<vmem>>[vector<16xi32>, vector<16xi32>], vector<16xf32>,
    %add3A_118 = arith.constant 1 : i32
    %add3A_119 = vector.broadcast %add3A_118 : i32 to vector<16xi32>
    %add3A_120 = arith.addi %and3A_113, %add3A_119 : vector<16xi32>
    %gather3A_121 = tpu.vector_load_idx %arg19[%add3A_120, %and3A_116] : memref<128x128xf32, #tpu.memory_space<vmem>>[vector<16xi32>, vector<16xi32>], vector<16xf32>,
    %add3A_122 = arith.constant 0 : i32
    %add3A_123 = vector.broadcast %add3A_122 : i32 to vector<16xi32>
    %add3A_124 = arith.addi %add3A_107, %add3A_123 : vector<16xi32>
    tpu.vector_store_idx %arg20[%add3A_124, %broadcast_in_dim3A_1], %gather3A_117 : memref<256x2xf32, #tpu.memory_space<vmem>>[vector<16xi32>, vector<16xi32>], vector<16xf32>,
    tpu.vector_store_idx %arg20[%add3A_124, %broadcast_in_dim3A_3], %gather3A_121 : memref<256x2xf32, #tpu.memory_space<vmem>>[vector<16xi32>, vector<16xi32>], vector<16xf32>,
    %get3A_125 = arith.constant 32 : index
    %get3A_126 = tpu.vector_load %arg14[%get3A_125] {strides = array<i32>} : memref<256xi32, #tpu.memory_space<vmem>>, vector<16xi32>,
    %add3A_127 = arith.constant 32 : i32
    %add3A_128 = vector.broadcast %add3A_127 : i32 to vector<16xi32>
    %add3A_129 = arith.addi %iota3A, %add3A_128 : vector<16xi32>
    %mul3A_130 = arith.constant 2 : i32
    %mul3A_131 = vector.broadcast %mul3A_130 : i32 to vector<16xi32>
    %mul3A_132 = arith.muli %add3A_129, %mul3A_131 : vector<16xi32>
    %and3A_133 = arith.constant 127 : i32
    %and3A_134 = vector.broadcast %and3A_133 : i32 to vector<16xi32>
    %and3A_135 = arith.andi %mul3A_132, %and3A_134 : vector<16xi32>
    %and3A_136 = arith.constant 127 : i32
    %and3A_137 = vector.broadcast %and3A_136 : i32 to vector<16xi32>
    %and3A_138 = arith.andi %get3A_126, %and3A_137 : vector<16xi32>
    %gather3A_139 = tpu.vector_load_idx %arg19[%and3A_135, %and3A_138] : memref<128x128xf32, #tpu.memory_space<vmem>>[vector<16xi32>, vector<16xi32>], vector<16xf32>,
    %add3A_140 = arith.constant 1 : i32
    %add3A_141 = vector.broadcast %add3A_140 : i32 to vector<16xi32>
    %add3A_142 = arith.addi %and3A_135, %add3A_141 : vector<16xi32>
    %gather3A_143 = tpu.vector_load_idx %arg19[%add3A_142, %and3A_138] : memref<128x128xf32, #tpu.memory_space<vmem>>[vector<16xi32>, vector<16xi32>], vector<16xf32>,
    %add3A_144 = arith.constant 0 : i32
    %add3A_145 = vector.broadcast %add3A_144 : i32 to vector<16xi32>
    %add3A_146 = arith.addi %add3A_129, %add3A_145 : vector<16xi32>
    tpu.vector_store_idx %arg20[%add3A_146, %broadcast_in_dim3A_1], %gather3A_139 : memref<256x2xf32, #tpu.memory_space<vmem>>[vector<16xi32>, vector<16xi32>], vector<16xf32>,
    tpu.vector_store_idx %arg20[%add3A_146, %broadcast_in_dim3A_3], %gather3A_143 : memref<256x2xf32, #tpu.memory_space<vmem>>[vector<16xi32>, vector<16xi32>], vector<16xf32>,
    %get3A_147 = arith.constant 48 : index
    %get3A_148 = tpu.vector_load %arg14[%get3A_147] {strides = array<i32>} : memref<256xi32, #tpu.memory_space<vmem>>, vector<16xi32>,
    %add3A_149 = arith.constant 48 : i32
    %add3A_150 = vector.broadcast %add3A_149 : i32 to vector<16xi32>
    %add3A_151 = arith.addi %iota3A, %add3A_150 : vector<16xi32>
    %mul3A_152 = arith.constant 2 : i32
    %mul3A_153 = vector.broadcast %mul3A_152 : i32 to vector<16xi32>
    %mul3A_154 = arith.muli %add3A_151, %mul3A_153 : vector<16xi32>
    %and3A_155 = arith.constant 127 : i32
    %and3A_156 = vector.broadcast %and3A_155 : i32 to vector<16xi32>
    %and3A_157 = arith.andi %mul3A_154, %and3A_156 : vector<16xi32>
    %and3A_158 = arith.constant 127 : i32
    %and3A_159 = vector.broadcast %and3A_158 : i32 to vector<16xi32>
    %and3A_160 = arith.andi %get3A_148, %and3A_159 : vector<16xi32>
    %gather3A_161 = tpu.vector_load_idx %arg19[%and3A_157, %and3A_160] : memref<128x128xf32, #tpu.memory_space<vmem>>[vector<16xi32>, vector<16xi32>], vector<16xf32>,
    %add3A_162 = arith.constant 1 : i32
    %add3A_163 = vector.broadcast %add3A_162 : i32 to vector<16xi32>
    %add3A_164 = arith.addi %and3A_157, %add3A_163 : vector<16xi32>
    %gather3A_165 = tpu.vector_load_idx %arg19[%add3A_164, %and3A_160] : memref<128x128xf32, #tpu.memory_space<vmem>>[vector<16xi32>, vector<16xi32>], vector<16xf32>,
    %add3A_166 = arith.constant 0 : i32
    %add3A_167 = vector.broadcast %add3A_166 : i32 to vector<16xi32>
    %add3A_168 = arith.addi %add3A_151, %add3A_167 : vector<16xi32>
    tpu.vector_store_idx %arg20[%add3A_168, %broadcast_in_dim3A_1], %gather3A_161 : memref<256x2xf32, #tpu.memory_space<vmem>>[vector<16xi32>, vector<16xi32>], vector<16xf32>,
    tpu.vector_store_idx %arg20[%add3A_168, %broadcast_in_dim3A_3], %gather3A_165 : memref<256x2xf32, #tpu.memory_space<vmem>>[vector<16xi32>, vector<16xi32>], vector<16xf32>,
    %dma_start3A_169 = arith.constant 1 : i32
    %dma_start3A_170 = arith.constant 0 : i32
    %dma_start3A_171 = tpu.memref_slice %arg15[%dma_start3A_169, %dma_start3A_170] : memref<4x128xi32, #tpu.memory_space<vmem>> -> memref<1x128xi32, #tpu.memory_space<vmem>>
    %dma_start3A_172 = tpu.memref_squeeze %dma_start3A_171 : memref<1x128xi32, #tpu.memory_space<vmem>> -> memref<128xi32, #tpu.memory_space<vmem>>
    %dma_start3A_173 = arith.constant 0 : i32
    %dma_start3A_174 = arith.constant 0 : i32
    %dma_start3A_175 = tpu.memref_slice %arg5[%dma_start3A_173, %dma_start3A_174] : memref<4096x128xf32, #tpu.memory_space<hbm>> -> memref<4096x128xf32, #tpu.memory_space<hbm>>
    tpu.enqueue_indirect_dma source(%dma_start3A_175 : memref<4096x128xf32, #tpu.memory_space<hbm>>) target(%arg19 : memref<128x128xf32, #tpu.memory_space<vmem>>) offsets(%dma_start3A_172 : memref<128xi32, #tpu.memory_space<vmem>>) semaphore(%arg25 : memref<!tpu.dma_semaphore, #tpu.memory_space<semaphore_mem>>)
    %dma_wait3A_176 = arith.constant 1 : i32
    %dma_wait3A_177 = arith.constant 0 : i32
    %dma_wait3A_178 = tpu.memref_slice %arg15[%dma_wait3A_176, %dma_wait3A_177] : memref<4x128xi32, #tpu.memory_space<vmem>> -> memref<1x128xi32, #tpu.memory_space<vmem>>
    %dma_wait3A_179 = tpu.memref_squeeze %dma_wait3A_178 : memref<1x128xi32, #tpu.memory_space<vmem>> -> memref<128xi32, #tpu.memory_space<vmem>>
    %dma_wait3A_180 = arith.constant 0 : i32
    %dma_wait3A_181 = arith.constant 0 : i32
    %dma_wait3A_182 = tpu.memref_slice %arg5[%dma_wait3A_180, %dma_wait3A_181] : memref<4096x128xf32, #tpu.memory_space<hbm>> -> memref<4096x128xf32, #tpu.memory_space<hbm>>
    tpu.wait_indirect_dma semaphore(%arg25 : memref<!tpu.dma_semaphore, #tpu.memory_space<semaphore_mem>>) src(%dma_wait3A_182 : memref<4096x128xf32, #tpu.memory_space<hbm>>) dst(%arg19 : memref<128x128xf32, #tpu.memory_space<vmem>>)
    %get3A_183 = arith.constant 64 : index
    %get3A_184 = tpu.vector_load %arg14[%get3A_183] {strides = array<i32>} : memref<256xi32, #tpu.memory_space<vmem>>, vector<16xi32>,
    %add3A_185 = arith.constant 0 : i32
    %add3A_186 = vector.broadcast %add3A_185 : i32 to vector<16xi32>
    %add3A_187 = arith.addi %iota3A, %add3A_186 : vector<16xi32>
    %mul3A_188 = arith.constant 2 : i32
    %mul3A_189 = vector.broadcast %mul3A_188 : i32 to vector<16xi32>
    %mul3A_190 = arith.muli %add3A_187, %mul3A_189 : vector<16xi32>
    %and3A_191 = arith.constant 127 : i32
    %and3A_192 = vector.broadcast %and3A_191 : i32 to vector<16xi32>
    %and3A_193 = arith.andi %mul3A_190, %and3A_192 : vector<16xi32>
    %and3A_194 = arith.constant 127 : i32
    %and3A_195 = vector.broadcast %and3A_194 : i32 to vector<16xi32>
    %and3A_196 = arith.andi %get3A_184, %and3A_195 : vector<16xi32>
    %gather3A_197 = tpu.vector_load_idx %arg19[%and3A_193, %and3A_196] : memref<128x128xf32, #tpu.memory_space<vmem>>[vector<16xi32>, vector<16xi32>], vector<16xf32>,
    %add3A_198 = arith.constant 1 : i32
    %add3A_199 = vector.broadcast %add3A_198 : i32 to vector<16xi32>
    %add3A_200 = arith.addi %and3A_193, %add3A_199 : vector<16xi32>
    %gather3A_201 = tpu.vector_load_idx %arg19[%add3A_200, %and3A_196] : memref<128x128xf32, #tpu.memory_space<vmem>>[vector<16xi32>, vector<16xi32>], vector<16xf32>,
    %add3A_202 = arith.constant 64 : i32
    %add3A_203 = vector.broadcast %add3A_202 : i32 to vector<16xi32>
    %add3A_204 = arith.addi %add3A_187, %add3A_203 : vector<16xi32>
    tpu.vector_store_idx %arg20[%add3A_204, %broadcast_in_dim3A_1], %gather3A_197 : memref<256x2xf32, #tpu.memory_space<vmem>>[vector<16xi32>, vector<16xi32>], vector<16xf32>,
    tpu.vector_store_idx %arg20[%add3A_204, %broadcast_in_dim3A_3], %gather3A_201 : memref<256x2xf32, #tpu.memory_space<vmem>>[vector<16xi32>, vector<16xi32>], vector<16xf32>,
    %get3A_205 = arith.constant 80 : index
    %get3A_206 = tpu.vector_load %arg14[%get3A_205] {strides = array<i32>} : memref<256xi32, #tpu.memory_space<vmem>>, vector<16xi32>,
    %add3A_207 = arith.constant 16 : i32
    %add3A_208 = vector.broadcast %add3A_207 : i32 to vector<16xi32>
    %add3A_209 = arith.addi %iota3A, %add3A_208 : vector<16xi32>
    %mul3A_210 = arith.constant 2 : i32
    %mul3A_211 = vector.broadcast %mul3A_210 : i32 to vector<16xi32>
    %mul3A_212 = arith.muli %add3A_209, %mul3A_211 : vector<16xi32>
    %and3A_213 = arith.constant 127 : i32
    %and3A_214 = vector.broadcast %and3A_213 : i32 to vector<16xi32>
    %and3A_215 = arith.andi %mul3A_212, %and3A_214 : vector<16xi32>
    %and3A_216 = arith.constant 127 : i32
    %and3A_217 = vector.broadcast %and3A_216 : i32 to vector<16xi32>
    %and3A_218 = arith.andi %get3A_206, %and3A_217 : vector<16xi32>
    %gather3A_219 = tpu.vector_load_idx %arg19[%and3A_215, %and3A_218] : memref<128x128xf32, #tpu.memory_space<vmem>>[vector<16xi32>, vector<16xi32>], vector<16xf32>,
    %add3A_220 = arith.constant 1 : i32
    %add3A_221 = vector.broadcast %add3A_220 : i32 to vector<16xi32>
    %add3A_222 = arith.addi %and3A_215, %add3A_221 : vector<16xi32>
    %gather3A_223 = tpu.vector_load_idx %arg19[%add3A_222, %and3A_218] : memref<128x128xf32, #tpu.memory_space<vmem>>[vector<16xi32>, vector<16xi32>], vector<16xf32>,
    %add3A_224 = arith.constant 64 : i32
    %add3A_225 = vector.broadcast %add3A_224 : i32 to vector<16xi32>
    %add3A_226 = arith.addi %add3A_209, %add3A_225 : vector<16xi32>
    tpu.vector_store_idx %arg20[%add3A_226, %broadcast_in_dim3A_1], %gather3A_219 : memref<256x2xf32, #tpu.memory_space<vmem>>[vector<16xi32>, vector<16xi32>], vector<16xf32>,
    tpu.vector_store_idx %arg20[%add3A_226, %broadcast_in_dim3A_3], %gather3A_223 : memref<256x2xf32, #tpu.memory_space<vmem>>[vector<16xi32>, vector<16xi32>], vector<16xf32>,
    %get3A_227 = arith.constant 96 : index
    %get3A_228 = tpu.vector_load %arg14[%get3A_227] {strides = array<i32>} : memref<256xi32, #tpu.memory_space<vmem>>, vector<16xi32>,
    %add3A_229 = arith.constant 32 : i32
    %add3A_230 = vector.broadcast %add3A_229 : i32 to vector<16xi32>
    %add3A_231 = arith.addi %iota3A, %add3A_230 : vector<16xi32>
    %mul3A_232 = arith.constant 2 : i32
    %mul3A_233 = vector.broadcast %mul3A_232 : i32 to vector<16xi32>
    %mul3A_234 = arith.muli %add3A_231, %mul3A_233 : vector<16xi32>
    %and3A_235 = arith.constant 127 : i32
    %and3A_236 = vector.broadcast %and3A_235 : i32 to vector<16xi32>
    %and3A_237 = arith.andi %mul3A_234, %and3A_236 : vector<16xi32>
    %and3A_238 = arith.constant 127 : i32
    %and3A_239 = vector.broadcast %and3A_238 : i32 to vector<16xi32>
    %and3A_240 = arith.andi %get3A_228, %and3A_239 : vector<16xi32>
    %gather3A_241 = tpu.vector_load_idx %arg19[%and3A_237, %and3A_240] : memref<128x128xf32, #tpu.memory_space<vmem>>[vector<16xi32>, vector<16xi32>], vector<16xf32>,
    %add3A_242 = arith.constant 1 : i32
    %add3A_243 = vector.broadcast %add3A_242 : i32 to vector<16xi32>
    %add3A_244 = arith.addi %and3A_237, %add3A_243 : vector<16xi32>
    %gather3A_245 = tpu.vector_load_idx %arg19[%add3A_244, %and3A_240] : memref<128x128xf32, #tpu.memory_space<vmem>>[vector<16xi32>, vector<16xi32>], vector<16xf32>,
    %add3A_246 = arith.constant 64 : i32
    %add3A_247 = vector.broadcast %add3A_246 : i32 to vector<16xi32>
    %add3A_248 = arith.addi %add3A_231, %add3A_247 : vector<16xi32>
    tpu.vector_store_idx %arg20[%add3A_248, %broadcast_in_dim3A_1], %gather3A_241 : memref<256x2xf32, #tpu.memory_space<vmem>>[vector<16xi32>, vector<16xi32>], vector<16xf32>,
    tpu.vector_store_idx %arg20[%add3A_248, %broadcast_in_dim3A_3], %gather3A_245 : memref<256x2xf32, #tpu.memory_space<vmem>>[vector<16xi32>, vector<16xi32>], vector<16xf32>,
    %get3A_249 = arith.constant 112 : index
    %get3A_250 = tpu.vector_load %arg14[%get3A_249] {strides = array<i32>} : memref<256xi32, #tpu.memory_space<vmem>>, vector<16xi32>,
    %add3A_251 = arith.constant 48 : i32
    %add3A_252 = vector.broadcast %add3A_251 : i32 to vector<16xi32>
    %add3A_253 = arith.addi %iota3A, %add3A_252 : vector<16xi32>
    %mul3A_254 = arith.constant 2 : i32
    %mul3A_255 = vector.broadcast %mul3A_254 : i32 to vector<16xi32>
    %mul3A_256 = arith.muli %add3A_253, %mul3A_255 : vector<16xi32>
    %and3A_257 = arith.constant 127 : i32
    %and3A_258 = vector.broadcast %and3A_257 : i32 to vector<16xi32>
    %and3A_259 = arith.andi %mul3A_256, %and3A_258 : vector<16xi32>
    %and3A_260 = arith.constant 127 : i32
    %and3A_261 = vector.broadcast %and3A_260 : i32 to vector<16xi32>
    %and3A_262 = arith.andi %get3A_250, %and3A_261 : vector<16xi32>
    %gather3A_263 = tpu.vector_load_idx %arg19[%and3A_259, %and3A_262] : memref<128x128xf32, #tpu.memory_space<vmem>>[vector<16xi32>, vector<16xi32>], vector<16xf32>,
    %add3A_264 = arith.constant 1 : i32
    %add3A_265 = vector.broadcast %add3A_264 : i32 to vector<16xi32>
    %add3A_266 = arith.addi %and3A_259, %add3A_265 : vector<16xi32>
    %gather3A_267 = tpu.vector_load_idx %arg19[%add3A_266, %and3A_262] : memref<128x128xf32, #tpu.memory_space<vmem>>[vector<16xi32>, vector<16xi32>], vector<16xf32>,
    %add3A_268 = arith.constant 64 : i32
    %add3A_269 = vector.broadcast %add3A_268 : i32 to vector<16xi32>
    %add3A_270 = arith.addi %add3A_253, %add3A_269 : vector<16xi32>
    tpu.vector_store_idx %arg20[%add3A_270, %broadcast_in_dim3A_1], %gather3A_263 : memref<256x2xf32, #tpu.memory_space<vmem>>[vector<16xi32>, vector<16xi32>], vector<16xf32>,
    tpu.vector_store_idx %arg20[%add3A_270, %broadcast_in_dim3A_3], %gather3A_267 : memref<256x2xf32, #tpu.memory_space<vmem>>[vector<16xi32>, vector<16xi32>], vector<16xf32>,
    %dma_start3A_271 = arith.constant 2 : i32
    %dma_start3A_272 = arith.constant 0 : i32
    %dma_start3A_273 = tpu.memref_slice %arg15[%dma_start3A_271, %dma_start3A_272] : memref<4x128xi32, #tpu.memory_space<vmem>> -> memref<1x128xi32, #tpu.memory_space<vmem>>
    %dma_start3A_274 = tpu.memref_squeeze %dma_start3A_273 : memref<1x128xi32, #tpu.memory_space<vmem>> -> memref<128xi32, #tpu.memory_space<vmem>>
    %dma_start3A_275 = arith.constant 0 : i32
    %dma_start3A_276 = arith.constant 0 : i32
    %dma_start3A_277 = tpu.memref_slice %arg5[%dma_start3A_275, %dma_start3A_276] : memref<4096x128xf32, #tpu.memory_space<hbm>> -> memref<4096x128xf32, #tpu.memory_space<hbm>>
    tpu.enqueue_indirect_dma source(%dma_start3A_277 : memref<4096x128xf32, #tpu.memory_space<hbm>>) target(%arg19 : memref<128x128xf32, #tpu.memory_space<vmem>>) offsets(%dma_start3A_274 : memref<128xi32, #tpu.memory_space<vmem>>) semaphore(%arg25 : memref<!tpu.dma_semaphore, #tpu.memory_space<semaphore_mem>>)
    %dma_wait3A_278 = arith.constant 2 : i32
    %dma_wait3A_279 = arith.constant 0 : i32
    %dma_wait3A_280 = tpu.memref_slice %arg15[%dma_wait3A_278, %dma_wait3A_279] : memref<4x128xi32, #tpu.memory_space<vmem>> -> memref<1x128xi32, #tpu.memory_space<vmem>>
    %dma_wait3A_281 = tpu.memref_squeeze %dma_wait3A_280 : memref<1x128xi32, #tpu.memory_space<vmem>> -> memref<128xi32, #tpu.memory_space<vmem>>
    %dma_wait3A_282 = arith.constant 0 : i32
    %dma_wait3A_283 = arith.constant 0 : i32
    %dma_wait3A_284 = tpu.memref_slice %arg5[%dma_wait3A_282, %dma_wait3A_283] : memref<4096x128xf32, #tpu.memory_space<hbm>> -> memref<4096x128xf32, #tpu.memory_space<hbm>>
    tpu.wait_indirect_dma semaphore(%arg25 : memref<!tpu.dma_semaphore, #tpu.memory_space<semaphore_mem>>) src(%dma_wait3A_284 : memref<4096x128xf32, #tpu.memory_space<hbm>>) dst(%arg19 : memref<128x128xf32, #tpu.memory_space<vmem>>)
    %get3A_285 = arith.constant 128 : index
    %get3A_286 = tpu.vector_load %arg14[%get3A_285] {strides = array<i32>} : memref<256xi32, #tpu.memory_space<vmem>>, vector<16xi32>,
    %add3A_287 = arith.constant 0 : i32
    %add3A_288 = vector.broadcast %add3A_287 : i32 to vector<16xi32>
    %add3A_289 = arith.addi %iota3A, %add3A_288 : vector<16xi32>
    %mul3A_290 = arith.constant 2 : i32
    %mul3A_291 = vector.broadcast %mul3A_290 : i32 to vector<16xi32>
    %mul3A_292 = arith.muli %add3A_289, %mul3A_291 : vector<16xi32>
    %and3A_293 = arith.constant 127 : i32
    %and3A_294 = vector.broadcast %and3A_293 : i32 to vector<16xi32>
    %and3A_295 = arith.andi %mul3A_292, %and3A_294 : vector<16xi32>
    %and3A_296 = arith.constant 127 : i32
    %and3A_297 = vector.broadcast %and3A_296 : i32 to vector<16xi32>
    %and3A_298 = arith.andi %get3A_286, %and3A_297 : vector<16xi32>
    %gather3A_299 = tpu.vector_load_idx %arg19[%and3A_295, %and3A_298] : memref<128x128xf32, #tpu.memory_space<vmem>>[vector<16xi32>, vector<16xi32>], vector<16xf32>,
    %add3A_300 = arith.constant 1 : i32
    %add3A_301 = vector.broadcast %add3A_300 : i32 to vector<16xi32>
    %add3A_302 = arith.addi %and3A_295, %add3A_301 : vector<16xi32>
    %gather3A_303 = tpu.vector_load_idx %arg19[%add3A_302, %and3A_298] : memref<128x128xf32, #tpu.memory_space<vmem>>[vector<16xi32>, vector<16xi32>], vector<16xf32>,
    %add3A_304 = arith.constant 128 : i32
    %add3A_305 = vector.broadcast %add3A_304 : i32 to vector<16xi32>
    %add3A_306 = arith.addi %add3A_289, %add3A_305 : vector<16xi32>
    tpu.vector_store_idx %arg20[%add3A_306, %broadcast_in_dim3A_1], %gather3A_299 : memref<256x2xf32, #tpu.memory_space<vmem>>[vector<16xi32>, vector<16xi32>], vector<16xf32>,
    tpu.vector_store_idx %arg20[%add3A_306, %broadcast_in_dim3A_3], %gather3A_303 : memref<256x2xf32, #tpu.memory_space<vmem>>[vector<16xi32>, vector<16xi32>], vector<16xf32>,
    %get3A_307 = arith.constant 144 : index
    %get3A_308 = tpu.vector_load %arg14[%get3A_307] {strides = array<i32>} : memref<256xi32, #tpu.memory_space<vmem>>, vector<16xi32>,
    %add3A_309 = arith.constant 16 : i32
    %add3A_310 = vector.broadcast %add3A_309 : i32 to vector<16xi32>
    %add3A_311 = arith.addi %iota3A, %add3A_310 : vector<16xi32>
    %mul3A_312 = arith.constant 2 : i32
    %mul3A_313 = vector.broadcast %mul3A_312 : i32 to vector<16xi32>
    %mul3A_314 = arith.muli %add3A_311, %mul3A_313 : vector<16xi32>
    %and3A_315 = arith.constant 127 : i32
    %and3A_316 = vector.broadcast %and3A_315 : i32 to vector<16xi32>
    %and3A_317 = arith.andi %mul3A_314, %and3A_316 : vector<16xi32>
    %and3A_318 = arith.constant 127 : i32
    %and3A_319 = vector.broadcast %and3A_318 : i32 to vector<16xi32>
    %and3A_320 = arith.andi %get3A_308, %and3A_319 : vector<16xi32>
    %gather3A_321 = tpu.vector_load_idx %arg19[%and3A_317, %and3A_320] : memref<128x128xf32, #tpu.memory_space<vmem>>[vector<16xi32>, vector<16xi32>], vector<16xf32>,
    %add3A_322 = arith.constant 1 : i32
    %add3A_323 = vector.broadcast %add3A_322 : i32 to vector<16xi32>
    %add3A_324 = arith.addi %and3A_317, %add3A_323 : vector<16xi32>
    %gather3A_325 = tpu.vector_load_idx %arg19[%add3A_324, %and3A_320] : memref<128x128xf32, #tpu.memory_space<vmem>>[vector<16xi32>, vector<16xi32>], vector<16xf32>,
    %add3A_326 = arith.constant 128 : i32
    %add3A_327 = vector.broadcast %add3A_326 : i32 to vector<16xi32>
    %add3A_328 = arith.addi %add3A_311, %add3A_327 : vector<16xi32>
    tpu.vector_store_idx %arg20[%add3A_328, %broadcast_in_dim3A_1], %gather3A_321 : memref<256x2xf32, #tpu.memory_space<vmem>>[vector<16xi32>, vector<16xi32>], vector<16xf32>,
    tpu.vector_store_idx %arg20[%add3A_328, %broadcast_in_dim3A_3], %gather3A_325 : memref<256x2xf32, #tpu.memory_space<vmem>>[vector<16xi32>, vector<16xi32>], vector<16xf32>,
    %get3A_329 = arith.constant 160 : index
    %get3A_330 = tpu.vector_load %arg14[%get3A_329] {strides = array<i32>} : memref<256xi32, #tpu.memory_space<vmem>>, vector<16xi32>,
    %add3A_331 = arith.constant 32 : i32
    %add3A_332 = vector.broadcast %add3A_331 : i32 to vector<16xi32>
    %add3A_333 = arith.addi %iota3A, %add3A_332 : vector<16xi32>
    %mul3A_334 = arith.constant 2 : i32
    %mul3A_335 = vector.broadcast %mul3A_334 : i32 to vector<16xi32>
    %mul3A_336 = arith.muli %add3A_333, %mul3A_335 : vector<16xi32>
    %and3A_337 = arith.constant 127 : i32
    %and3A_338 = vector.broadcast %and3A_337 : i32 to vector<16xi32>
    %and3A_339 = arith.andi %mul3A_336, %and3A_338 : vector<16xi32>
    %and3A_340 = arith.constant 127 : i32
    %and3A_341 = vector.broadcast %and3A_340 : i32 to vector<16xi32>
    %and3A_342 = arith.andi %get3A_330, %and3A_341 : vector<16xi32>
    %gather3A_343 = tpu.vector_load_idx %arg19[%and3A_339, %and3A_342] : memref<128x128xf32, #tpu.memory_space<vmem>>[vector<16xi32>, vector<16xi32>], vector<16xf32>,
    %add3A_344 = arith.constant 1 : i32
    %add3A_345 = vector.broadcast %add3A_344 : i32 to vector<16xi32>
    %add3A_346 = arith.addi %and3A_339, %add3A_345 : vector<16xi32>
    %gather3A_347 = tpu.vector_load_idx %arg19[%add3A_346, %and3A_342] : memref<128x128xf32, #tpu.memory_space<vmem>>[vector<16xi32>, vector<16xi32>], vector<16xf32>,
    %add3A_348 = arith.constant 128 : i32
    %add3A_349 = vector.broadcast %add3A_348 : i32 to vector<16xi32>
    %add3A_350 = arith.addi %add3A_333, %add3A_349 : vector<16xi32>
    tpu.vector_store_idx %arg20[%add3A_350, %broadcast_in_dim3A_1], %gather3A_343 : memref<256x2xf32, #tpu.memory_space<vmem>>[vector<16xi32>, vector<16xi32>], vector<16xf32>,
    tpu.vector_store_idx %arg20[%add3A_350, %broadcast_in_dim3A_3], %gather3A_347 : memref<256x2xf32, #tpu.memory_space<vmem>>[vector<16xi32>, vector<16xi32>], vector<16xf32>,
    %get3A_351 = arith.constant 176 : index
    %get3A_352 = tpu.vector_load %arg14[%get3A_351] {strides = array<i32>} : memref<256xi32, #tpu.memory_space<vmem>>, vector<16xi32>,
    %add3A_353 = arith.constant 48 : i32
    %add3A_354 = vector.broadcast %add3A_353 : i32 to vector<16xi32>
    %add3A_355 = arith.addi %iota3A, %add3A_354 : vector<16xi32>
    %mul3A_356 = arith.constant 2 : i32
    %mul3A_357 = vector.broadcast %mul3A_356 : i32 to vector<16xi32>
    %mul3A_358 = arith.muli %add3A_355, %mul3A_357 : vector<16xi32>
    %and3A_359 = arith.constant 127 : i32
    %and3A_360 = vector.broadcast %and3A_359 : i32 to vector<16xi32>
    %and3A_361 = arith.andi %mul3A_358, %and3A_360 : vector<16xi32>
    %and3A_362 = arith.constant 127 : i32
    %and3A_363 = vector.broadcast %and3A_362 : i32 to vector<16xi32>
    %and3A_364 = arith.andi %get3A_352, %and3A_363 : vector<16xi32>
    %gather3A_365 = tpu.vector_load_idx %arg19[%and3A_361, %and3A_364] : memref<128x128xf32, #tpu.memory_space<vmem>>[vector<16xi32>, vector<16xi32>], vector<16xf32>,
    %add3A_366 = arith.constant 1 : i32
    %add3A_367 = vector.broadcast %add3A_366 : i32 to vector<16xi32>
    %add3A_368 = arith.addi %and3A_361, %add3A_367 : vector<16xi32>
    %gather3A_369 = tpu.vector_load_idx %arg19[%add3A_368, %and3A_364] : memref<128x128xf32, #tpu.memory_space<vmem>>[vector<16xi32>, vector<16xi32>], vector<16xf32>,
    %add3A_370 = arith.constant 128 : i32
    %add3A_371 = vector.broadcast %add3A_370 : i32 to vector<16xi32>
    %add3A_372 = arith.addi %add3A_355, %add3A_371 : vector<16xi32>
    tpu.vector_store_idx %arg20[%add3A_372, %broadcast_in_dim3A_1], %gather3A_365 : memref<256x2xf32, #tpu.memory_space<vmem>>[vector<16xi32>, vector<16xi32>], vector<16xf32>,
    tpu.vector_store_idx %arg20[%add3A_372, %broadcast_in_dim3A_3], %gather3A_369 : memref<256x2xf32, #tpu.memory_space<vmem>>[vector<16xi32>, vector<16xi32>], vector<16xf32>,
    %dma_start3A_373 = arith.constant 3 : i32
    %dma_start3A_374 = arith.constant 0 : i32
    %dma_start3A_375 = tpu.memref_slice %arg15[%dma_start3A_373, %dma_start3A_374] : memref<4x128xi32, #tpu.memory_space<vmem>> -> memref<1x128xi32, #tpu.memory_space<vmem>>
    %dma_start3A_376 = tpu.memref_squeeze %dma_start3A_375 : memref<1x128xi32, #tpu.memory_space<vmem>> -> memref<128xi32, #tpu.memory_space<vmem>>
    %dma_start3A_377 = arith.constant 0 : i32
    %dma_start3A_378 = arith.constant 0 : i32
    %dma_start3A_379 = tpu.memref_slice %arg5[%dma_start3A_377, %dma_start3A_378] : memref<4096x128xf32, #tpu.memory_space<hbm>> -> memref<4096x128xf32, #tpu.memory_space<hbm>>
    tpu.enqueue_indirect_dma source(%dma_start3A_379 : memref<4096x128xf32, #tpu.memory_space<hbm>>) target(%arg19 : memref<128x128xf32, #tpu.memory_space<vmem>>) offsets(%dma_start3A_376 : memref<128xi32, #tpu.memory_space<vmem>>) semaphore(%arg25 : memref<!tpu.dma_semaphore, #tpu.memory_space<semaphore_mem>>)
    %dma_wait3A_380 = arith.constant 3 : i32
    %dma_wait3A_381 = arith.constant 0 : i32
    %dma_wait3A_382 = tpu.memref_slice %arg15[%dma_wait3A_380, %dma_wait3A_381] : memref<4x128xi32, #tpu.memory_space<vmem>> -> memref<1x128xi32, #tpu.memory_space<vmem>>
    %dma_wait3A_383 = tpu.memref_squeeze %dma_wait3A_382 : memref<1x128xi32, #tpu.memory_space<vmem>> -> memref<128xi32, #tpu.memory_space<vmem>>
    %dma_wait3A_384 = arith.constant 0 : i32
    %dma_wait3A_385 = arith.constant 0 : i32
    %dma_wait3A_386 = tpu.memref_slice %arg5[%dma_wait3A_384, %dma_wait3A_385] : memref<4096x128xf32, #tpu.memory_space<hbm>> -> memref<4096x128xf32, #tpu.memory_space<hbm>>
    tpu.wait_indirect_dma semaphore(%arg25 : memref<!tpu.dma_semaphore, #tpu.memory_space<semaphore_mem>>) src(%dma_wait3A_386 : memref<4096x128xf32, #tpu.memory_space<hbm>>) dst(%arg19 : memref<128x128xf32, #tpu.memory_space<vmem>>)
    %get3A_387 = arith.constant 192 : index
    %get3A_388 = tpu.vector_load %arg14[%get3A_387] {strides = array<i32>} : memref<256xi32, #tpu.memory_space<vmem>>, vector<16xi32>,
    %add3A_389 = arith.constant 0 : i32
    %add3A_390 = vector.broadcast %add3A_389 : i32 to vector<16xi32>
    %add3A_391 = arith.addi %iota3A, %add3A_390 : vector<16xi32>
    %mul3A_392 = arith.constant 2 : i32
    %mul3A_393 = vector.broadcast %mul3A_392 : i32 to vector<16xi32>
    %mul3A_394 = arith.muli %add3A_391, %mul3A_393 : vector<16xi32>
    %and3A_395 = arith.constant 127 : i32
    %and3A_396 = vector.broadcast %and3A_395 : i32 to vector<16xi32>
    %and3A_397 = arith.andi %mul3A_394, %and3A_396 : vector<16xi32>
    %and3A_398 = arith.constant 127 : i32
    %and3A_399 = vector.broadcast %and3A_398 : i32 to vector<16xi32>
    %and3A_400 = arith.andi %get3A_388, %and3A_399 : vector<16xi32>
    %gather3A_401 = tpu.vector_load_idx %arg19[%and3A_397, %and3A_400] : memref<128x128xf32, #tpu.memory_space<vmem>>[vector<16xi32>, vector<16xi32>], vector<16xf32>,
    %add3A_402 = arith.constant 1 : i32
    %add3A_403 = vector.broadcast %add3A_402 : i32 to vector<16xi32>
    %add3A_404 = arith.addi %and3A_397, %add3A_403 : vector<16xi32>
    %gather3A_405 = tpu.vector_load_idx %arg19[%add3A_404, %and3A_400] : memref<128x128xf32, #tpu.memory_space<vmem>>[vector<16xi32>, vector<16xi32>], vector<16xf32>,
    %add3A_406 = arith.constant 192 : i32
    %add3A_407 = vector.broadcast %add3A_406 : i32 to vector<16xi32>
    %add3A_408 = arith.addi %add3A_391, %add3A_407 : vector<16xi32>
    tpu.vector_store_idx %arg20[%add3A_408, %broadcast_in_dim3A_1], %gather3A_401 : memref<256x2xf32, #tpu.memory_space<vmem>>[vector<16xi32>, vector<16xi32>], vector<16xf32>,
    tpu.vector_store_idx %arg20[%add3A_408, %broadcast_in_dim3A_3], %gather3A_405 : memref<256x2xf32, #tpu.memory_space<vmem>>[vector<16xi32>, vector<16xi32>], vector<16xf32>,
    %get3A_409 = arith.constant 208 : index
    %get3A_410 = tpu.vector_load %arg14[%get3A_409] {strides = array<i32>} : memref<256xi32, #tpu.memory_space<vmem>>, vector<16xi32>,
    %add3A_411 = arith.constant 16 : i32
    %add3A_412 = vector.broadcast %add3A_411 : i32 to vector<16xi32>
    %add3A_413 = arith.addi %iota3A, %add3A_412 : vector<16xi32>
    %mul3A_414 = arith.constant 2 : i32
    %mul3A_415 = vector.broadcast %mul3A_414 : i32 to vector<16xi32>
    %mul3A_416 = arith.muli %add3A_413, %mul3A_415 : vector<16xi32>
    %and3A_417 = arith.constant 127 : i32
    %and3A_418 = vector.broadcast %and3A_417 : i32 to vector<16xi32>
    %and3A_419 = arith.andi %mul3A_416, %and3A_418 : vector<16xi32>
    %and3A_420 = arith.constant 127 : i32
    %and3A_421 = vector.broadcast %and3A_420 : i32 to vector<16xi32>
    %and3A_422 = arith.andi %get3A_410, %and3A_421 : vector<16xi32>
    %gather3A_423 = tpu.vector_load_idx %arg19[%and3A_419, %and3A_422] : memref<128x128xf32, #tpu.memory_space<vmem>>[vector<16xi32>, vector<16xi32>], vector<16xf32>,
    %add3A_424 = arith.constant 1 : i32
    %add3A_425 = vector.broadcast %add3A_424 : i32 to vector<16xi32>
    %add3A_426 = arith.addi %and3A_419, %add3A_425 : vector<16xi32>
    %gather3A_427 = tpu.vector_load_idx %arg19[%add3A_426, %and3A_422] : memref<128x128xf32, #tpu.memory_space<vmem>>[vector<16xi32>, vector<16xi32>], vector<16xf32>,
    %add3A_428 = arith.constant 192 : i32
    %add3A_429 = vector.broadcast %add3A_428 : i32 to vector<16xi32>
    %add3A_430 = arith.addi %add3A_413, %add3A_429 : vector<16xi32>
    tpu.vector_store_idx %arg20[%add3A_430, %broadcast_in_dim3A_1], %gather3A_423 : memref<256x2xf32, #tpu.memory_space<vmem>>[vector<16xi32>, vector<16xi32>], vector<16xf32>,
    tpu.vector_store_idx %arg20[%add3A_430, %broadcast_in_dim3A_3], %gather3A_427 : memref<256x2xf32, #tpu.memory_space<vmem>>[vector<16xi32>, vector<16xi32>], vector<16xf32>,
    %get3A_431 = arith.constant 224 : index
    %get3A_432 = tpu.vector_load %arg14[%get3A_431] {strides = array<i32>} : memref<256xi32, #tpu.memory_space<vmem>>, vector<16xi32>,
    %add3A_433 = arith.constant 32 : i32
    %add3A_434 = vector.broadcast %add3A_433 : i32 to vector<16xi32>
    %add3A_435 = arith.addi %iota3A, %add3A_434 : vector<16xi32>
    %mul3A_436 = arith.constant 2 : i32
    %mul3A_437 = vector.broadcast %mul3A_436 : i32 to vector<16xi32>
    %mul3A_438 = arith.muli %add3A_435, %mul3A_437 : vector<16xi32>
    %and3A_439 = arith.constant 127 : i32
    %and3A_440 = vector.broadcast %and3A_439 : i32 to vector<16xi32>
    %and3A_441 = arith.andi %mul3A_438, %and3A_440 : vector<16xi32>
    %and3A_442 = arith.constant 127 : i32
    %and3A_443 = vector.broadcast %and3A_442 : i32 to vector<16xi32>
    %and3A_444 = arith.andi %get3A_432, %and3A_443 : vector<16xi32>
    %gather3A_445 = tpu.vector_load_idx %arg19[%and3A_441, %and3A_444] : memref<128x128xf32, #tpu.memory_space<vmem>>[vector<16xi32>, vector<16xi32>], vector<16xf32>,
    %add3A_446 = arith.constant 1 : i32
    %add3A_447 = vector.broadcast %add3A_446 : i32 to vector<16xi32>
    %add3A_448 = arith.addi %and3A_441, %add3A_447 : vector<16xi32>
    %gather3A_449 = tpu.vector_load_idx %arg19[%add3A_448, %and3A_444] : memref<128x128xf32, #tpu.memory_space<vmem>>[vector<16xi32>, vector<16xi32>], vector<16xf32>,
    %add3A_450 = arith.constant 192 : i32
    %add3A_451 = vector.broadcast %add3A_450 : i32 to vector<16xi32>
    %add3A_452 = arith.addi %add3A_435, %add3A_451 : vector<16xi32>
    tpu.vector_store_idx %arg20[%add3A_452, %broadcast_in_dim3A_1], %gather3A_445 : memref<256x2xf32, #tpu.memory_space<vmem>>[vector<16xi32>, vector<16xi32>], vector<16xf32>,
    tpu.vector_store_idx %arg20[%add3A_452, %broadcast_in_dim3A_3], %gather3A_449 : memref<256x2xf32, #tpu.memory_space<vmem>>[vector<16xi32>, vector<16xi32>], vector<16xf32>,
    %get3A_453 = arith.constant 240 : index
    %get3A_454 = tpu.vector_load %arg14[%get3A_453] {strides = array<i32>} : memref<256xi32, #tpu.memory_space<vmem>>, vector<16xi32>,
    %add3A_455 = arith.constant 48 : i32
    %add3A_456 = vector.broadcast %add3A_455 : i32 to vector<16xi32>
    %add3A_457 = arith.addi %iota3A, %add3A_456 : vector<16xi32>
    %mul3A_458 = arith.constant 2 : i32
    %mul3A_459 = vector.broadcast %mul3A_458 : i32 to vector<16xi32>
    %mul3A_460 = arith.muli %add3A_457, %mul3A_459 : vector<16xi32>
    %and3A_461 = arith.constant 127 : i32
    %and3A_462 = vector.broadcast %and3A_461 : i32 to vector<16xi32>
    %and3A_463 = arith.andi %mul3A_460, %and3A_462 : vector<16xi32>
    %and3A_464 = arith.constant 127 : i32
    %and3A_465 = vector.broadcast %and3A_464 : i32 to vector<16xi32>
    %and3A_466 = arith.andi %get3A_454, %and3A_465 : vector<16xi32>
    %gather3A_467 = tpu.vector_load_idx %arg19[%and3A_463, %and3A_466] : memref<128x128xf32, #tpu.memory_space<vmem>>[vector<16xi32>, vector<16xi32>], vector<16xf32>,
    %add3A_468 = arith.constant 1 : i32
    %add3A_469 = vector.broadcast %add3A_468 : i32 to vector<16xi32>
    %add3A_470 = arith.addi %and3A_463, %add3A_469 : vector<16xi32>
    %gather3A_471 = tpu.vector_load_idx %arg19[%add3A_470, %and3A_466] : memref<128x128xf32, #tpu.memory_space<vmem>>[vector<16xi32>, vector<16xi32>], vector<16xf32>,
    %add3A_472 = arith.constant 192 : i32
    %add3A_473 = vector.broadcast %add3A_472 : i32 to vector<16xi32>
    %add3A_474 = arith.addi %add3A_457, %add3A_473 : vector<16xi32>
    tpu.vector_store_idx %arg20[%add3A_474, %broadcast_in_dim3A_1], %gather3A_467 : memref<256x2xf32, #tpu.memory_space<vmem>>[vector<16xi32>, vector<16xi32>], vector<16xf32>,
    tpu.vector_store_idx %arg20[%add3A_474, %broadcast_in_dim3A_3], %gather3A_471 : memref<256x2xf32, #tpu.memory_space<vmem>>[vector<16xi32>, vector<16xi32>], vector<16xf32>,
    %dma_start3A_475 = arith.constant 0 : i32
    %dma_start3A_476 = arith.constant 0 : i32
    %dma_start3A_477 = tpu.memref_slice %arg16[%dma_start3A_475, %dma_start3A_476] : memref<2x128xi32, #tpu.memory_space<vmem>> -> memref<1x128xi32, #tpu.memory_space<vmem>>
    %dma_start3A_478 = tpu.memref_squeeze %dma_start3A_477 : memref<1x128xi32, #tpu.memory_space<vmem>> -> memref<128xi32, #tpu.memory_space<vmem>>
    %dma_start3A_479 = arith.constant 0 : i32
    %dma_start3A_480 = arith.constant 0 : i32
    %dma_start3A_481 = tpu.memref_slice %arg6[%dma_start3A_479, %dma_start3A_480] : memref<2048x128xf32, #tpu.memory_space<hbm>> -> memref<2048x128xf32, #tpu.memory_space<hbm>>
    tpu.enqueue_indirect_dma source(%dma_start3A_481 : memref<2048x128xf32, #tpu.memory_space<hbm>>) target(%arg19 : memref<128x128xf32, #tpu.memory_space<vmem>>) offsets(%dma_start3A_478 : memref<128xi32, #tpu.memory_space<vmem>>) semaphore(%arg25 : memref<!tpu.dma_semaphore, #tpu.memory_space<semaphore_mem>>)
    %dma_wait3A_482 = arith.constant 0 : i32
    %dma_wait3A_483 = arith.constant 0 : i32
    %dma_wait3A_484 = tpu.memref_slice %arg16[%dma_wait3A_482, %dma_wait3A_483] : memref<2x128xi32, #tpu.memory_space<vmem>> -> memref<1x128xi32, #tpu.memory_space<vmem>>
    %dma_wait3A_485 = tpu.memref_squeeze %dma_wait3A_484 : memref<1x128xi32, #tpu.memory_space<vmem>> -> memref<128xi32, #tpu.memory_space<vmem>>
    %dma_wait3A_486 = arith.constant 0 : i32
    %dma_wait3A_487 = arith.constant 0 : i32
    %dma_wait3A_488 = tpu.memref_slice %arg6[%dma_wait3A_486, %dma_wait3A_487] : memref<2048x128xf32, #tpu.memory_space<hbm>> -> memref<2048x128xf32, #tpu.memory_space<hbm>>
    tpu.wait_indirect_dma semaphore(%arg25 : memref<!tpu.dma_semaphore, #tpu.memory_space<semaphore_mem>>) src(%dma_wait3A_488 : memref<2048x128xf32, #tpu.memory_space<hbm>>) dst(%arg19 : memref<128x128xf32, #tpu.memory_space<vmem>>)
    %get3A_489 = arith.constant 0 : index
    %get3A_490 = tpu.vector_load %arg14[%get3A_489] {strides = array<i32>} : memref<256xi32, #tpu.memory_space<vmem>>, vector<16xi32>,
    %add3A_491 = arith.constant 0 : i32
    %add3A_492 = vector.broadcast %add3A_491 : i32 to vector<16xi32>
    %add3A_493 = arith.addi %iota3A, %add3A_492 : vector<16xi32>
    %and3A_494 = arith.constant 127 : i32
    %and3A_495 = vector.broadcast %and3A_494 : i32 to vector<16xi32>
    %and3A_496 = arith.andi %get3A_490, %and3A_495 : vector<16xi32>
    %gather3A_497 = tpu.vector_load_idx %arg19[%add3A_493, %and3A_496] : memref<128x128xf32, #tpu.memory_space<vmem>>[vector<16xi32>, vector<16xi32>], vector<16xf32>,
    %swap3A = arith.constant 0 : index
    %swap3A_498 = tpu.vector_load %arg21[%swap3A] {strides = array<i32>} : memref<256xf32, #tpu.memory_space<vmem>>, vector<16xf32>,
    tpu.vector_store %arg21[%swap3A], %gather3A_497 {strides = array<i32>} : memref<256xf32, #tpu.memory_space<vmem>>, vector<16xf32>,
    %get3A_499 = arith.constant 16 : index
    %get3A_500 = tpu.vector_load %arg14[%get3A_499] {strides = array<i32>} : memref<256xi32, #tpu.memory_space<vmem>>, vector<16xi32>,
    %add3A_501 = arith.constant 16 : i32
    %add3A_502 = vector.broadcast %add3A_501 : i32 to vector<16xi32>
    %add3A_503 = arith.addi %iota3A, %add3A_502 : vector<16xi32>
    %and3A_504 = arith.constant 127 : i32
    %and3A_505 = vector.broadcast %and3A_504 : i32 to vector<16xi32>
    %and3A_506 = arith.andi %get3A_500, %and3A_505 : vector<16xi32>
    %gather3A_507 = tpu.vector_load_idx %arg19[%add3A_503, %and3A_506] : memref<128x128xf32, #tpu.memory_space<vmem>>[vector<16xi32>, vector<16xi32>], vector<16xf32>,
    %swap3A_508 = arith.constant 16 : index
    %swap3A_509 = tpu.vector_load %arg21[%swap3A_508] {strides = array<i32>} : memref<256xf32, #tpu.memory_space<vmem>>, vector<16xf32>,
    tpu.vector_store %arg21[%swap3A_508], %gather3A_507 {strides = array<i32>} : memref<256xf32, #tpu.memory_space<vmem>>, vector<16xf32>,
    %get3A_510 = arith.constant 32 : index
    %get3A_511 = tpu.vector_load %arg14[%get3A_510] {strides = array<i32>} : memref<256xi32, #tpu.memory_space<vmem>>, vector<16xi32>,
    %add3A_512 = arith.constant 32 : i32
    %add3A_513 = vector.broadcast %add3A_512 : i32 to vector<16xi32>
    %add3A_514 = arith.addi %iota3A, %add3A_513 : vector<16xi32>
    %and3A_515 = arith.constant 127 : i32
    %and3A_516 = vector.broadcast %and3A_515 : i32 to vector<16xi32>
    %and3A_517 = arith.andi %get3A_511, %and3A_516 : vector<16xi32>
    %gather3A_518 = tpu.vector_load_idx %arg19[%add3A_514, %and3A_517] : memref<128x128xf32, #tpu.memory_space<vmem>>[vector<16xi32>, vector<16xi32>], vector<16xf32>,
    %swap3A_519 = arith.constant 32 : index
    %swap3A_520 = tpu.vector_load %arg21[%swap3A_519] {strides = array<i32>} : memref<256xf32, #tpu.memory_space<vmem>>, vector<16xf32>,
    tpu.vector_store %arg21[%swap3A_519], %gather3A_518 {strides = array<i32>} : memref<256xf32, #tpu.memory_space<vmem>>, vector<16xf32>,
    %get3A_521 = arith.constant 48 : index
    %get3A_522 = tpu.vector_load %arg14[%get3A_521] {strides = array<i32>} : memref<256xi32, #tpu.memory_space<vmem>>, vector<16xi32>,
    %add3A_523 = arith.constant 48 : i32
    %add3A_524 = vector.broadcast %add3A_523 : i32 to vector<16xi32>
    %add3A_525 = arith.addi %iota3A, %add3A_524 : vector<16xi32>
    %and3A_526 = arith.constant 127 : i32
    %and3A_527 = vector.broadcast %and3A_526 : i32 to vector<16xi32>
    %and3A_528 = arith.andi %get3A_522, %and3A_527 : vector<16xi32>
    %gather3A_529 = tpu.vector_load_idx %arg19[%add3A_525, %and3A_528] : memref<128x128xf32, #tpu.memory_space<vmem>>[vector<16xi32>, vector<16xi32>], vector<16xf32>,
    %swap3A_530 = arith.constant 48 : index
    %swap3A_531 = tpu.vector_load %arg21[%swap3A_530] {strides = array<i32>} : memref<256xf32, #tpu.memory_space<vmem>>, vector<16xf32>,
    tpu.vector_store %arg21[%swap3A_530], %gather3A_529 {strides = array<i32>} : memref<256xf32, #tpu.memory_space<vmem>>, vector<16xf32>,
    %get3A_532 = arith.constant 64 : index
    %get3A_533 = tpu.vector_load %arg14[%get3A_532] {strides = array<i32>} : memref<256xi32, #tpu.memory_space<vmem>>, vector<16xi32>,
    %add3A_534 = arith.constant 64 : i32
    %add3A_535 = vector.broadcast %add3A_534 : i32 to vector<16xi32>
    %add3A_536 = arith.addi %iota3A, %add3A_535 : vector<16xi32>
    %and3A_537 = arith.constant 127 : i32
    %and3A_538 = vector.broadcast %and3A_537 : i32 to vector<16xi32>
    %and3A_539 = arith.andi %get3A_533, %and3A_538 : vector<16xi32>
    %gather3A_540 = tpu.vector_load_idx %arg19[%add3A_536, %and3A_539] : memref<128x128xf32, #tpu.memory_space<vmem>>[vector<16xi32>, vector<16xi32>], vector<16xf32>,
    %swap3A_541 = arith.constant 64 : index
    %swap3A_542 = tpu.vector_load %arg21[%swap3A_541] {strides = array<i32>} : memref<256xf32, #tpu.memory_space<vmem>>, vector<16xf32>,
    tpu.vector_store %arg21[%swap3A_541], %gather3A_540 {strides = array<i32>} : memref<256xf32, #tpu.memory_space<vmem>>, vector<16xf32>,
    %get3A_543 = arith.constant 80 : index
    %get3A_544 = tpu.vector_load %arg14[%get3A_543] {strides = array<i32>} : memref<256xi32, #tpu.memory_space<vmem>>, vector<16xi32>,
    %add3A_545 = arith.constant 80 : i32
    %add3A_546 = vector.broadcast %add3A_545 : i32 to vector<16xi32>
    %add3A_547 = arith.addi %iota3A, %add3A_546 : vector<16xi32>
    %and3A_548 = arith.constant 127 : i32
    %and3A_549 = vector.broadcast %and3A_548 : i32 to vector<16xi32>
    %and3A_550 = arith.andi %get3A_544, %and3A_549 : vector<16xi32>
    %gather3A_551 = tpu.vector_load_idx %arg19[%add3A_547, %and3A_550] : memref<128x128xf32, #tpu.memory_space<vmem>>[vector<16xi32>, vector<16xi32>], vector<16xf32>,
    %swap3A_552 = arith.constant 80 : index
    %swap3A_553 = tpu.vector_load %arg21[%swap3A_552] {strides = array<i32>} : memref<256xf32, #tpu.memory_space<vmem>>, vector<16xf32>,
    tpu.vector_store %arg21[%swap3A_552], %gather3A_551 {strides = array<i32>} : memref<256xf32, #tpu.memory_space<vmem>>, vector<16xf32>,
    %get3A_554 = arith.constant 96 : index
    %get3A_555 = tpu.vector_load %arg14[%get3A_554] {strides = array<i32>} : memref<256xi32, #tpu.memory_space<vmem>>, vector<16xi32>,
    %add3A_556 = arith.constant 96 : i32
    %add3A_557 = vector.broadcast %add3A_556 : i32 to vector<16xi32>
    %add3A_558 = arith.addi %iota3A, %add3A_557 : vector<16xi32>
    %and3A_559 = arith.constant 127 : i32
    %and3A_560 = vector.broadcast %and3A_559 : i32 to vector<16xi32>
    %and3A_561 = arith.andi %get3A_555, %and3A_560 : vector<16xi32>
    %gather3A_562 = tpu.vector_load_idx %arg19[%add3A_558, %and3A_561] : memref<128x128xf32, #tpu.memory_space<vmem>>[vector<16xi32>, vector<16xi32>], vector<16xf32>,
    %swap3A_563 = arith.constant 96 : index
    %swap3A_564 = tpu.vector_load %arg21[%swap3A_563] {strides = array<i32>} : memref<256xf32, #tpu.memory_space<vmem>>, vector<16xf32>,
    tpu.vector_store %arg21[%swap3A_563], %gather3A_562 {strides = array<i32>} : memref<256xf32, #tpu.memory_space<vmem>>, vector<16xf32>,
    %get3A_565 = arith.constant 112 : index
    %get3A_566 = tpu.vector_load %arg14[%get3A_565] {strides = array<i32>} : memref<256xi32, #tpu.memory_space<vmem>>, vector<16xi32>,
    %add3A_567 = arith.constant 112 : i32
    %add3A_568 = vector.broadcast %add3A_567 : i32 to vector<16xi32>
    %add3A_569 = arith.addi %iota3A, %add3A_568 : vector<16xi32>
    %and3A_570 = arith.constant 127 : i32
    %and3A_571 = vector.broadcast %and3A_570 : i32 to vector<16xi32>
    %and3A_572 = arith.andi %get3A_566, %and3A_571 : vector<16xi32>
    %gather3A_573 = tpu.vector_load_idx %arg19[%add3A_569, %and3A_572] : memref<128x128xf32, #tpu.memory_space<vmem>>[vector<16xi32>, vector<16xi32>], vector<16xf32>,
    %swap3A_574 = arith.constant 112 : index
    %swap3A_575 = tpu.vector_load %arg21[%swap3A_574] {strides = array<i32>} : memref<256xf32, #tpu.memory_space<vmem>>, vector<16xf32>,
    tpu.vector_store %arg21[%swap3A_574], %gather3A_573 {strides = array<i32>} : memref<256xf32, #tpu.memory_space<vmem>>, vector<16xf32>,
    %dma_start3A_576 = arith.constant 1 : i32
    %dma_start3A_577 = arith.constant 0 : i32
    %dma_start3A_578 = tpu.memref_slice %arg16[%dma_start3A_576, %dma_start3A_577] : memref<2x128xi32, #tpu.memory_space<vmem>> -> memref<1x128xi32, #tpu.memory_space<vmem>>
    %dma_start3A_579 = tpu.memref_squeeze %dma_start3A_578 : memref<1x128xi32, #tpu.memory_space<vmem>> -> memref<128xi32, #tpu.memory_space<vmem>>
    %dma_start3A_580 = arith.constant 0 : i32
    %dma_start3A_581 = arith.constant 0 : i32
    %dma_start3A_582 = tpu.memref_slice %arg6[%dma_start3A_580, %dma_start3A_581] : memref<2048x128xf32, #tpu.memory_space<hbm>> -> memref<2048x128xf32, #tpu.memory_space<hbm>>
    tpu.enqueue_indirect_dma source(%dma_start3A_582 : memref<2048x128xf32, #tpu.memory_space<hbm>>) target(%arg19 : memref<128x128xf32, #tpu.memory_space<vmem>>) offsets(%dma_start3A_579 : memref<128xi32, #tpu.memory_space<vmem>>) semaphore(%arg25 : memref<!tpu.dma_semaphore, #tpu.memory_space<semaphore_mem>>)
    %dma_wait3A_583 = arith.constant 1 : i32
    %dma_wait3A_584 = arith.constant 0 : i32
    %dma_wait3A_585 = tpu.memref_slice %arg16[%dma_wait3A_583, %dma_wait3A_584] : memref<2x128xi32, #tpu.memory_space<vmem>> -> memref<1x128xi32, #tpu.memory_space<vmem>>
    %dma_wait3A_586 = tpu.memref_squeeze %dma_wait3A_585 : memref<1x128xi32, #tpu.memory_space<vmem>> -> memref<128xi32, #tpu.memory_space<vmem>>
    %dma_wait3A_587 = arith.constant 0 : i32
    %dma_wait3A_588 = arith.constant 0 : i32
    %dma_wait3A_589 = tpu.memref_slice %arg6[%dma_wait3A_587, %dma_wait3A_588] : memref<2048x128xf32, #tpu.memory_space<hbm>> -> memref<2048x128xf32, #tpu.memory_space<hbm>>
    tpu.wait_indirect_dma semaphore(%arg25 : memref<!tpu.dma_semaphore, #tpu.memory_space<semaphore_mem>>) src(%dma_wait3A_589 : memref<2048x128xf32, #tpu.memory_space<hbm>>) dst(%arg19 : memref<128x128xf32, #tpu.memory_space<vmem>>)
    %get3A_590 = arith.constant 128 : index
    %get3A_591 = tpu.vector_load %arg14[%get3A_590] {strides = array<i32>} : memref<256xi32, #tpu.memory_space<vmem>>, vector<16xi32>,
    %add3A_592 = arith.constant 0 : i32
    %add3A_593 = vector.broadcast %add3A_592 : i32 to vector<16xi32>
    %add3A_594 = arith.addi %iota3A, %add3A_593 : vector<16xi32>
    %and3A_595 = arith.constant 127 : i32
    %and3A_596 = vector.broadcast %and3A_595 : i32 to vector<16xi32>
    %and3A_597 = arith.andi %get3A_591, %and3A_596 : vector<16xi32>
    %gather3A_598 = tpu.vector_load_idx %arg19[%add3A_594, %and3A_597] : memref<128x128xf32, #tpu.memory_space<vmem>>[vector<16xi32>, vector<16xi32>], vector<16xf32>,
    %swap3A_599 = arith.constant 128 : index
    %swap3A_600 = tpu.vector_load %arg21[%swap3A_599] {strides = array<i32>} : memref<256xf32, #tpu.memory_space<vmem>>, vector<16xf32>,
    tpu.vector_store %arg21[%swap3A_599], %gather3A_598 {strides = array<i32>} : memref<256xf32, #tpu.memory_space<vmem>>, vector<16xf32>,
    %get3A_601 = arith.constant 144 : index
    %get3A_602 = tpu.vector_load %arg14[%get3A_601] {strides = array<i32>} : memref<256xi32, #tpu.memory_space<vmem>>, vector<16xi32>,
    %add3A_603 = arith.constant 16 : i32
    %add3A_604 = vector.broadcast %add3A_603 : i32 to vector<16xi32>
    %add3A_605 = arith.addi %iota3A, %add3A_604 : vector<16xi32>
    %and3A_606 = arith.constant 127 : i32
    %and3A_607 = vector.broadcast %and3A_606 : i32 to vector<16xi32>
    %and3A_608 = arith.andi %get3A_602, %and3A_607 : vector<16xi32>
    %gather3A_609 = tpu.vector_load_idx %arg19[%add3A_605, %and3A_608] : memref<128x128xf32, #tpu.memory_space<vmem>>[vector<16xi32>, vector<16xi32>], vector<16xf32>,
    %swap3A_610 = arith.constant 144 : index
    %swap3A_611 = tpu.vector_load %arg21[%swap3A_610] {strides = array<i32>} : memref<256xf32, #tpu.memory_space<vmem>>, vector<16xf32>,
    tpu.vector_store %arg21[%swap3A_610], %gather3A_609 {strides = array<i32>} : memref<256xf32, #tpu.memory_space<vmem>>, vector<16xf32>,
    %get3A_612 = arith.constant 160 : index
    %get3A_613 = tpu.vector_load %arg14[%get3A_612] {strides = array<i32>} : memref<256xi32, #tpu.memory_space<vmem>>, vector<16xi32>,
    %add3A_614 = arith.constant 32 : i32
    %add3A_615 = vector.broadcast %add3A_614 : i32 to vector<16xi32>
    %add3A_616 = arith.addi %iota3A, %add3A_615 : vector<16xi32>
    %and3A_617 = arith.constant 127 : i32
    %and3A_618 = vector.broadcast %and3A_617 : i32 to vector<16xi32>
    %and3A_619 = arith.andi %get3A_613, %and3A_618 : vector<16xi32>
    %gather3A_620 = tpu.vector_load_idx %arg19[%add3A_616, %and3A_619] : memref<128x128xf32, #tpu.memory_space<vmem>>[vector<16xi32>, vector<16xi32>], vector<16xf32>,
    %swap3A_621 = arith.constant 160 : index
    %swap3A_622 = tpu.vector_load %arg21[%swap3A_621] {strides = array<i32>} : memref<256xf32, #tpu.memory_space<vmem>>, vector<16xf32>,
    tpu.vector_store %arg21[%swap3A_621], %gather3A_620 {strides = array<i32>} : memref<256xf32, #tpu.memory_space<vmem>>, vector<16xf32>,
    %get3A_623 = arith.constant 176 : index
    %get3A_624 = tpu.vector_load %arg14[%get3A_623] {strides = array<i32>} : memref<256xi32, #tpu.memory_space<vmem>>, vector<16xi32>,
    %add3A_625 = arith.constant 48 : i32
    %add3A_626 = vector.broadcast %add3A_625 : i32 to vector<16xi32>
    %add3A_627 = arith.addi %iota3A, %add3A_626 : vector<16xi32>
    %and3A_628 = arith.constant 127 : i32
    %and3A_629 = vector.broadcast %and3A_628 : i32 to vector<16xi32>
    %and3A_630 = arith.andi %get3A_624, %and3A_629 : vector<16xi32>
    %gather3A_631 = tpu.vector_load_idx %arg19[%add3A_627, %and3A_630] : memref<128x128xf32, #tpu.memory_space<vmem>>[vector<16xi32>, vector<16xi32>], vector<16xf32>,
    %swap3A_632 = arith.constant 176 : index
    %swap3A_633 = tpu.vector_load %arg21[%swap3A_632] {strides = array<i32>} : memref<256xf32, #tpu.memory_space<vmem>>, vector<16xf32>,
    tpu.vector_store %arg21[%swap3A_632], %gather3A_631 {strides = array<i32>} : memref<256xf32, #tpu.memory_space<vmem>>, vector<16xf32>,
    %get3A_634 = arith.constant 192 : index
    %get3A_635 = tpu.vector_load %arg14[%get3A_634] {strides = array<i32>} : memref<256xi32, #tpu.memory_space<vmem>>, vector<16xi32>,
    %add3A_636 = arith.constant 64 : i32
    %add3A_637 = vector.broadcast %add3A_636 : i32 to vector<16xi32>
    %add3A_638 = arith.addi %iota3A, %add3A_637 : vector<16xi32>
    %and3A_639 = arith.constant 127 : i32
    %and3A_640 = vector.broadcast %and3A_639 : i32 to vector<16xi32>
    %and3A_641 = arith.andi %get3A_635, %and3A_640 : vector<16xi32>
    %gather3A_642 = tpu.vector_load_idx %arg19[%add3A_638, %and3A_641] : memref<128x128xf32, #tpu.memory_space<vmem>>[vector<16xi32>, vector<16xi32>], vector<16xf32>,
    %swap3A_643 = arith.constant 192 : index
    %swap3A_644 = tpu.vector_load %arg21[%swap3A_643] {strides = array<i32>} : memref<256xf32, #tpu.memory_space<vmem>>, vector<16xf32>,
    tpu.vector_store %arg21[%swap3A_643], %gather3A_642 {strides = array<i32>} : memref<256xf32, #tpu.memory_space<vmem>>, vector<16xf32>,
    %get3A_645 = arith.constant 208 : index
    %get3A_646 = tpu.vector_load %arg14[%get3A_645] {strides = array<i32>} : memref<256xi32, #tpu.memory_space<vmem>>, vector<16xi32>,
    %add3A_647 = arith.constant 80 : i32
    %add3A_648 = vector.broadcast %add3A_647 : i32 to vector<16xi32>
    %add3A_649 = arith.addi %iota3A, %add3A_648 : vector<16xi32>
    %and3A_650 = arith.constant 127 : i32
    %and3A_651 = vector.broadcast %and3A_650 : i32 to vector<16xi32>
    %and3A_652 = arith.andi %get3A_646, %and3A_651 : vector<16xi32>
    %gather3A_653 = tpu.vector_load_idx %arg19[%add3A_649, %and3A_652] : memref<128x128xf32, #tpu.memory_space<vmem>>[vector<16xi32>, vector<16xi32>], vector<16xf32>,
    %swap3A_654 = arith.constant 208 : index
    %swap3A_655 = tpu.vector_load %arg21[%swap3A_654] {strides = array<i32>} : memref<256xf32, #tpu.memory_space<vmem>>, vector<16xf32>,
    tpu.vector_store %arg21[%swap3A_654], %gather3A_653 {strides = array<i32>} : memref<256xf32, #tpu.memory_space<vmem>>, vector<16xf32>,
    %get3A_656 = arith.constant 224 : index
    %get3A_657 = tpu.vector_load %arg14[%get3A_656] {strides = array<i32>} : memref<256xi32, #tpu.memory_space<vmem>>, vector<16xi32>,
    %add3A_658 = arith.constant 96 : i32
    %add3A_659 = vector.broadcast %add3A_658 : i32 to vector<16xi32>
    %add3A_660 = arith.addi %iota3A, %add3A_659 : vector<16xi32>
    %and3A_661 = arith.constant 127 : i32
    %and3A_662 = vector.broadcast %and3A_661 : i32 to vector<16xi32>
    %and3A_663 = arith.andi %get3A_657, %and3A_662 : vector<16xi32>
    %gather3A_664 = tpu.vector_load_idx %arg19[%add3A_660, %and3A_663] : memref<128x128xf32, #tpu.memory_space<vmem>>[vector<16xi32>, vector<16xi32>], vector<16xf32>,
    %swap3A_665 = arith.constant 224 : index
    %swap3A_666 = tpu.vector_load %arg21[%swap3A_665] {strides = array<i32>} : memref<256xf32, #tpu.memory_space<vmem>>, vector<16xf32>,
    tpu.vector_store %arg21[%swap3A_665], %gather3A_664 {strides = array<i32>} : memref<256xf32, #tpu.memory_space<vmem>>, vector<16xf32>,
    %get3A_667 = arith.constant 240 : index
    %get3A_668 = tpu.vector_load %arg14[%get3A_667] {strides = array<i32>} : memref<256xi32, #tpu.memory_space<vmem>>, vector<16xi32>,
    %add3A_669 = arith.constant 112 : i32
    %add3A_670 = vector.broadcast %add3A_669 : i32 to vector<16xi32>
    %add3A_671 = arith.addi %iota3A, %add3A_670 : vector<16xi32>
    %and3A_672 = arith.constant 127 : i32
    %and3A_673 = vector.broadcast %and3A_672 : i32 to vector<16xi32>
    %and3A_674 = arith.andi %get3A_668, %and3A_673 : vector<16xi32>
    %gather3A_675 = tpu.vector_load_idx %arg19[%add3A_671, %and3A_674] : memref<128x128xf32, #tpu.memory_space<vmem>>[vector<16xi32>, vector<16xi32>], vector<16xf32>,
    %swap3A_676 = arith.constant 240 : index
    %swap3A_677 = tpu.vector_load %arg21[%swap3A_676] {strides = array<i32>} : memref<256xf32, #tpu.memory_space<vmem>>, vector<16xf32>,
    tpu.vector_store %arg21[%swap3A_676], %gather3A_675 {strides = array<i32>} : memref<256xf32, #tpu.memory_space<vmem>>, vector<16xf32>,
    %get3A_678 = arith.constant 0 : index
    %get3A_679 = tpu.vector_load %arg14[%get3A_678] {strides = array<i32>} : memref<256xi32, #tpu.memory_space<vmem>>, vector<16xi32>,
    %mul3A_680 = arith.constant 16384 : i32
    %mul3A_681 = arith.muli %arg1, %mul3A_680 : i32
    %sub3A = vector.broadcast %mul3A_681 : i32 to vector<16xi32>
    %sub3A_682 = arith.subi %get3A_679, %sub3A : vector<16xi32>
    %add3A_683 = arith.constant 0 : i32
    %add3A_684 = vector.broadcast %add3A_683 : i32 to vector<16xi32>
    %add3A_685 = arith.addi %iota3A, %add3A_684 : vector<16xi32>
    %shift_right_arithmetic3A = arith.constant 7 : i32
    %shift_right_arithmetic3A_686 = vector.broadcast %shift_right_arithmetic3A : i32 to vector<16xi32>
    %shift_right_arithmetic3A_687 = arith.shrsi %sub3A_682, %shift_right_arithmetic3A_686 : vector<16xi32>
    tpu.vector_store_idx %arg22[%add3A_685, %broadcast_in_dim3A_1], %shift_right_arithmetic3A_687 : memref<256x2xi32, #tpu.memory_space<vmem>>[vector<16xi32>, vector<16xi32>], vector<16xi32>,
    %and3A_688 = arith.constant 127 : i32
    %and3A_689 = vector.broadcast %and3A_688 : i32 to vector<16xi32>
    %and3A_690 = arith.andi %sub3A_682, %and3A_689 : vector<16xi32>
    %add3A_691 = arith.constant 1 : i32
    %add3A_692 = vector.broadcast %add3A_691 : i32 to vector<16xi32>
    %add3A_693 = arith.addi %and3A_690, %add3A_692 : vector<16xi32>
    tpu.vector_store_idx %arg22[%add3A_685, %broadcast_in_dim3A_3], %add3A_693 : memref<256x2xi32, #tpu.memory_space<vmem>>[vector<16xi32>, vector<16xi32>], vector<16xi32>,
    %get3A_694 = arith.constant 16 : index
    %get3A_695 = tpu.vector_load %arg14[%get3A_694] {strides = array<i32>} : memref<256xi32, #tpu.memory_space<vmem>>, vector<16xi32>,
    %mul3A_696 = arith.constant 16384 : i32
    %mul3A_697 = arith.muli %arg1, %mul3A_696 : i32
    %sub3A_698 = vector.broadcast %mul3A_697 : i32 to vector<16xi32>
    %sub3A_699 = arith.subi %get3A_695, %sub3A_698 : vector<16xi32>
    %add3A_700 = arith.constant 16 : i32
    %add3A_701 = vector.broadcast %add3A_700 : i32 to vector<16xi32>
    %add3A_702 = arith.addi %iota3A, %add3A_701 : vector<16xi32>
    %shift_right_arithmetic3A_703 = arith.constant 7 : i32
    %shift_right_arithmetic3A_704 = vector.broadcast %shift_right_arithmetic3A_703 : i32 to vector<16xi32>
    %shift_right_arithmetic3A_705 = arith.shrsi %sub3A_699, %shift_right_arithmetic3A_704 : vector<16xi32>
    tpu.vector_store_idx %arg22[%add3A_702, %broadcast_in_dim3A_1], %shift_right_arithmetic3A_705 : memref<256x2xi32, #tpu.memory_space<vmem>>[vector<16xi32>, vector<16xi32>], vector<16xi32>,
    %and3A_706 = arith.constant 127 : i32
    %and3A_707 = vector.broadcast %and3A_706 : i32 to vector<16xi32>
    %and3A_708 = arith.andi %sub3A_699, %and3A_707 : vector<16xi32>
    %add3A_709 = arith.constant 1 : i32
    %add3A_710 = vector.broadcast %add3A_709 : i32 to vector<16xi32>
    %add3A_711 = arith.addi %and3A_708, %add3A_710 : vector<16xi32>
    tpu.vector_store_idx %arg22[%add3A_702, %broadcast_in_dim3A_3], %add3A_711 : memref<256x2xi32, #tpu.memory_space<vmem>>[vector<16xi32>, vector<16xi32>], vector<16xi32>,
    %get3A_712 = arith.constant 32 : index
    %get3A_713 = tpu.vector_load %arg14[%get3A_712] {strides = array<i32>} : memref<256xi32, #tpu.memory_space<vmem>>, vector<16xi32>,
    %mul3A_714 = arith.constant 16384 : i32
    %mul3A_715 = arith.muli %arg1, %mul3A_714 : i32
    %sub3A_716 = vector.broadcast %mul3A_715 : i32 to vector<16xi32>
    %sub3A_717 = arith.subi %get3A_713, %sub3A_716 : vector<16xi32>
    %add3A_718 = arith.constant 32 : i32
    %add3A_719 = vector.broadcast %add3A_718 : i32 to vector<16xi32>
    %add3A_720 = arith.addi %iota3A, %add3A_719 : vector<16xi32>
    %shift_right_arithmetic3A_721 = arith.constant 7 : i32
    %shift_right_arithmetic3A_722 = vector.broadcast %shift_right_arithmetic3A_721 : i32 to vector<16xi32>
    %shift_right_arithmetic3A_723 = arith.shrsi %sub3A_717, %shift_right_arithmetic3A_722 : vector<16xi32>
    tpu.vector_store_idx %arg22[%add3A_720, %broadcast_in_dim3A_1], %shift_right_arithmetic3A_723 : memref<256x2xi32, #tpu.memory_space<vmem>>[vector<16xi32>, vector<16xi32>], vector<16xi32>,
    %and3A_724 = arith.constant 127 : i32
    %and3A_725 = vector.broadcast %and3A_724 : i32 to vector<16xi32>
    %and3A_726 = arith.andi %sub3A_717, %and3A_725 : vector<16xi32>
    %add3A_727 = arith.constant 1 : i32
    %add3A_728 = vector.broadcast %add3A_727 : i32 to vector<16xi32>
    %add3A_729 = arith.addi %and3A_726, %add3A_728 : vector<16xi32>
    tpu.vector_store_idx %arg22[%add3A_720, %broadcast_in_dim3A_3], %add3A_729 : memref<256x2xi32, #tpu.memory_space<vmem>>[vector<16xi32>, vector<16xi32>], vector<16xi32>,
    %get3A_730 = arith.constant 48 : index
    %get3A_731 = tpu.vector_load %arg14[%get3A_730] {strides = array<i32>} : memref<256xi32, #tpu.memory_space<vmem>>, vector<16xi32>,
    %mul3A_732 = arith.constant 16384 : i32
    %mul3A_733 = arith.muli %arg1, %mul3A_732 : i32
    %sub3A_734 = vector.broadcast %mul3A_733 : i32 to vector<16xi32>
    %sub3A_735 = arith.subi %get3A_731, %sub3A_734 : vector<16xi32>
    %add3A_736 = arith.constant 48 : i32
    %add3A_737 = vector.broadcast %add3A_736 : i32 to vector<16xi32>
    %add3A_738 = arith.addi %iota3A, %add3A_737 : vector<16xi32>
    %shift_right_arithmetic3A_739 = arith.constant 7 : i32
    %shift_right_arithmetic3A_740 = vector.broadcast %shift_right_arithmetic3A_739 : i32 to vector<16xi32>
    %shift_right_arithmetic3A_741 = arith.shrsi %sub3A_735, %shift_right_arithmetic3A_740 : vector<16xi32>
    tpu.vector_store_idx %arg22[%add3A_738, %broadcast_in_dim3A_1], %shift_right_arithmetic3A_741 : memref<256x2xi32, #tpu.memory_space<vmem>>[vector<16xi32>, vector<16xi32>], vector<16xi32>,
    %and3A_742 = arith.constant 127 : i32
    %and3A_743 = vector.broadcast %and3A_742 : i32 to vector<16xi32>
    %and3A_744 = arith.andi %sub3A_735, %and3A_743 : vector<16xi32>
    %add3A_745 = arith.constant 1 : i32
    %add3A_746 = vector.broadcast %add3A_745 : i32 to vector<16xi32>
    %add3A_747 = arith.addi %and3A_744, %add3A_746 : vector<16xi32>
    tpu.vector_store_idx %arg22[%add3A_738, %broadcast_in_dim3A_3], %add3A_747 : memref<256x2xi32, #tpu.memory_space<vmem>>[vector<16xi32>, vector<16xi32>], vector<16xi32>,
    %get3A_748 = arith.constant 64 : index
    %get3A_749 = tpu.vector_load %arg14[%get3A_748] {strides = array<i32>} : memref<256xi32, #tpu.memory_space<vmem>>, vector<16xi32>,
    %mul3A_750 = arith.constant 16384 : i32
    %mul3A_751 = arith.muli %arg1, %mul3A_750 : i32
    %sub3A_752 = vector.broadcast %mul3A_751 : i32 to vector<16xi32>
    %sub3A_753 = arith.subi %get3A_749, %sub3A_752 : vector<16xi32>
    %add3A_754 = arith.constant 64 : i32
    %add3A_755 = vector.broadcast %add3A_754 : i32 to vector<16xi32>
    %add3A_756 = arith.addi %iota3A, %add3A_755 : vector<16xi32>
    %shift_right_arithmetic3A_757 = arith.constant 7 : i32
    %shift_right_arithmetic3A_758 = vector.broadcast %shift_right_arithmetic3A_757 : i32 to vector<16xi32>
    %shift_right_arithmetic3A_759 = arith.shrsi %sub3A_753, %shift_right_arithmetic3A_758 : vector<16xi32>
    tpu.vector_store_idx %arg22[%add3A_756, %broadcast_in_dim3A_1], %shift_right_arithmetic3A_759 : memref<256x2xi32, #tpu.memory_space<vmem>>[vector<16xi32>, vector<16xi32>], vector<16xi32>,
    %and3A_760 = arith.constant 127 : i32
    %and3A_761 = vector.broadcast %and3A_760 : i32 to vector<16xi32>
    %and3A_762 = arith.andi %sub3A_753, %and3A_761 : vector<16xi32>
    %add3A_763 = arith.constant 1 : i32
    %add3A_764 = vector.broadcast %add3A_763 : i32 to vector<16xi32>
    %add3A_765 = arith.addi %and3A_762, %add3A_764 : vector<16xi32>
    tpu.vector_store_idx %arg22[%add3A_756, %broadcast_in_dim3A_3], %add3A_765 : memref<256x2xi32, #tpu.memory_space<vmem>>[vector<16xi32>, vector<16xi32>], vector<16xi32>,
    %get3A_766 = arith.constant 80 : index
    %get3A_767 = tpu.vector_load %arg14[%get3A_766] {strides = array<i32>} : memref<256xi32, #tpu.memory_space<vmem>>, vector<16xi32>,
    %mul3A_768 = arith.constant 16384 : i32
    %mul3A_769 = arith.muli %arg1, %mul3A_768 : i32
    %sub3A_770 = vector.broadcast %mul3A_769 : i32 to vector<16xi32>
    %sub3A_771 = arith.subi %get3A_767, %sub3A_770 : vector<16xi32>
    %add3A_772 = arith.constant 80 : i32
    %add3A_773 = vector.broadcast %add3A_772 : i32 to vector<16xi32>
    %add3A_774 = arith.addi %iota3A, %add3A_773 : vector<16xi32>
    %shift_right_arithmetic3A_775 = arith.constant 7 : i32
    %shift_right_arithmetic3A_776 = vector.broadcast %shift_right_arithmetic3A_775 : i32 to vector<16xi32>
    %shift_right_arithmetic3A_777 = arith.shrsi %sub3A_771, %shift_right_arithmetic3A_776 : vector<16xi32>
    tpu.vector_store_idx %arg22[%add3A_774, %broadcast_in_dim3A_1], %shift_right_arithmetic3A_777 : memref<256x2xi32, #tpu.memory_space<vmem>>[vector<16xi32>, vector<16xi32>], vector<16xi32>,
    %and3A_778 = arith.constant 127 : i32
    %and3A_779 = vector.broadcast %and3A_778 : i32 to vector<16xi32>
    %and3A_780 = arith.andi %sub3A_771, %and3A_779 : vector<16xi32>
    %add3A_781 = arith.constant 1 : i32
    %add3A_782 = vector.broadcast %add3A_781 : i32 to vector<16xi32>
    %add3A_783 = arith.addi %and3A_780, %add3A_782 : vector<16xi32>
    tpu.vector_store_idx %arg22[%add3A_774, %broadcast_in_dim3A_3], %add3A_783 : memref<256x2xi32, #tpu.memory_space<vmem>>[vector<16xi32>, vector<16xi32>], vector<16xi32>,
    %get3A_784 = arith.constant 96 : index
    %get3A_785 = tpu.vector_load %arg14[%get3A_784] {strides = array<i32>} : memref<256xi32, #tpu.memory_space<vmem>>, vector<16xi32>,
    %mul3A_786 = arith.constant 16384 : i32
    %mul3A_787 = arith.muli %arg1, %mul3A_786 : i32
    %sub3A_788 = vector.broadcast %mul3A_787 : i32 to vector<16xi32>
    %sub3A_789 = arith.subi %get3A_785, %sub3A_788 : vector<16xi32>
    %add3A_790 = arith.constant 96 : i32
    %add3A_791 = vector.broadcast %add3A_790 : i32 to vector<16xi32>
    %add3A_792 = arith.addi %iota3A, %add3A_791 : vector<16xi32>
    %shift_right_arithmetic3A_793 = arith.constant 7 : i32
    %shift_right_arithmetic3A_794 = vector.broadcast %shift_right_arithmetic3A_793 : i32 to vector<16xi32>
    %shift_right_arithmetic3A_795 = arith.shrsi %sub3A_789, %shift_right_arithmetic3A_794 : vector<16xi32>
    tpu.vector_store_idx %arg22[%add3A_792, %broadcast_in_dim3A_1], %shift_right_arithmetic3A_795 : memref<256x2xi32, #tpu.memory_space<vmem>>[vector<16xi32>, vector<16xi32>], vector<16xi32>,
    %and3A_796 = arith.constant 127 : i32
    %and3A_797 = vector.broadcast %and3A_796 : i32 to vector<16xi32>
    %and3A_798 = arith.andi %sub3A_789, %and3A_797 : vector<16xi32>
    %add3A_799 = arith.constant 1 : i32
    %add3A_800 = vector.broadcast %add3A_799 : i32 to vector<16xi32>
    %add3A_801 = arith.addi %and3A_798, %add3A_800 : vector<16xi32>
    tpu.vector_store_idx %arg22[%add3A_792, %broadcast_in_dim3A_3], %add3A_801 : memref<256x2xi32, #tpu.memory_space<vmem>>[vector<16xi32>, vector<16xi32>], vector<16xi32>,
    %get3A_802 = arith.constant 112 : index
    %get3A_803 = tpu.vector_load %arg14[%get3A_802] {strides = array<i32>} : memref<256xi32, #tpu.memory_space<vmem>>, vector<16xi32>,
    %mul3A_804 = arith.constant 16384 : i32
    %mul3A_805 = arith.muli %arg1, %mul3A_804 : i32
    %sub3A_806 = vector.broadcast %mul3A_805 : i32 to vector<16xi32>
    %sub3A_807 = arith.subi %get3A_803, %sub3A_806 : vector<16xi32>
    %add3A_808 = arith.constant 112 : i32
    %add3A_809 = vector.broadcast %add3A_808 : i32 to vector<16xi32>
    %add3A_810 = arith.addi %iota3A, %add3A_809 : vector<16xi32>
    %shift_right_arithmetic3A_811 = arith.constant 7 : i32
    %shift_right_arithmetic3A_812 = vector.broadcast %shift_right_arithmetic3A_811 : i32 to vector<16xi32>
    %shift_right_arithmetic3A_813 = arith.shrsi %sub3A_807, %shift_right_arithmetic3A_812 : vector<16xi32>
    tpu.vector_store_idx %arg22[%add3A_810, %broadcast_in_dim3A_1], %shift_right_arithmetic3A_813 : memref<256x2xi32, #tpu.memory_space<vmem>>[vector<16xi32>, vector<16xi32>], vector<16xi32>,
    %and3A_814 = arith.constant 127 : i32
    %and3A_815 = vector.broadcast %and3A_814 : i32 to vector<16xi32>
    %and3A_816 = arith.andi %sub3A_807, %and3A_815 : vector<16xi32>
    %add3A_817 = arith.constant 1 : i32
    %add3A_818 = vector.broadcast %add3A_817 : i32 to vector<16xi32>
    %add3A_819 = arith.addi %and3A_816, %add3A_818 : vector<16xi32>
    tpu.vector_store_idx %arg22[%add3A_810, %broadcast_in_dim3A_3], %add3A_819 : memref<256x2xi32, #tpu.memory_space<vmem>>[vector<16xi32>, vector<16xi32>], vector<16xi32>,
    %get3A_820 = arith.constant 128 : index
    %get3A_821 = tpu.vector_load %arg14[%get3A_820] {strides = array<i32>} : memref<256xi32, #tpu.memory_space<vmem>>, vector<16xi32>,
    %mul3A_822 = arith.constant 16384 : i32
    %mul3A_823 = arith.muli %arg1, %mul3A_822 : i32
    %sub3A_824 = vector.broadcast %mul3A_823 : i32 to vector<16xi32>
    %sub3A_825 = arith.subi %get3A_821, %sub3A_824 : vector<16xi32>
    %add3A_826 = arith.constant 128 : i32
    %add3A_827 = vector.broadcast %add3A_826 : i32 to vector<16xi32>
    %add3A_828 = arith.addi %iota3A, %add3A_827 : vector<16xi32>
    %shift_right_arithmetic3A_829 = arith.constant 7 : i32
    %shift_right_arithmetic3A_830 = vector.broadcast %shift_right_arithmetic3A_829 : i32 to vector<16xi32>
    %shift_right_arithmetic3A_831 = arith.shrsi %sub3A_825, %shift_right_arithmetic3A_830 : vector<16xi32>
    tpu.vector_store_idx %arg22[%add3A_828, %broadcast_in_dim3A_1], %shift_right_arithmetic3A_831 : memref<256x2xi32, #tpu.memory_space<vmem>>[vector<16xi32>, vector<16xi32>], vector<16xi32>,
    %and3A_832 = arith.constant 127 : i32
    %and3A_833 = vector.broadcast %and3A_832 : i32 to vector<16xi32>
    %and3A_834 = arith.andi %sub3A_825, %and3A_833 : vector<16xi32>
    %add3A_835 = arith.constant 1 : i32
    %add3A_836 = vector.broadcast %add3A_835 : i32 to vector<16xi32>
    %add3A_837 = arith.addi %and3A_834, %add3A_836 : vector<16xi32>
    tpu.vector_store_idx %arg22[%add3A_828, %broadcast_in_dim3A_3], %add3A_837 : memref<256x2xi32, #tpu.memory_space<vmem>>[vector<16xi32>, vector<16xi32>], vector<16xi32>,
    %get3A_838 = arith.constant 144 : index
    %get3A_839 = tpu.vector_load %arg14[%get3A_838] {strides = array<i32>} : memref<256xi32, #tpu.memory_space<vmem>>, vector<16xi32>,
    %mul3A_840 = arith.constant 16384 : i32
    %mul3A_841 = arith.muli %arg1, %mul3A_840 : i32
    %sub3A_842 = vector.broadcast %mul3A_841 : i32 to vector<16xi32>
    %sub3A_843 = arith.subi %get3A_839, %sub3A_842 : vector<16xi32>
    %add3A_844 = arith.constant 144 : i32
    %add3A_845 = vector.broadcast %add3A_844 : i32 to vector<16xi32>
    %add3A_846 = arith.addi %iota3A, %add3A_845 : vector<16xi32>
    %shift_right_arithmetic3A_847 = arith.constant 7 : i32
    %shift_right_arithmetic3A_848 = vector.broadcast %shift_right_arithmetic3A_847 : i32 to vector<16xi32>
    %shift_right_arithmetic3A_849 = arith.shrsi %sub3A_843, %shift_right_arithmetic3A_848 : vector<16xi32>
    tpu.vector_store_idx %arg22[%add3A_846, %broadcast_in_dim3A_1], %shift_right_arithmetic3A_849 : memref<256x2xi32, #tpu.memory_space<vmem>>[vector<16xi32>, vector<16xi32>], vector<16xi32>,
    %and3A_850 = arith.constant 127 : i32
    %and3A_851 = vector.broadcast %and3A_850 : i32 to vector<16xi32>
    %and3A_852 = arith.andi %sub3A_843, %and3A_851 : vector<16xi32>
    %add3A_853 = arith.constant 1 : i32
    %add3A_854 = vector.broadcast %add3A_853 : i32 to vector<16xi32>
    %add3A_855 = arith.addi %and3A_852, %add3A_854 : vector<16xi32>
    tpu.vector_store_idx %arg22[%add3A_846, %broadcast_in_dim3A_3], %add3A_855 : memref<256x2xi32, #tpu.memory_space<vmem>>[vector<16xi32>, vector<16xi32>], vector<16xi32>,
    %get3A_856 = arith.constant 160 : index
    %get3A_857 = tpu.vector_load %arg14[%get3A_856] {strides = array<i32>} : memref<256xi32, #tpu.memory_space<vmem>>, vector<16xi32>,
    %mul3A_858 = arith.constant 16384 : i32
    %mul3A_859 = arith.muli %arg1, %mul3A_858 : i32
    %sub3A_860 = vector.broadcast %mul3A_859 : i32 to vector<16xi32>
    %sub3A_861 = arith.subi %get3A_857, %sub3A_860 : vector<16xi32>
    %add3A_862 = arith.constant 160 : i32
    %add3A_863 = vector.broadcast %add3A_862 : i32 to vector<16xi32>
    %add3A_864 = arith.addi %iota3A, %add3A_863 : vector<16xi32>
    %shift_right_arithmetic3A_865 = arith.constant 7 : i32
    %shift_right_arithmetic3A_866 = vector.broadcast %shift_right_arithmetic3A_865 : i32 to vector<16xi32>
    %shift_right_arithmetic3A_867 = arith.shrsi %sub3A_861, %shift_right_arithmetic3A_866 : vector<16xi32>
    tpu.vector_store_idx %arg22[%add3A_864, %broadcast_in_dim3A_1], %shift_right_arithmetic3A_867 : memref<256x2xi32, #tpu.memory_space<vmem>>[vector<16xi32>, vector<16xi32>], vector<16xi32>,
    %and3A_868 = arith.constant 127 : i32
    %and3A_869 = vector.broadcast %and3A_868 : i32 to vector<16xi32>
    %and3A_870 = arith.andi %sub3A_861, %and3A_869 : vector<16xi32>
    %add3A_871 = arith.constant 1 : i32
    %add3A_872 = vector.broadcast %add3A_871 : i32 to vector<16xi32>
    %add3A_873 = arith.addi %and3A_870, %add3A_872 : vector<16xi32>
    tpu.vector_store_idx %arg22[%add3A_864, %broadcast_in_dim3A_3], %add3A_873 : memref<256x2xi32, #tpu.memory_space<vmem>>[vector<16xi32>, vector<16xi32>], vector<16xi32>,
    %get3A_874 = arith.constant 176 : index
    %get3A_875 = tpu.vector_load %arg14[%get3A_874] {strides = array<i32>} : memref<256xi32, #tpu.memory_space<vmem>>, vector<16xi32>,
    %mul3A_876 = arith.constant 16384 : i32
    %mul3A_877 = arith.muli %arg1, %mul3A_876 : i32
    %sub3A_878 = vector.broadcast %mul3A_877 : i32 to vector<16xi32>
    %sub3A_879 = arith.subi %get3A_875, %sub3A_878 : vector<16xi32>
    %add3A_880 = arith.constant 176 : i32
    %add3A_881 = vector.broadcast %add3A_880 : i32 to vector<16xi32>
    %add3A_882 = arith.addi %iota3A, %add3A_881 : vector<16xi32>
    %shift_right_arithmetic3A_883 = arith.constant 7 : i32
    %shift_right_arithmetic3A_884 = vector.broadcast %shift_right_arithmetic3A_883 : i32 to vector<16xi32>
    %shift_right_arithmetic3A_885 = arith.shrsi %sub3A_879, %shift_right_arithmetic3A_884 : vector<16xi32>
    tpu.vector_store_idx %arg22[%add3A_882, %broadcast_in_dim3A_1], %shift_right_arithmetic3A_885 : memref<256x2xi32, #tpu.memory_space<vmem>>[vector<16xi32>, vector<16xi32>], vector<16xi32>,
    %and3A_886 = arith.constant 127 : i32
    %and3A_887 = vector.broadcast %and3A_886 : i32 to vector<16xi32>
    %and3A_888 = arith.andi %sub3A_879, %and3A_887 : vector<16xi32>
    %add3A_889 = arith.constant 1 : i32
    %add3A_890 = vector.broadcast %add3A_889 : i32 to vector<16xi32>
    %add3A_891 = arith.addi %and3A_888, %add3A_890 : vector<16xi32>
    tpu.vector_store_idx %arg22[%add3A_882, %broadcast_in_dim3A_3], %add3A_891 : memref<256x2xi32, #tpu.memory_space<vmem>>[vector<16xi32>, vector<16xi32>], vector<16xi32>,
    %get3A_892 = arith.constant 192 : index
    %get3A_893 = tpu.vector_load %arg14[%get3A_892] {strides = array<i32>} : memref<256xi32, #tpu.memory_space<vmem>>, vector<16xi32>,
    %mul3A_894 = arith.constant 16384 : i32
    %mul3A_895 = arith.muli %arg1, %mul3A_894 : i32
    %sub3A_896 = vector.broadcast %mul3A_895 : i32 to vector<16xi32>
    %sub3A_897 = arith.subi %get3A_893, %sub3A_896 : vector<16xi32>
    %add3A_898 = arith.constant 192 : i32
    %add3A_899 = vector.broadcast %add3A_898 : i32 to vector<16xi32>
    %add3A_900 = arith.addi %iota3A, %add3A_899 : vector<16xi32>
    %shift_right_arithmetic3A_901 = arith.constant 7 : i32
    %shift_right_arithmetic3A_902 = vector.broadcast %shift_right_arithmetic3A_901 : i32 to vector<16xi32>
    %shift_right_arithmetic3A_903 = arith.shrsi %sub3A_897, %shift_right_arithmetic3A_902 : vector<16xi32>
    tpu.vector_store_idx %arg22[%add3A_900, %broadcast_in_dim3A_1], %shift_right_arithmetic3A_903 : memref<256x2xi32, #tpu.memory_space<vmem>>[vector<16xi32>, vector<16xi32>], vector<16xi32>,
    %and3A_904 = arith.constant 127 : i32
    %and3A_905 = vector.broadcast %and3A_904 : i32 to vector<16xi32>
    %and3A_906 = arith.andi %sub3A_897, %and3A_905 : vector<16xi32>
    %add3A_907 = arith.constant 1 : i32
    %add3A_908 = vector.broadcast %add3A_907 : i32 to vector<16xi32>
    %add3A_909 = arith.addi %and3A_906, %add3A_908 : vector<16xi32>
    tpu.vector_store_idx %arg22[%add3A_900, %broadcast_in_dim3A_3], %add3A_909 : memref<256x2xi32, #tpu.memory_space<vmem>>[vector<16xi32>, vector<16xi32>], vector<16xi32>,
    %get3A_910 = arith.constant 208 : index
    %get3A_911 = tpu.vector_load %arg14[%get3A_910] {strides = array<i32>} : memref<256xi32, #tpu.memory_space<vmem>>, vector<16xi32>,
    %mul3A_912 = arith.constant 16384 : i32
    %mul3A_913 = arith.muli %arg1, %mul3A_912 : i32
    %sub3A_914 = vector.broadcast %mul3A_913 : i32 to vector<16xi32>
    %sub3A_915 = arith.subi %get3A_911, %sub3A_914 : vector<16xi32>
    %add3A_916 = arith.constant 208 : i32
    %add3A_917 = vector.broadcast %add3A_916 : i32 to vector<16xi32>
    %add3A_918 = arith.addi %iota3A, %add3A_917 : vector<16xi32>
    %shift_right_arithmetic3A_919 = arith.constant 7 : i32
    %shift_right_arithmetic3A_920 = vector.broadcast %shift_right_arithmetic3A_919 : i32 to vector<16xi32>
    %shift_right_arithmetic3A_921 = arith.shrsi %sub3A_915, %shift_right_arithmetic3A_920 : vector<16xi32>
    tpu.vector_store_idx %arg22[%add3A_918, %broadcast_in_dim3A_1], %shift_right_arithmetic3A_921 : memref<256x2xi32, #tpu.memory_space<vmem>>[vector<16xi32>, vector<16xi32>], vector<16xi32>,
    %and3A_922 = arith.constant 127 : i32
    %and3A_923 = vector.broadcast %and3A_922 : i32 to vector<16xi32>
    %and3A_924 = arith.andi %sub3A_915, %and3A_923 : vector<16xi32>
    %add3A_925 = arith.constant 1 : i32
    %add3A_926 = vector.broadcast %add3A_925 : i32 to vector<16xi32>
    %add3A_927 = arith.addi %and3A_924, %add3A_926 : vector<16xi32>
    tpu.vector_store_idx %arg22[%add3A_918, %broadcast_in_dim3A_3], %add3A_927 : memref<256x2xi32, #tpu.memory_space<vmem>>[vector<16xi32>, vector<16xi32>], vector<16xi32>,
    %get3A_928 = arith.constant 224 : index
    %get3A_929 = tpu.vector_load %arg14[%get3A_928] {strides = array<i32>} : memref<256xi32, #tpu.memory_space<vmem>>, vector<16xi32>,
    %mul3A_930 = arith.constant 16384 : i32
    %mul3A_931 = arith.muli %arg1, %mul3A_930 : i32
    %sub3A_932 = vector.broadcast %mul3A_931 : i32 to vector<16xi32>
    %sub3A_933 = arith.subi %get3A_929, %sub3A_932 : vector<16xi32>
    %add3A_934 = arith.constant 224 : i32
    %add3A_935 = vector.broadcast %add3A_934 : i32 to vector<16xi32>
    %add3A_936 = arith.addi %iota3A, %add3A_935 : vector<16xi32>
    %shift_right_arithmetic3A_937 = arith.constant 7 : i32
    %shift_right_arithmetic3A_938 = vector.broadcast %shift_right_arithmetic3A_937 : i32 to vector<16xi32>
    %shift_right_arithmetic3A_939 = arith.shrsi %sub3A_933, %shift_right_arithmetic3A_938 : vector<16xi32>
    tpu.vector_store_idx %arg22[%add3A_936, %broadcast_in_dim3A_1], %shift_right_arithmetic3A_939 : memref<256x2xi32, #tpu.memory_space<vmem>>[vector<16xi32>, vector<16xi32>], vector<16xi32>,
    %and3A_940 = arith.constant 127 : i32
    %and3A_941 = vector.broadcast %and3A_940 : i32 to vector<16xi32>
    %and3A_942 = arith.andi %sub3A_933, %and3A_941 : vector<16xi32>
    %add3A_943 = arith.constant 1 : i32
    %add3A_944 = vector.broadcast %add3A_943 : i32 to vector<16xi32>
    %add3A_945 = arith.addi %and3A_942, %add3A_944 : vector<16xi32>
    tpu.vector_store_idx %arg22[%add3A_936, %broadcast_in_dim3A_3], %add3A_945 : memref<256x2xi32, #tpu.memory_space<vmem>>[vector<16xi32>, vector<16xi32>], vector<16xi32>,
    %get3A_946 = arith.constant 240 : index
    %get3A_947 = tpu.vector_load %arg14[%get3A_946] {strides = array<i32>} : memref<256xi32, #tpu.memory_space<vmem>>, vector<16xi32>,
    %mul3A_948 = arith.constant 16384 : i32
    %mul3A_949 = arith.muli %arg1, %mul3A_948 : i32
    %sub3A_950 = vector.broadcast %mul3A_949 : i32 to vector<16xi32>
    %sub3A_951 = arith.subi %get3A_947, %sub3A_950 : vector<16xi32>
    %add3A_952 = arith.constant 240 : i32
    %add3A_953 = vector.broadcast %add3A_952 : i32 to vector<16xi32>
    %add3A_954 = arith.addi %iota3A, %add3A_953 : vector<16xi32>
    %shift_right_arithmetic3A_955 = arith.constant 7 : i32
    %shift_right_arithmetic3A_956 = vector.broadcast %shift_right_arithmetic3A_955 : i32 to vector<16xi32>
    %shift_right_arithmetic3A_957 = arith.shrsi %sub3A_951, %shift_right_arithmetic3A_956 : vector<16xi32>
    tpu.vector_store_idx %arg22[%add3A_954, %broadcast_in_dim3A_1], %shift_right_arithmetic3A_957 : memref<256x2xi32, #tpu.memory_space<vmem>>[vector<16xi32>, vector<16xi32>], vector<16xi32>,
    %and3A_958 = arith.constant 127 : i32
    %and3A_959 = vector.broadcast %and3A_958 : i32 to vector<16xi32>
    %and3A_960 = arith.andi %sub3A_951, %and3A_959 : vector<16xi32>
    %add3A_961 = arith.constant 1 : i32
    %add3A_962 = vector.broadcast %add3A_961 : i32 to vector<16xi32>
    %add3A_963 = arith.addi %and3A_960, %add3A_962 : vector<16xi32>
    tpu.vector_store_idx %arg22[%add3A_954, %broadcast_in_dim3A_3], %add3A_963 : memref<256x2xi32, #tpu.memory_space<vmem>>[vector<16xi32>, vector<16xi32>], vector<16xi32>,
    "tpu.region"() ({
      %run_scoped3A = tpu.sem_alloc : memref<!tpu.dma_semaphore, #tpu.memory_space<semaphore_mem>>
      %dma_start3A_964 = arith.constant 0 : i32
      %dma_start3A_965 = tpu.memref_slice %arg8[%arg1, %mul3A_0, %dma_start3A_964] : memref<16x512x2xi32, #tpu.memory_space<hbm>> -> memref<1x256x2xi32, #tpu.memory_space<hbm>>
      %dma_start3A_966 = tpu.memref_squeeze %dma_start3A_965 : memref<1x256x2xi32, #tpu.memory_space<hbm>> -> memref<256x2xi32, #tpu.memory_space<hbm>>
      %dma_start3A_967 = arith.constant 0 : i32
      %dma_start3A_968 = tpu.memref_slice %arg8[%arg1, %mul3A_0, %dma_start3A_967] : memref<16x512x2xi32, #tpu.memory_space<hbm>> -> memref<1x256x2xi32, #tpu.memory_space<hbm>>
      %dma_start3A_969 = tpu.memref_squeeze %dma_start3A_968 : memref<1x256x2xi32, #tpu.memory_space<hbm>> -> memref<256x2xi32, #tpu.memory_space<hbm>>
      tpu.enqueue_dma source(%arg22 : memref<256x2xi32, #tpu.memory_space<vmem>>) target(%dma_start3A_969 : memref<256x2xi32, #tpu.memory_space<hbm>>) target_semaphore(%run_scoped3A : memref<!tpu.dma_semaphore, #tpu.memory_space<semaphore_mem>>)
      %dma_wait3A_970 = arith.constant 0 : i32
      %dma_wait3A_971 = tpu.memref_slice %arg8[%arg1, %mul3A_0, %dma_wait3A_970] : memref<16x512x2xi32, #tpu.memory_space<hbm>> -> memref<1x256x2xi32, #tpu.memory_space<hbm>>
      %dma_wait3A_972 = tpu.memref_squeeze %dma_wait3A_971 : memref<1x256x2xi32, #tpu.memory_space<hbm>> -> memref<256x2xi32, #tpu.memory_space<hbm>>
      %dma_wait3A_973 = arith.constant 0 : i32
      %dma_wait3A_974 = tpu.memref_slice %arg8[%arg1, %mul3A_0, %dma_wait3A_973] : memref<16x512x2xi32, #tpu.memory_space<hbm>> -> memref<1x256x2xi32, #tpu.memory_space<hbm>>
      %dma_wait3A_975 = tpu.memref_squeeze %dma_wait3A_974 : memref<1x256x2xi32, #tpu.memory_space<hbm>> -> memref<256x2xi32, #tpu.memory_space<hbm>>
      tpu.wait_dma2 semaphore(%run_scoped3A : memref<!tpu.dma_semaphore, #tpu.memory_space<semaphore_mem>>) src(%arg22 : memref<256x2xi32, #tpu.memory_space<vmem>>) dst(%dma_wait3A_975 : memref<256x2xi32, #tpu.memory_space<hbm>>)
      tpu.yield
    }) : () -> ()
    "tpu.region"() ({
      %run_scoped3A = tpu.sem_alloc : memref<!tpu.dma_semaphore, #tpu.memory_space<semaphore_mem>>
      %dma_start3A_964 = arith.constant 0 : i32
      %dma_start3A_965 = tpu.memref_slice %arg9[%arg1, %mul3A_0, %dma_start3A_964] : memref<16x512x2xf32, #tpu.memory_space<hbm>> -> memref<1x256x2xf32, #tpu.memory_space<hbm>>
      %dma_start3A_966 = tpu.memref_squeeze %dma_start3A_965 : memref<1x256x2xf32, #tpu.memory_space<hbm>> -> memref<256x2xf32, #tpu.memory_space<hbm>>
      %dma_start3A_967 = arith.constant 0 : i32
      %dma_start3A_968 = tpu.memref_slice %arg9[%arg1, %mul3A_0, %dma_start3A_967] : memref<16x512x2xf32, #tpu.memory_space<hbm>> -> memref<1x256x2xf32, #tpu.memory_space<hbm>>
      %dma_start3A_969 = tpu.memref_squeeze %dma_start3A_968 : memref<1x256x2xf32, #tpu.memory_space<hbm>> -> memref<256x2xf32, #tpu.memory_space<hbm>>
      tpu.enqueue_dma source(%arg20 : memref<256x2xf32, #tpu.memory_space<vmem>>) target(%dma_start3A_969 : memref<256x2xf32, #tpu.memory_space<hbm>>) target_semaphore(%run_scoped3A : memref<!tpu.dma_semaphore, #tpu.memory_space<semaphore_mem>>)
      %dma_wait3A_970 = arith.constant 0 : i32
      %dma_wait3A_971 = tpu.memref_slice %arg9[%arg1, %mul3A_0, %dma_wait3A_970] : memref<16x512x2xf32, #tpu.memory_space<hbm>> -> memref<1x256x2xf32, #tpu.memory_space<hbm>>
      %dma_wait3A_972 = tpu.memref_squeeze %dma_wait3A_971 : memref<1x256x2xf32, #tpu.memory_space<hbm>> -> memref<256x2xf32, #tpu.memory_space<hbm>>
      %dma_wait3A_973 = arith.constant 0 : i32
      %dma_wait3A_974 = tpu.memref_slice %arg9[%arg1, %mul3A_0, %dma_wait3A_973] : memref<16x512x2xf32, #tpu.memory_space<hbm>> -> memref<1x256x2xf32, #tpu.memory_space<hbm>>
      %dma_wait3A_975 = tpu.memref_squeeze %dma_wait3A_974 : memref<1x256x2xf32, #tpu.memory_space<hbm>> -> memref<256x2xf32, #tpu.memory_space<hbm>>
      tpu.wait_dma2 semaphore(%run_scoped3A : memref<!tpu.dma_semaphore, #tpu.memory_space<semaphore_mem>>) src(%arg20 : memref<256x2xf32, #tpu.memory_space<vmem>>) dst(%dma_wait3A_975 : memref<256x2xf32, #tpu.memory_space<hbm>>)
      tpu.yield
    }) : () -> ()
    "tpu.region"() ({
      %run_scoped3A = tpu.sem_alloc : memref<!tpu.dma_semaphore, #tpu.memory_space<semaphore_mem>>
      %dma_start3A_964 = tpu.memref_slice %arg10[%arg1, %mul3A_0] : memref<16x512xf32, #tpu.memory_space<hbm>> -> memref<1x256xf32, #tpu.memory_space<hbm>>
      %dma_start3A_965 = tpu.memref_squeeze %dma_start3A_964 : memref<1x256xf32, #tpu.memory_space<hbm>> -> memref<256xf32, #tpu.memory_space<hbm>>
      %dma_start3A_966 = tpu.memref_slice %arg10[%arg1, %mul3A_0] : memref<16x512xf32, #tpu.memory_space<hbm>> -> memref<1x256xf32, #tpu.memory_space<hbm>>
      %dma_start3A_967 = tpu.memref_squeeze %dma_start3A_966 : memref<1x256xf32, #tpu.memory_space<hbm>> -> memref<256xf32, #tpu.memory_space<hbm>>
      tpu.enqueue_dma source(%arg21 : memref<256xf32, #tpu.memory_space<vmem>>) target(%dma_start3A_967 : memref<256xf32, #tpu.memory_space<hbm>>) target_semaphore(%run_scoped3A : memref<!tpu.dma_semaphore, #tpu.memory_space<semaphore_mem>>)
      %dma_wait3A_968 = tpu.memref_slice %arg10[%arg1, %mul3A_0] : memref<16x512xf32, #tpu.memory_space<hbm>> -> memref<1x256xf32, #tpu.memory_space<hbm>>
      %dma_wait3A_969 = tpu.memref_squeeze %dma_wait3A_968 : memref<1x256xf32, #tpu.memory_space<hbm>> -> memref<256xf32, #tpu.memory_space<hbm>>
      %dma_wait3A_970 = tpu.memref_slice %arg10[%arg1, %mul3A_0] : memref<16x512xf32, #tpu.memory_space<hbm>> -> memref<1x256xf32, #tpu.memory_space<hbm>>
      %dma_wait3A_971 = tpu.memref_squeeze %dma_wait3A_970 : memref<1x256xf32, #tpu.memory_space<hbm>> -> memref<256xf32, #tpu.memory_space<hbm>>
      tpu.wait_dma2 semaphore(%run_scoped3A : memref<!tpu.dma_semaphore, #tpu.memory_space<semaphore_mem>>) src(%arg21 : memref<256xf32, #tpu.memory_space<vmem>>) dst(%dma_wait3A_971 : memref<256xf32, #tpu.memory_space<hbm>>)
      tpu.yield
    }) : () -> ()
    return
  }
}

module attributes {stable_mosaic.version = 14 : i64} {
  func.func @_rank_body(%arg0: memref<16x640xf32, #tpu.memory_space<vmem>>, %arg1: memref<16x640xi32, #tpu.memory_space<vmem>>, %arg2: memref<16x640xi32, #tpu.memory_space<vmem>>) attributes {dimension_semantics = [], scalar_prefetch = 0 : i64, scratch_operands = 0 : i64, tpu.core_type = #tpu.core_type<tc>} {
    %get3A = arith.constant 0 : index
    %get3A_0 = arith.constant 0 : index
    %get3A_1 = vector.load %arg0[%get3A, %get3A_0] : memref<16x640xf32, #tpu.memory_space<vmem>>, vector<16x640xf32>
    %get3A_2 = arith.constant 0 : index
    %get3A_3 = arith.constant 0 : index
    %get3A_4 = vector.load %arg1[%get3A_2, %get3A_3] : memref<16x640xi32, #tpu.memory_space<vmem>>, vector<16x640xi32>
    %slice3A = vector.extract_strided_slice %get3A_1 {offsets = [0, 0], sizes = [1, 640], strides = [1, 1]} : vector<16x640xf32> to vector<1x640xf32>
    %slice3A_5 = vector.extract_strided_slice %get3A_4 {offsets = [0, 0], sizes = [1, 640], strides = [1, 1]} : vector<16x640xi32> to vector<1x640xi32>
    %transpose3A = tpu.transpose %slice3A, [1, 0] : vector<1x640xf32> -> vector<640x1xf32>
    %transpose3A_6 = tpu.transpose %slice3A_5, [1, 0] : vector<1x640xi32> -> vector<640x1xi32>
    %gt3A = vector.broadcast %transpose3A : vector<640x1xf32> to vector<640x640xf32>
    %gt3A_7 = vector.broadcast %slice3A : vector<1x640xf32> to vector<640x640xf32>
    %gt3A_8 = arith.cmpf ogt, %gt3A, %gt3A_7 : vector<640x640xf32>
    %eq3A = vector.broadcast %transpose3A : vector<640x1xf32> to vector<640x640xf32>
    %eq3A_9 = vector.broadcast %slice3A : vector<1x640xf32> to vector<640x640xf32>
    %eq3A_10 = arith.cmpf oeq, %eq3A, %eq3A_9 : vector<640x640xf32>
    %lt3A = vector.broadcast %transpose3A_6 : vector<640x1xi32> to vector<640x640xi32>
    %lt3A_11 = vector.broadcast %slice3A_5 : vector<1x640xi32> to vector<640x640xi32>
    %lt3A_12 = arith.cmpi slt, %lt3A, %lt3A_11 : vector<640x640xi32>
    %and3A = arith.andi %eq3A_10, %lt3A_12 : vector<640x640xi1>
    %or3A = arith.ori %gt3A_8, %and3A : vector<640x640xi1>
    %convert_element_type3A = arith.extui %or3A : vector<640x640xi1> to vector<640x640xi32>
    %reduce_sum3A = arith.constant dense<0> : vector<640xi32>
    %reduce_sum3A_13 = vector.multi_reduction <add>, %convert_element_type3A, %reduce_sum3A [0] : vector<640x640xi32> to vector<640xi32>
    %broadcast_in_dim3A = vector.shape_cast %reduce_sum3A_13 : vector<640xi32> to vector<1x640xi32>
    %swap3A = arith.constant 0 : index
    %swap3A_14 = arith.constant 0 : index
    %swap3A_15 = vector.load %arg2[%swap3A, %swap3A_14] : memref<16x640xi32, #tpu.memory_space<vmem>>, vector<1x640xi32>
    tpu.vector_store %arg2[%swap3A, %swap3A_14], %broadcast_in_dim3A {strides = array<i32>} : memref<16x640xi32, #tpu.memory_space<vmem>>, vector<1x640xi32>,
    %slice3A_16 = vector.extract_strided_slice %get3A_1 {offsets = [1, 0], sizes = [1, 640], strides = [1, 1]} : vector<16x640xf32> to vector<1x640xf32>
    %slice3A_17 = vector.extract_strided_slice %get3A_4 {offsets = [1, 0], sizes = [1, 640], strides = [1, 1]} : vector<16x640xi32> to vector<1x640xi32>
    %transpose3A_18 = tpu.transpose %slice3A_16, [1, 0] : vector<1x640xf32> -> vector<640x1xf32>
    %transpose3A_19 = tpu.transpose %slice3A_17, [1, 0] : vector<1x640xi32> -> vector<640x1xi32>
    %gt3A_20 = vector.broadcast %transpose3A_18 : vector<640x1xf32> to vector<640x640xf32>
    %gt3A_21 = vector.broadcast %slice3A_16 : vector<1x640xf32> to vector<640x640xf32>
    %gt3A_22 = arith.cmpf ogt, %gt3A_20, %gt3A_21 : vector<640x640xf32>
    %eq3A_23 = vector.broadcast %transpose3A_18 : vector<640x1xf32> to vector<640x640xf32>
    %eq3A_24 = vector.broadcast %slice3A_16 : vector<1x640xf32> to vector<640x640xf32>
    %eq3A_25 = arith.cmpf oeq, %eq3A_23, %eq3A_24 : vector<640x640xf32>
    %lt3A_26 = vector.broadcast %transpose3A_19 : vector<640x1xi32> to vector<640x640xi32>
    %lt3A_27 = vector.broadcast %slice3A_17 : vector<1x640xi32> to vector<640x640xi32>
    %lt3A_28 = arith.cmpi slt, %lt3A_26, %lt3A_27 : vector<640x640xi32>
    %and3A_29 = arith.andi %eq3A_25, %lt3A_28 : vector<640x640xi1>
    %or3A_30 = arith.ori %gt3A_22, %and3A_29 : vector<640x640xi1>
    %convert_element_type3A_31 = arith.extui %or3A_30 : vector<640x640xi1> to vector<640x640xi32>
    %reduce_sum3A_32 = arith.constant dense<0> : vector<640xi32>
    %reduce_sum3A_33 = vector.multi_reduction <add>, %convert_element_type3A_31, %reduce_sum3A_32 [0] : vector<640x640xi32> to vector<640xi32>
    %broadcast_in_dim3A_34 = vector.shape_cast %reduce_sum3A_33 : vector<640xi32> to vector<1x640xi32>
    %swap3A_35 = arith.constant 1 : index
    %swap3A_36 = arith.constant 0 : index
    %swap3A_37 = vector.load %arg2[%swap3A_35, %swap3A_36] : memref<16x640xi32, #tpu.memory_space<vmem>>, vector<1x640xi32>
    tpu.vector_store %arg2[%swap3A_35, %swap3A_36], %broadcast_in_dim3A_34 {strides = array<i32>} : memref<16x640xi32, #tpu.memory_space<vmem>>, vector<1x640xi32>,
    %slice3A_38 = vector.extract_strided_slice %get3A_1 {offsets = [2, 0], sizes = [1, 640], strides = [1, 1]} : vector<16x640xf32> to vector<1x640xf32>
    %slice3A_39 = vector.extract_strided_slice %get3A_4 {offsets = [2, 0], sizes = [1, 640], strides = [1, 1]} : vector<16x640xi32> to vector<1x640xi32>
    %transpose3A_40 = tpu.transpose %slice3A_38, [1, 0] : vector<1x640xf32> -> vector<640x1xf32>
    %transpose3A_41 = tpu.transpose %slice3A_39, [1, 0] : vector<1x640xi32> -> vector<640x1xi32>
    %gt3A_42 = vector.broadcast %transpose3A_40 : vector<640x1xf32> to vector<640x640xf32>
    %gt3A_43 = vector.broadcast %slice3A_38 : vector<1x640xf32> to vector<640x640xf32>
    %gt3A_44 = arith.cmpf ogt, %gt3A_42, %gt3A_43 : vector<640x640xf32>
    %eq3A_45 = vector.broadcast %transpose3A_40 : vector<640x1xf32> to vector<640x640xf32>
    %eq3A_46 = vector.broadcast %slice3A_38 : vector<1x640xf32> to vector<640x640xf32>
    %eq3A_47 = arith.cmpf oeq, %eq3A_45, %eq3A_46 : vector<640x640xf32>
    %lt3A_48 = vector.broadcast %transpose3A_41 : vector<640x1xi32> to vector<640x640xi32>
    %lt3A_49 = vector.broadcast %slice3A_39 : vector<1x640xi32> to vector<640x640xi32>
    %lt3A_50 = arith.cmpi slt, %lt3A_48, %lt3A_49 : vector<640x640xi32>
    %and3A_51 = arith.andi %eq3A_47, %lt3A_50 : vector<640x640xi1>
    %or3A_52 = arith.ori %gt3A_44, %and3A_51 : vector<640x640xi1>
    %convert_element_type3A_53 = arith.extui %or3A_52 : vector<640x640xi1> to vector<640x640xi32>
    %reduce_sum3A_54 = arith.constant dense<0> : vector<640xi32>
    %reduce_sum3A_55 = vector.multi_reduction <add>, %convert_element_type3A_53, %reduce_sum3A_54 [0] : vector<640x640xi32> to vector<640xi32>
    %broadcast_in_dim3A_56 = vector.shape_cast %reduce_sum3A_55 : vector<640xi32> to vector<1x640xi32>
    %swap3A_57 = arith.constant 2 : index
    %swap3A_58 = arith.constant 0 : index
    %swap3A_59 = vector.load %arg2[%swap3A_57, %swap3A_58] : memref<16x640xi32, #tpu.memory_space<vmem>>, vector<1x640xi32>
    tpu.vector_store %arg2[%swap3A_57, %swap3A_58], %broadcast_in_dim3A_56 {strides = array<i32>} : memref<16x640xi32, #tpu.memory_space<vmem>>, vector<1x640xi32>,
    %slice3A_60 = vector.extract_strided_slice %get3A_1 {offsets = [3, 0], sizes = [1, 640], strides = [1, 1]} : vector<16x640xf32> to vector<1x640xf32>
    %slice3A_61 = vector.extract_strided_slice %get3A_4 {offsets = [3, 0], sizes = [1, 640], strides = [1, 1]} : vector<16x640xi32> to vector<1x640xi32>
    %transpose3A_62 = tpu.transpose %slice3A_60, [1, 0] : vector<1x640xf32> -> vector<640x1xf32>
    %transpose3A_63 = tpu.transpose %slice3A_61, [1, 0] : vector<1x640xi32> -> vector<640x1xi32>
    %gt3A_64 = vector.broadcast %transpose3A_62 : vector<640x1xf32> to vector<640x640xf32>
    %gt3A_65 = vector.broadcast %slice3A_60 : vector<1x640xf32> to vector<640x640xf32>
    %gt3A_66 = arith.cmpf ogt, %gt3A_64, %gt3A_65 : vector<640x640xf32>
    %eq3A_67 = vector.broadcast %transpose3A_62 : vector<640x1xf32> to vector<640x640xf32>
    %eq3A_68 = vector.broadcast %slice3A_60 : vector<1x640xf32> to vector<640x640xf32>
    %eq3A_69 = arith.cmpf oeq, %eq3A_67, %eq3A_68 : vector<640x640xf32>
    %lt3A_70 = vector.broadcast %transpose3A_63 : vector<640x1xi32> to vector<640x640xi32>
    %lt3A_71 = vector.broadcast %slice3A_61 : vector<1x640xi32> to vector<640x640xi32>
    %lt3A_72 = arith.cmpi slt, %lt3A_70, %lt3A_71 : vector<640x640xi32>
    %and3A_73 = arith.andi %eq3A_69, %lt3A_72 : vector<640x640xi1>
    %or3A_74 = arith.ori %gt3A_66, %and3A_73 : vector<640x640xi1>
    %convert_element_type3A_75 = arith.extui %or3A_74 : vector<640x640xi1> to vector<640x640xi32>
    %reduce_sum3A_76 = arith.constant dense<0> : vector<640xi32>
    %reduce_sum3A_77 = vector.multi_reduction <add>, %convert_element_type3A_75, %reduce_sum3A_76 [0] : vector<640x640xi32> to vector<640xi32>
    %broadcast_in_dim3A_78 = vector.shape_cast %reduce_sum3A_77 : vector<640xi32> to vector<1x640xi32>
    %swap3A_79 = arith.constant 3 : index
    %swap3A_80 = arith.constant 0 : index
    %swap3A_81 = vector.load %arg2[%swap3A_79, %swap3A_80] : memref<16x640xi32, #tpu.memory_space<vmem>>, vector<1x640xi32>
    tpu.vector_store %arg2[%swap3A_79, %swap3A_80], %broadcast_in_dim3A_78 {strides = array<i32>} : memref<16x640xi32, #tpu.memory_space<vmem>>, vector<1x640xi32>,
    %slice3A_82 = vector.extract_strided_slice %get3A_1 {offsets = [4, 0], sizes = [1, 640], strides = [1, 1]} : vector<16x640xf32> to vector<1x640xf32>
    %slice3A_83 = vector.extract_strided_slice %get3A_4 {offsets = [4, 0], sizes = [1, 640], strides = [1, 1]} : vector<16x640xi32> to vector<1x640xi32>
    %transpose3A_84 = tpu.transpose %slice3A_82, [1, 0] : vector<1x640xf32> -> vector<640x1xf32>
    %transpose3A_85 = tpu.transpose %slice3A_83, [1, 0] : vector<1x640xi32> -> vector<640x1xi32>
    %gt3A_86 = vector.broadcast %transpose3A_84 : vector<640x1xf32> to vector<640x640xf32>
    %gt3A_87 = vector.broadcast %slice3A_82 : vector<1x640xf32> to vector<640x640xf32>
    %gt3A_88 = arith.cmpf ogt, %gt3A_86, %gt3A_87 : vector<640x640xf32>
    %eq3A_89 = vector.broadcast %transpose3A_84 : vector<640x1xf32> to vector<640x640xf32>
    %eq3A_90 = vector.broadcast %slice3A_82 : vector<1x640xf32> to vector<640x640xf32>
    %eq3A_91 = arith.cmpf oeq, %eq3A_89, %eq3A_90 : vector<640x640xf32>
    %lt3A_92 = vector.broadcast %transpose3A_85 : vector<640x1xi32> to vector<640x640xi32>
    %lt3A_93 = vector.broadcast %slice3A_83 : vector<1x640xi32> to vector<640x640xi32>
    %lt3A_94 = arith.cmpi slt, %lt3A_92, %lt3A_93 : vector<640x640xi32>
    %and3A_95 = arith.andi %eq3A_91, %lt3A_94 : vector<640x640xi1>
    %or3A_96 = arith.ori %gt3A_88, %and3A_95 : vector<640x640xi1>
    %convert_element_type3A_97 = arith.extui %or3A_96 : vector<640x640xi1> to vector<640x640xi32>
    %reduce_sum3A_98 = arith.constant dense<0> : vector<640xi32>
    %reduce_sum3A_99 = vector.multi_reduction <add>, %convert_element_type3A_97, %reduce_sum3A_98 [0] : vector<640x640xi32> to vector<640xi32>
    %broadcast_in_dim3A_100 = vector.shape_cast %reduce_sum3A_99 : vector<640xi32> to vector<1x640xi32>
    %swap3A_101 = arith.constant 4 : index
    %swap3A_102 = arith.constant 0 : index
    %swap3A_103 = vector.load %arg2[%swap3A_101, %swap3A_102] : memref<16x640xi32, #tpu.memory_space<vmem>>, vector<1x640xi32>
    tpu.vector_store %arg2[%swap3A_101, %swap3A_102], %broadcast_in_dim3A_100 {strides = array<i32>} : memref<16x640xi32, #tpu.memory_space<vmem>>, vector<1x640xi32>,
    %slice3A_104 = vector.extract_strided_slice %get3A_1 {offsets = [5, 0], sizes = [1, 640], strides = [1, 1]} : vector<16x640xf32> to vector<1x640xf32>
    %slice3A_105 = vector.extract_strided_slice %get3A_4 {offsets = [5, 0], sizes = [1, 640], strides = [1, 1]} : vector<16x640xi32> to vector<1x640xi32>
    %transpose3A_106 = tpu.transpose %slice3A_104, [1, 0] : vector<1x640xf32> -> vector<640x1xf32>
    %transpose3A_107 = tpu.transpose %slice3A_105, [1, 0] : vector<1x640xi32> -> vector<640x1xi32>
    %gt3A_108 = vector.broadcast %transpose3A_106 : vector<640x1xf32> to vector<640x640xf32>
    %gt3A_109 = vector.broadcast %slice3A_104 : vector<1x640xf32> to vector<640x640xf32>
    %gt3A_110 = arith.cmpf ogt, %gt3A_108, %gt3A_109 : vector<640x640xf32>
    %eq3A_111 = vector.broadcast %transpose3A_106 : vector<640x1xf32> to vector<640x640xf32>
    %eq3A_112 = vector.broadcast %slice3A_104 : vector<1x640xf32> to vector<640x640xf32>
    %eq3A_113 = arith.cmpf oeq, %eq3A_111, %eq3A_112 : vector<640x640xf32>
    %lt3A_114 = vector.broadcast %transpose3A_107 : vector<640x1xi32> to vector<640x640xi32>
    %lt3A_115 = vector.broadcast %slice3A_105 : vector<1x640xi32> to vector<640x640xi32>
    %lt3A_116 = arith.cmpi slt, %lt3A_114, %lt3A_115 : vector<640x640xi32>
    %and3A_117 = arith.andi %eq3A_113, %lt3A_116 : vector<640x640xi1>
    %or3A_118 = arith.ori %gt3A_110, %and3A_117 : vector<640x640xi1>
    %convert_element_type3A_119 = arith.extui %or3A_118 : vector<640x640xi1> to vector<640x640xi32>
    %reduce_sum3A_120 = arith.constant dense<0> : vector<640xi32>
    %reduce_sum3A_121 = vector.multi_reduction <add>, %convert_element_type3A_119, %reduce_sum3A_120 [0] : vector<640x640xi32> to vector<640xi32>
    %broadcast_in_dim3A_122 = vector.shape_cast %reduce_sum3A_121 : vector<640xi32> to vector<1x640xi32>
    %swap3A_123 = arith.constant 5 : index
    %swap3A_124 = arith.constant 0 : index
    %swap3A_125 = vector.load %arg2[%swap3A_123, %swap3A_124] : memref<16x640xi32, #tpu.memory_space<vmem>>, vector<1x640xi32>
    tpu.vector_store %arg2[%swap3A_123, %swap3A_124], %broadcast_in_dim3A_122 {strides = array<i32>} : memref<16x640xi32, #tpu.memory_space<vmem>>, vector<1x640xi32>,
    %slice3A_126 = vector.extract_strided_slice %get3A_1 {offsets = [6, 0], sizes = [1, 640], strides = [1, 1]} : vector<16x640xf32> to vector<1x640xf32>
    %slice3A_127 = vector.extract_strided_slice %get3A_4 {offsets = [6, 0], sizes = [1, 640], strides = [1, 1]} : vector<16x640xi32> to vector<1x640xi32>
    %transpose3A_128 = tpu.transpose %slice3A_126, [1, 0] : vector<1x640xf32> -> vector<640x1xf32>
    %transpose3A_129 = tpu.transpose %slice3A_127, [1, 0] : vector<1x640xi32> -> vector<640x1xi32>
    %gt3A_130 = vector.broadcast %transpose3A_128 : vector<640x1xf32> to vector<640x640xf32>
    %gt3A_131 = vector.broadcast %slice3A_126 : vector<1x640xf32> to vector<640x640xf32>
    %gt3A_132 = arith.cmpf ogt, %gt3A_130, %gt3A_131 : vector<640x640xf32>
    %eq3A_133 = vector.broadcast %transpose3A_128 : vector<640x1xf32> to vector<640x640xf32>
    %eq3A_134 = vector.broadcast %slice3A_126 : vector<1x640xf32> to vector<640x640xf32>
    %eq3A_135 = arith.cmpf oeq, %eq3A_133, %eq3A_134 : vector<640x640xf32>
    %lt3A_136 = vector.broadcast %transpose3A_129 : vector<640x1xi32> to vector<640x640xi32>
    %lt3A_137 = vector.broadcast %slice3A_127 : vector<1x640xi32> to vector<640x640xi32>
    %lt3A_138 = arith.cmpi slt, %lt3A_136, %lt3A_137 : vector<640x640xi32>
    %and3A_139 = arith.andi %eq3A_135, %lt3A_138 : vector<640x640xi1>
    %or3A_140 = arith.ori %gt3A_132, %and3A_139 : vector<640x640xi1>
    %convert_element_type3A_141 = arith.extui %or3A_140 : vector<640x640xi1> to vector<640x640xi32>
    %reduce_sum3A_142 = arith.constant dense<0> : vector<640xi32>
    %reduce_sum3A_143 = vector.multi_reduction <add>, %convert_element_type3A_141, %reduce_sum3A_142 [0] : vector<640x640xi32> to vector<640xi32>
    %broadcast_in_dim3A_144 = vector.shape_cast %reduce_sum3A_143 : vector<640xi32> to vector<1x640xi32>
    %swap3A_145 = arith.constant 6 : index
    %swap3A_146 = arith.constant 0 : index
    %swap3A_147 = vector.load %arg2[%swap3A_145, %swap3A_146] : memref<16x640xi32, #tpu.memory_space<vmem>>, vector<1x640xi32>
    tpu.vector_store %arg2[%swap3A_145, %swap3A_146], %broadcast_in_dim3A_144 {strides = array<i32>} : memref<16x640xi32, #tpu.memory_space<vmem>>, vector<1x640xi32>,
    %slice3A_148 = vector.extract_strided_slice %get3A_1 {offsets = [7, 0], sizes = [1, 640], strides = [1, 1]} : vector<16x640xf32> to vector<1x640xf32>
    %slice3A_149 = vector.extract_strided_slice %get3A_4 {offsets = [7, 0], sizes = [1, 640], strides = [1, 1]} : vector<16x640xi32> to vector<1x640xi32>
    %transpose3A_150 = tpu.transpose %slice3A_148, [1, 0] : vector<1x640xf32> -> vector<640x1xf32>
    %transpose3A_151 = tpu.transpose %slice3A_149, [1, 0] : vector<1x640xi32> -> vector<640x1xi32>
    %gt3A_152 = vector.broadcast %transpose3A_150 : vector<640x1xf32> to vector<640x640xf32>
    %gt3A_153 = vector.broadcast %slice3A_148 : vector<1x640xf32> to vector<640x640xf32>
    %gt3A_154 = arith.cmpf ogt, %gt3A_152, %gt3A_153 : vector<640x640xf32>
    %eq3A_155 = vector.broadcast %transpose3A_150 : vector<640x1xf32> to vector<640x640xf32>
    %eq3A_156 = vector.broadcast %slice3A_148 : vector<1x640xf32> to vector<640x640xf32>
    %eq3A_157 = arith.cmpf oeq, %eq3A_155, %eq3A_156 : vector<640x640xf32>
    %lt3A_158 = vector.broadcast %transpose3A_151 : vector<640x1xi32> to vector<640x640xi32>
    %lt3A_159 = vector.broadcast %slice3A_149 : vector<1x640xi32> to vector<640x640xi32>
    %lt3A_160 = arith.cmpi slt, %lt3A_158, %lt3A_159 : vector<640x640xi32>
    %and3A_161 = arith.andi %eq3A_157, %lt3A_160 : vector<640x640xi1>
    %or3A_162 = arith.ori %gt3A_154, %and3A_161 : vector<640x640xi1>
    %convert_element_type3A_163 = arith.extui %or3A_162 : vector<640x640xi1> to vector<640x640xi32>
    %reduce_sum3A_164 = arith.constant dense<0> : vector<640xi32>
    %reduce_sum3A_165 = vector.multi_reduction <add>, %convert_element_type3A_163, %reduce_sum3A_164 [0] : vector<640x640xi32> to vector<640xi32>
    %broadcast_in_dim3A_166 = vector.shape_cast %reduce_sum3A_165 : vector<640xi32> to vector<1x640xi32>
    %swap3A_167 = arith.constant 7 : index
    %swap3A_168 = arith.constant 0 : index
    %swap3A_169 = vector.load %arg2[%swap3A_167, %swap3A_168] : memref<16x640xi32, #tpu.memory_space<vmem>>, vector<1x640xi32>
    tpu.vector_store %arg2[%swap3A_167, %swap3A_168], %broadcast_in_dim3A_166 {strides = array<i32>} : memref<16x640xi32, #tpu.memory_space<vmem>>, vector<1x640xi32>,
    %slice3A_170 = vector.extract_strided_slice %get3A_1 {offsets = [8, 0], sizes = [1, 640], strides = [1, 1]} : vector<16x640xf32> to vector<1x640xf32>
    %slice3A_171 = vector.extract_strided_slice %get3A_4 {offsets = [8, 0], sizes = [1, 640], strides = [1, 1]} : vector<16x640xi32> to vector<1x640xi32>
    %transpose3A_172 = tpu.transpose %slice3A_170, [1, 0] : vector<1x640xf32> -> vector<640x1xf32>
    %transpose3A_173 = tpu.transpose %slice3A_171, [1, 0] : vector<1x640xi32> -> vector<640x1xi32>
    %gt3A_174 = vector.broadcast %transpose3A_172 : vector<640x1xf32> to vector<640x640xf32>
    %gt3A_175 = vector.broadcast %slice3A_170 : vector<1x640xf32> to vector<640x640xf32>
    %gt3A_176 = arith.cmpf ogt, %gt3A_174, %gt3A_175 : vector<640x640xf32>
    %eq3A_177 = vector.broadcast %transpose3A_172 : vector<640x1xf32> to vector<640x640xf32>
    %eq3A_178 = vector.broadcast %slice3A_170 : vector<1x640xf32> to vector<640x640xf32>
    %eq3A_179 = arith.cmpf oeq, %eq3A_177, %eq3A_178 : vector<640x640xf32>
    %lt3A_180 = vector.broadcast %transpose3A_173 : vector<640x1xi32> to vector<640x640xi32>
    %lt3A_181 = vector.broadcast %slice3A_171 : vector<1x640xi32> to vector<640x640xi32>
    %lt3A_182 = arith.cmpi slt, %lt3A_180, %lt3A_181 : vector<640x640xi32>
    %and3A_183 = arith.andi %eq3A_179, %lt3A_182 : vector<640x640xi1>
    %or3A_184 = arith.ori %gt3A_176, %and3A_183 : vector<640x640xi1>
    %convert_element_type3A_185 = arith.extui %or3A_184 : vector<640x640xi1> to vector<640x640xi32>
    %reduce_sum3A_186 = arith.constant dense<0> : vector<640xi32>
    %reduce_sum3A_187 = vector.multi_reduction <add>, %convert_element_type3A_185, %reduce_sum3A_186 [0] : vector<640x640xi32> to vector<640xi32>
    %broadcast_in_dim3A_188 = vector.shape_cast %reduce_sum3A_187 : vector<640xi32> to vector<1x640xi32>
    %swap3A_189 = arith.constant 8 : index
    %swap3A_190 = arith.constant 0 : index
    %swap3A_191 = vector.load %arg2[%swap3A_189, %swap3A_190] : memref<16x640xi32, #tpu.memory_space<vmem>>, vector<1x640xi32>
    tpu.vector_store %arg2[%swap3A_189, %swap3A_190], %broadcast_in_dim3A_188 {strides = array<i32>} : memref<16x640xi32, #tpu.memory_space<vmem>>, vector<1x640xi32>,
    %slice3A_192 = vector.extract_strided_slice %get3A_1 {offsets = [9, 0], sizes = [1, 640], strides = [1, 1]} : vector<16x640xf32> to vector<1x640xf32>
    %slice3A_193 = vector.extract_strided_slice %get3A_4 {offsets = [9, 0], sizes = [1, 640], strides = [1, 1]} : vector<16x640xi32> to vector<1x640xi32>
    %transpose3A_194 = tpu.transpose %slice3A_192, [1, 0] : vector<1x640xf32> -> vector<640x1xf32>
    %transpose3A_195 = tpu.transpose %slice3A_193, [1, 0] : vector<1x640xi32> -> vector<640x1xi32>
    %gt3A_196 = vector.broadcast %transpose3A_194 : vector<640x1xf32> to vector<640x640xf32>
    %gt3A_197 = vector.broadcast %slice3A_192 : vector<1x640xf32> to vector<640x640xf32>
    %gt3A_198 = arith.cmpf ogt, %gt3A_196, %gt3A_197 : vector<640x640xf32>
    %eq3A_199 = vector.broadcast %transpose3A_194 : vector<640x1xf32> to vector<640x640xf32>
    %eq3A_200 = vector.broadcast %slice3A_192 : vector<1x640xf32> to vector<640x640xf32>
    %eq3A_201 = arith.cmpf oeq, %eq3A_199, %eq3A_200 : vector<640x640xf32>
    %lt3A_202 = vector.broadcast %transpose3A_195 : vector<640x1xi32> to vector<640x640xi32>
    %lt3A_203 = vector.broadcast %slice3A_193 : vector<1x640xi32> to vector<640x640xi32>
    %lt3A_204 = arith.cmpi slt, %lt3A_202, %lt3A_203 : vector<640x640xi32>
    %and3A_205 = arith.andi %eq3A_201, %lt3A_204 : vector<640x640xi1>
    %or3A_206 = arith.ori %gt3A_198, %and3A_205 : vector<640x640xi1>
    %convert_element_type3A_207 = arith.extui %or3A_206 : vector<640x640xi1> to vector<640x640xi32>
    %reduce_sum3A_208 = arith.constant dense<0> : vector<640xi32>
    %reduce_sum3A_209 = vector.multi_reduction <add>, %convert_element_type3A_207, %reduce_sum3A_208 [0] : vector<640x640xi32> to vector<640xi32>
    %broadcast_in_dim3A_210 = vector.shape_cast %reduce_sum3A_209 : vector<640xi32> to vector<1x640xi32>
    %swap3A_211 = arith.constant 9 : index
    %swap3A_212 = arith.constant 0 : index
    %swap3A_213 = vector.load %arg2[%swap3A_211, %swap3A_212] : memref<16x640xi32, #tpu.memory_space<vmem>>, vector<1x640xi32>
    tpu.vector_store %arg2[%swap3A_211, %swap3A_212], %broadcast_in_dim3A_210 {strides = array<i32>} : memref<16x640xi32, #tpu.memory_space<vmem>>, vector<1x640xi32>,
    %slice3A_214 = vector.extract_strided_slice %get3A_1 {offsets = [10, 0], sizes = [1, 640], strides = [1, 1]} : vector<16x640xf32> to vector<1x640xf32>
    %slice3A_215 = vector.extract_strided_slice %get3A_4 {offsets = [10, 0], sizes = [1, 640], strides = [1, 1]} : vector<16x640xi32> to vector<1x640xi32>
    %transpose3A_216 = tpu.transpose %slice3A_214, [1, 0] : vector<1x640xf32> -> vector<640x1xf32>
    %transpose3A_217 = tpu.transpose %slice3A_215, [1, 0] : vector<1x640xi32> -> vector<640x1xi32>
    %gt3A_218 = vector.broadcast %transpose3A_216 : vector<640x1xf32> to vector<640x640xf32>
    %gt3A_219 = vector.broadcast %slice3A_214 : vector<1x640xf32> to vector<640x640xf32>
    %gt3A_220 = arith.cmpf ogt, %gt3A_218, %gt3A_219 : vector<640x640xf32>
    %eq3A_221 = vector.broadcast %transpose3A_216 : vector<640x1xf32> to vector<640x640xf32>
    %eq3A_222 = vector.broadcast %slice3A_214 : vector<1x640xf32> to vector<640x640xf32>
    %eq3A_223 = arith.cmpf oeq, %eq3A_221, %eq3A_222 : vector<640x640xf32>
    %lt3A_224 = vector.broadcast %transpose3A_217 : vector<640x1xi32> to vector<640x640xi32>
    %lt3A_225 = vector.broadcast %slice3A_215 : vector<1x640xi32> to vector<640x640xi32>
    %lt3A_226 = arith.cmpi slt, %lt3A_224, %lt3A_225 : vector<640x640xi32>
    %and3A_227 = arith.andi %eq3A_223, %lt3A_226 : vector<640x640xi1>
    %or3A_228 = arith.ori %gt3A_220, %and3A_227 : vector<640x640xi1>
    %convert_element_type3A_229 = arith.extui %or3A_228 : vector<640x640xi1> to vector<640x640xi32>
    %reduce_sum3A_230 = arith.constant dense<0> : vector<640xi32>
    %reduce_sum3A_231 = vector.multi_reduction <add>, %convert_element_type3A_229, %reduce_sum3A_230 [0] : vector<640x640xi32> to vector<640xi32>
    %broadcast_in_dim3A_232 = vector.shape_cast %reduce_sum3A_231 : vector<640xi32> to vector<1x640xi32>
    %swap3A_233 = arith.constant 10 : index
    %swap3A_234 = arith.constant 0 : index
    %swap3A_235 = vector.load %arg2[%swap3A_233, %swap3A_234] : memref<16x640xi32, #tpu.memory_space<vmem>>, vector<1x640xi32>
    tpu.vector_store %arg2[%swap3A_233, %swap3A_234], %broadcast_in_dim3A_232 {strides = array<i32>} : memref<16x640xi32, #tpu.memory_space<vmem>>, vector<1x640xi32>,
    %slice3A_236 = vector.extract_strided_slice %get3A_1 {offsets = [11, 0], sizes = [1, 640], strides = [1, 1]} : vector<16x640xf32> to vector<1x640xf32>
    %slice3A_237 = vector.extract_strided_slice %get3A_4 {offsets = [11, 0], sizes = [1, 640], strides = [1, 1]} : vector<16x640xi32> to vector<1x640xi32>
    %transpose3A_238 = tpu.transpose %slice3A_236, [1, 0] : vector<1x640xf32> -> vector<640x1xf32>
    %transpose3A_239 = tpu.transpose %slice3A_237, [1, 0] : vector<1x640xi32> -> vector<640x1xi32>
    %gt3A_240 = vector.broadcast %transpose3A_238 : vector<640x1xf32> to vector<640x640xf32>
    %gt3A_241 = vector.broadcast %slice3A_236 : vector<1x640xf32> to vector<640x640xf32>
    %gt3A_242 = arith.cmpf ogt, %gt3A_240, %gt3A_241 : vector<640x640xf32>
    %eq3A_243 = vector.broadcast %transpose3A_238 : vector<640x1xf32> to vector<640x640xf32>
    %eq3A_244 = vector.broadcast %slice3A_236 : vector<1x640xf32> to vector<640x640xf32>
    %eq3A_245 = arith.cmpf oeq, %eq3A_243, %eq3A_244 : vector<640x640xf32>
    %lt3A_246 = vector.broadcast %transpose3A_239 : vector<640x1xi32> to vector<640x640xi32>
    %lt3A_247 = vector.broadcast %slice3A_237 : vector<1x640xi32> to vector<640x640xi32>
    %lt3A_248 = arith.cmpi slt, %lt3A_246, %lt3A_247 : vector<640x640xi32>
    %and3A_249 = arith.andi %eq3A_245, %lt3A_248 : vector<640x640xi1>
    %or3A_250 = arith.ori %gt3A_242, %and3A_249 : vector<640x640xi1>
    %convert_element_type3A_251 = arith.extui %or3A_250 : vector<640x640xi1> to vector<640x640xi32>
    %reduce_sum3A_252 = arith.constant dense<0> : vector<640xi32>
    %reduce_sum3A_253 = vector.multi_reduction <add>, %convert_element_type3A_251, %reduce_sum3A_252 [0] : vector<640x640xi32> to vector<640xi32>
    %broadcast_in_dim3A_254 = vector.shape_cast %reduce_sum3A_253 : vector<640xi32> to vector<1x640xi32>
    %swap3A_255 = arith.constant 11 : index
    %swap3A_256 = arith.constant 0 : index
    %swap3A_257 = vector.load %arg2[%swap3A_255, %swap3A_256] : memref<16x640xi32, #tpu.memory_space<vmem>>, vector<1x640xi32>
    tpu.vector_store %arg2[%swap3A_255, %swap3A_256], %broadcast_in_dim3A_254 {strides = array<i32>} : memref<16x640xi32, #tpu.memory_space<vmem>>, vector<1x640xi32>,
    %slice3A_258 = vector.extract_strided_slice %get3A_1 {offsets = [12, 0], sizes = [1, 640], strides = [1, 1]} : vector<16x640xf32> to vector<1x640xf32>
    %slice3A_259 = vector.extract_strided_slice %get3A_4 {offsets = [12, 0], sizes = [1, 640], strides = [1, 1]} : vector<16x640xi32> to vector<1x640xi32>
    %transpose3A_260 = tpu.transpose %slice3A_258, [1, 0] : vector<1x640xf32> -> vector<640x1xf32>
    %transpose3A_261 = tpu.transpose %slice3A_259, [1, 0] : vector<1x640xi32> -> vector<640x1xi32>
    %gt3A_262 = vector.broadcast %transpose3A_260 : vector<640x1xf32> to vector<640x640xf32>
    %gt3A_263 = vector.broadcast %slice3A_258 : vector<1x640xf32> to vector<640x640xf32>
    %gt3A_264 = arith.cmpf ogt, %gt3A_262, %gt3A_263 : vector<640x640xf32>
    %eq3A_265 = vector.broadcast %transpose3A_260 : vector<640x1xf32> to vector<640x640xf32>
    %eq3A_266 = vector.broadcast %slice3A_258 : vector<1x640xf32> to vector<640x640xf32>
    %eq3A_267 = arith.cmpf oeq, %eq3A_265, %eq3A_266 : vector<640x640xf32>
    %lt3A_268 = vector.broadcast %transpose3A_261 : vector<640x1xi32> to vector<640x640xi32>
    %lt3A_269 = vector.broadcast %slice3A_259 : vector<1x640xi32> to vector<640x640xi32>
    %lt3A_270 = arith.cmpi slt, %lt3A_268, %lt3A_269 : vector<640x640xi32>
    %and3A_271 = arith.andi %eq3A_267, %lt3A_270 : vector<640x640xi1>
    %or3A_272 = arith.ori %gt3A_264, %and3A_271 : vector<640x640xi1>
    %convert_element_type3A_273 = arith.extui %or3A_272 : vector<640x640xi1> to vector<640x640xi32>
    %reduce_sum3A_274 = arith.constant dense<0> : vector<640xi32>
    %reduce_sum3A_275 = vector.multi_reduction <add>, %convert_element_type3A_273, %reduce_sum3A_274 [0] : vector<640x640xi32> to vector<640xi32>
    %broadcast_in_dim3A_276 = vector.shape_cast %reduce_sum3A_275 : vector<640xi32> to vector<1x640xi32>
    %swap3A_277 = arith.constant 12 : index
    %swap3A_278 = arith.constant 0 : index
    %swap3A_279 = vector.load %arg2[%swap3A_277, %swap3A_278] : memref<16x640xi32, #tpu.memory_space<vmem>>, vector<1x640xi32>
    tpu.vector_store %arg2[%swap3A_277, %swap3A_278], %broadcast_in_dim3A_276 {strides = array<i32>} : memref<16x640xi32, #tpu.memory_space<vmem>>, vector<1x640xi32>,
    %slice3A_280 = vector.extract_strided_slice %get3A_1 {offsets = [13, 0], sizes = [1, 640], strides = [1, 1]} : vector<16x640xf32> to vector<1x640xf32>
    %slice3A_281 = vector.extract_strided_slice %get3A_4 {offsets = [13, 0], sizes = [1, 640], strides = [1, 1]} : vector<16x640xi32> to vector<1x640xi32>
    %transpose3A_282 = tpu.transpose %slice3A_280, [1, 0] : vector<1x640xf32> -> vector<640x1xf32>
    %transpose3A_283 = tpu.transpose %slice3A_281, [1, 0] : vector<1x640xi32> -> vector<640x1xi32>
    %gt3A_284 = vector.broadcast %transpose3A_282 : vector<640x1xf32> to vector<640x640xf32>
    %gt3A_285 = vector.broadcast %slice3A_280 : vector<1x640xf32> to vector<640x640xf32>
    %gt3A_286 = arith.cmpf ogt, %gt3A_284, %gt3A_285 : vector<640x640xf32>
    %eq3A_287 = vector.broadcast %transpose3A_282 : vector<640x1xf32> to vector<640x640xf32>
    %eq3A_288 = vector.broadcast %slice3A_280 : vector<1x640xf32> to vector<640x640xf32>
    %eq3A_289 = arith.cmpf oeq, %eq3A_287, %eq3A_288 : vector<640x640xf32>
    %lt3A_290 = vector.broadcast %transpose3A_283 : vector<640x1xi32> to vector<640x640xi32>
    %lt3A_291 = vector.broadcast %slice3A_281 : vector<1x640xi32> to vector<640x640xi32>
    %lt3A_292 = arith.cmpi slt, %lt3A_290, %lt3A_291 : vector<640x640xi32>
    %and3A_293 = arith.andi %eq3A_289, %lt3A_292 : vector<640x640xi1>
    %or3A_294 = arith.ori %gt3A_286, %and3A_293 : vector<640x640xi1>
    %convert_element_type3A_295 = arith.extui %or3A_294 : vector<640x640xi1> to vector<640x640xi32>
    %reduce_sum3A_296 = arith.constant dense<0> : vector<640xi32>
    %reduce_sum3A_297 = vector.multi_reduction <add>, %convert_element_type3A_295, %reduce_sum3A_296 [0] : vector<640x640xi32> to vector<640xi32>
    %broadcast_in_dim3A_298 = vector.shape_cast %reduce_sum3A_297 : vector<640xi32> to vector<1x640xi32>
    %swap3A_299 = arith.constant 13 : index
    %swap3A_300 = arith.constant 0 : index
    %swap3A_301 = vector.load %arg2[%swap3A_299, %swap3A_300] : memref<16x640xi32, #tpu.memory_space<vmem>>, vector<1x640xi32>
    tpu.vector_store %arg2[%swap3A_299, %swap3A_300], %broadcast_in_dim3A_298 {strides = array<i32>} : memref<16x640xi32, #tpu.memory_space<vmem>>, vector<1x640xi32>,
    %slice3A_302 = vector.extract_strided_slice %get3A_1 {offsets = [14, 0], sizes = [1, 640], strides = [1, 1]} : vector<16x640xf32> to vector<1x640xf32>
    %slice3A_303 = vector.extract_strided_slice %get3A_4 {offsets = [14, 0], sizes = [1, 640], strides = [1, 1]} : vector<16x640xi32> to vector<1x640xi32>
    %transpose3A_304 = tpu.transpose %slice3A_302, [1, 0] : vector<1x640xf32> -> vector<640x1xf32>
    %transpose3A_305 = tpu.transpose %slice3A_303, [1, 0] : vector<1x640xi32> -> vector<640x1xi32>
    %gt3A_306 = vector.broadcast %transpose3A_304 : vector<640x1xf32> to vector<640x640xf32>
    %gt3A_307 = vector.broadcast %slice3A_302 : vector<1x640xf32> to vector<640x640xf32>
    %gt3A_308 = arith.cmpf ogt, %gt3A_306, %gt3A_307 : vector<640x640xf32>
    %eq3A_309 = vector.broadcast %transpose3A_304 : vector<640x1xf32> to vector<640x640xf32>
    %eq3A_310 = vector.broadcast %slice3A_302 : vector<1x640xf32> to vector<640x640xf32>
    %eq3A_311 = arith.cmpf oeq, %eq3A_309, %eq3A_310 : vector<640x640xf32>
    %lt3A_312 = vector.broadcast %transpose3A_305 : vector<640x1xi32> to vector<640x640xi32>
    %lt3A_313 = vector.broadcast %slice3A_303 : vector<1x640xi32> to vector<640x640xi32>
    %lt3A_314 = arith.cmpi slt, %lt3A_312, %lt3A_313 : vector<640x640xi32>
    %and3A_315 = arith.andi %eq3A_311, %lt3A_314 : vector<640x640xi1>
    %or3A_316 = arith.ori %gt3A_308, %and3A_315 : vector<640x640xi1>
    %convert_element_type3A_317 = arith.extui %or3A_316 : vector<640x640xi1> to vector<640x640xi32>
    %reduce_sum3A_318 = arith.constant dense<0> : vector<640xi32>
    %reduce_sum3A_319 = vector.multi_reduction <add>, %convert_element_type3A_317, %reduce_sum3A_318 [0] : vector<640x640xi32> to vector<640xi32>
    %broadcast_in_dim3A_320 = vector.shape_cast %reduce_sum3A_319 : vector<640xi32> to vector<1x640xi32>
    %swap3A_321 = arith.constant 14 : index
    %swap3A_322 = arith.constant 0 : index
    %swap3A_323 = vector.load %arg2[%swap3A_321, %swap3A_322] : memref<16x640xi32, #tpu.memory_space<vmem>>, vector<1x640xi32>
    tpu.vector_store %arg2[%swap3A_321, %swap3A_322], %broadcast_in_dim3A_320 {strides = array<i32>} : memref<16x640xi32, #tpu.memory_space<vmem>>, vector<1x640xi32>,
    %slice3A_324 = vector.extract_strided_slice %get3A_1 {offsets = [15, 0], sizes = [1, 640], strides = [1, 1]} : vector<16x640xf32> to vector<1x640xf32>
    %slice3A_325 = vector.extract_strided_slice %get3A_4 {offsets = [15, 0], sizes = [1, 640], strides = [1, 1]} : vector<16x640xi32> to vector<1x640xi32>
    %transpose3A_326 = tpu.transpose %slice3A_324, [1, 0] : vector<1x640xf32> -> vector<640x1xf32>
    %transpose3A_327 = tpu.transpose %slice3A_325, [1, 0] : vector<1x640xi32> -> vector<640x1xi32>
    %gt3A_328 = vector.broadcast %transpose3A_326 : vector<640x1xf32> to vector<640x640xf32>
    %gt3A_329 = vector.broadcast %slice3A_324 : vector<1x640xf32> to vector<640x640xf32>
    %gt3A_330 = arith.cmpf ogt, %gt3A_328, %gt3A_329 : vector<640x640xf32>
    %eq3A_331 = vector.broadcast %transpose3A_326 : vector<640x1xf32> to vector<640x640xf32>
    %eq3A_332 = vector.broadcast %slice3A_324 : vector<1x640xf32> to vector<640x640xf32>
    %eq3A_333 = arith.cmpf oeq, %eq3A_331, %eq3A_332 : vector<640x640xf32>
    %lt3A_334 = vector.broadcast %transpose3A_327 : vector<640x1xi32> to vector<640x640xi32>
    %lt3A_335 = vector.broadcast %slice3A_325 : vector<1x640xi32> to vector<640x640xi32>
    %lt3A_336 = arith.cmpi slt, %lt3A_334, %lt3A_335 : vector<640x640xi32>
    %and3A_337 = arith.andi %eq3A_333, %lt3A_336 : vector<640x640xi1>
    %or3A_338 = arith.ori %gt3A_330, %and3A_337 : vector<640x640xi1>
    %convert_element_type3A_339 = arith.extui %or3A_338 : vector<640x640xi1> to vector<640x640xi32>
    %reduce_sum3A_340 = arith.constant dense<0> : vector<640xi32>
    %reduce_sum3A_341 = vector.multi_reduction <add>, %convert_element_type3A_339, %reduce_sum3A_340 [0] : vector<640x640xi32> to vector<640xi32>
    %broadcast_in_dim3A_342 = vector.shape_cast %reduce_sum3A_341 : vector<640xi32> to vector<1x640xi32>
    %swap3A_343 = arith.constant 15 : index
    %swap3A_344 = arith.constant 0 : index
    %swap3A_345 = vector.load %arg2[%swap3A_343, %swap3A_344] : memref<16x640xi32, #tpu.memory_space<vmem>>, vector<1x640xi32>
    tpu.vector_store %arg2[%swap3A_343, %swap3A_344], %broadcast_in_dim3A_342 {strides = array<i32>} : memref<16x640xi32, #tpu.memory_space<vmem>>, vector<1x640xi32>,
    return
  }
}

module attributes {stable_mosaic.version = 14 : i64} {
  func.func @_select_body(%arg0: memref<2048x128xf32, #tpu.memory_space<vmem>>, %arg1: memref<2048x128xi32, #tpu.memory_space<vmem>>) attributes {dimension_semantics = [], scalar_prefetch = 0 : i64, scratch_operands = 0 : i64, tpu.core_type = #tpu.core_type<tc>} {
    %get3A = arith.constant 0 : index
    %get3A_0 = arith.constant 0 : index
    %get3A_1 = vector.load %arg0[%get3A, %get3A_0] : memref<2048x128xf32, #tpu.memory_space<vmem>>, vector<2048x128xf32>
    %bitcast_convert_type3A = tpu.bitcast %get3A_1 : vector<2048x128xf32> -> vector<2048x128xi32>
    %shift_right_arithmetic3A = arith.constant 31 : i32
    %shift_right_arithmetic3A_2 = vector.broadcast %shift_right_arithmetic3A : i32 to vector<2048x128xi32>
    %shift_right_arithmetic3A_3 = arith.shrsi %bitcast_convert_type3A, %shift_right_arithmetic3A_2 : vector<2048x128xi32>
    %and3A = arith.constant 2147483647 : i32
    %and3A_4 = vector.broadcast %and3A : i32 to vector<2048x128xi32>
    %and3A_5 = arith.andi %shift_right_arithmetic3A_3, %and3A_4 : vector<2048x128xi32>
    %xor3A = arith.xori %bitcast_convert_type3A, %and3A_5 : vector<2048x128xi32>
    %reshape3A = vector.shape_cast %xor3A : vector<2048x128xi32> to vector<16x128x128xi32>
    %broadcast_in_dim3A = arith.constant 0 : i32
    %broadcast_in_dim3A_6 = vector.broadcast %broadcast_in_dim3A : i32 to vector<16x1x1xi32>
    %broadcast_in_dim3A_7 = arith.constant -2147483648 : i32
    %broadcast_in_dim3A_8 = vector.broadcast %broadcast_in_dim3A_7 : i32 to vector<16x1x1xi32>
    %ge3A = vector.broadcast %broadcast_in_dim3A_6 : vector<16x1x1xi32> to vector<16x128x128xi32>
    %ge3A_9 = arith.cmpi sge, %reshape3A, %ge3A : vector<16x128x128xi32>
    %convert_element_type3A = arith.extui %ge3A_9 : vector<16x128x128xi1> to vector<16x128x128xi32>
    %reduce_sum3A = arith.constant dense<0> : vector<16xi32>
    %reduce_sum3A_10 = vector.multi_reduction <add>, %convert_element_type3A, %reduce_sum3A [1, 2] : vector<16x128x128xi32> to vector<16xi32>
    %broadcast_in_dim3A_11 = vector.shape_cast %reduce_sum3A_10 : vector<16xi32> to vector<16x1x1xi32>
    %ge3A_12 = arith.constant 512 : i32
    %ge3A_13 = vector.broadcast %ge3A_12 : i32 to vector<16x1x1xi32>
    %ge3A_14 = arith.cmpi sge, %broadcast_in_dim3A_11, %ge3A_13 : vector<16x1x1xi32>
    %select_n3A = arith.select %ge3A_14, %broadcast_in_dim3A_6, %broadcast_in_dim3A_8 : vector<16x1x1xi1>, vector<16x1x1xi32>
    %or3A = arith.constant 1073741824 : i32
    %or3A_15 = vector.broadcast %or3A : i32 to vector<16x1x1xi32>
    %or3A_16 = arith.ori %select_n3A, %or3A_15 : vector<16x1x1xi32>
    %ge3A_17 = vector.broadcast %or3A_16 : vector<16x1x1xi32> to vector<16x128x128xi32>
    %ge3A_18 = arith.cmpi sge, %reshape3A, %ge3A_17 : vector<16x128x128xi32>
    %convert_element_type3A_19 = arith.extui %ge3A_18 : vector<16x128x128xi1> to vector<16x128x128xi32>
    %reduce_sum3A_20 = arith.constant dense<0> : vector<16xi32>
    %reduce_sum3A_21 = vector.multi_reduction <add>, %convert_element_type3A_19, %reduce_sum3A_20 [1, 2] : vector<16x128x128xi32> to vector<16xi32>
    %broadcast_in_dim3A_22 = vector.shape_cast %reduce_sum3A_21 : vector<16xi32> to vector<16x1x1xi32>
    %ge3A_23 = arith.constant 512 : i32
    %ge3A_24 = vector.broadcast %ge3A_23 : i32 to vector<16x1x1xi32>
    %ge3A_25 = arith.cmpi sge, %broadcast_in_dim3A_22, %ge3A_24 : vector<16x1x1xi32>
    %select_n3A_26 = arith.select %ge3A_25, %or3A_16, %select_n3A : vector<16x1x1xi1>, vector<16x1x1xi32>
    %or3A_27 = arith.constant 536870912 : i32
    %or3A_28 = vector.broadcast %or3A_27 : i32 to vector<16x1x1xi32>
    %or3A_29 = arith.ori %select_n3A_26, %or3A_28 : vector<16x1x1xi32>
    %ge3A_30 = vector.broadcast %or3A_29 : vector<16x1x1xi32> to vector<16x128x128xi32>
    %ge3A_31 = arith.cmpi sge, %reshape3A, %ge3A_30 : vector<16x128x128xi32>
    %convert_element_type3A_32 = arith.extui %ge3A_31 : vector<16x128x128xi1> to vector<16x128x128xi32>
    %reduce_sum3A_33 = arith.constant dense<0> : vector<16xi32>
    %reduce_sum3A_34 = vector.multi_reduction <add>, %convert_element_type3A_32, %reduce_sum3A_33 [1, 2] : vector<16x128x128xi32> to vector<16xi32>
    %broadcast_in_dim3A_35 = vector.shape_cast %reduce_sum3A_34 : vector<16xi32> to vector<16x1x1xi32>
    %ge3A_36 = arith.constant 512 : i32
    %ge3A_37 = vector.broadcast %ge3A_36 : i32 to vector<16x1x1xi32>
    %ge3A_38 = arith.cmpi sge, %broadcast_in_dim3A_35, %ge3A_37 : vector<16x1x1xi32>
    %select_n3A_39 = arith.select %ge3A_38, %or3A_29, %select_n3A_26 : vector<16x1x1xi1>, vector<16x1x1xi32>
    %or3A_40 = arith.constant 268435456 : i32
    %or3A_41 = vector.broadcast %or3A_40 : i32 to vector<16x1x1xi32>
    %or3A_42 = arith.ori %select_n3A_39, %or3A_41 : vector<16x1x1xi32>
    %ge3A_43 = vector.broadcast %or3A_42 : vector<16x1x1xi32> to vector<16x128x128xi32>
    %ge3A_44 = arith.cmpi sge, %reshape3A, %ge3A_43 : vector<16x128x128xi32>
    %convert_element_type3A_45 = arith.extui %ge3A_44 : vector<16x128x128xi1> to vector<16x128x128xi32>
    %reduce_sum3A_46 = arith.constant dense<0> : vector<16xi32>
    %reduce_sum3A_47 = vector.multi_reduction <add>, %convert_element_type3A_45, %reduce_sum3A_46 [1, 2] : vector<16x128x128xi32> to vector<16xi32>
    %broadcast_in_dim3A_48 = vector.shape_cast %reduce_sum3A_47 : vector<16xi32> to vector<16x1x1xi32>
    %ge3A_49 = arith.constant 512 : i32
    %ge3A_50 = vector.broadcast %ge3A_49 : i32 to vector<16x1x1xi32>
    %ge3A_51 = arith.cmpi sge, %broadcast_in_dim3A_48, %ge3A_50 : vector<16x1x1xi32>
    %select_n3A_52 = arith.select %ge3A_51, %or3A_42, %select_n3A_39 : vector<16x1x1xi1>, vector<16x1x1xi32>
    %or3A_53 = arith.constant 134217728 : i32
    %or3A_54 = vector.broadcast %or3A_53 : i32 to vector<16x1x1xi32>
    %or3A_55 = arith.ori %select_n3A_52, %or3A_54 : vector<16x1x1xi32>
    %ge3A_56 = vector.broadcast %or3A_55 : vector<16x1x1xi32> to vector<16x128x128xi32>
    %ge3A_57 = arith.cmpi sge, %reshape3A, %ge3A_56 : vector<16x128x128xi32>
    %convert_element_type3A_58 = arith.extui %ge3A_57 : vector<16x128x128xi1> to vector<16x128x128xi32>
    %reduce_sum3A_59 = arith.constant dense<0> : vector<16xi32>
    %reduce_sum3A_60 = vector.multi_reduction <add>, %convert_element_type3A_58, %reduce_sum3A_59 [1, 2] : vector<16x128x128xi32> to vector<16xi32>
    %broadcast_in_dim3A_61 = vector.shape_cast %reduce_sum3A_60 : vector<16xi32> to vector<16x1x1xi32>
    %ge3A_62 = arith.constant 512 : i32
    %ge3A_63 = vector.broadcast %ge3A_62 : i32 to vector<16x1x1xi32>
    %ge3A_64 = arith.cmpi sge, %broadcast_in_dim3A_61, %ge3A_63 : vector<16x1x1xi32>
    %select_n3A_65 = arith.select %ge3A_64, %or3A_55, %select_n3A_52 : vector<16x1x1xi1>, vector<16x1x1xi32>
    %or3A_66 = arith.constant 67108864 : i32
    %or3A_67 = vector.broadcast %or3A_66 : i32 to vector<16x1x1xi32>
    %or3A_68 = arith.ori %select_n3A_65, %or3A_67 : vector<16x1x1xi32>
    %ge3A_69 = vector.broadcast %or3A_68 : vector<16x1x1xi32> to vector<16x128x128xi32>
    %ge3A_70 = arith.cmpi sge, %reshape3A, %ge3A_69 : vector<16x128x128xi32>
    %convert_element_type3A_71 = arith.extui %ge3A_70 : vector<16x128x128xi1> to vector<16x128x128xi32>
    %reduce_sum3A_72 = arith.constant dense<0> : vector<16xi32>
    %reduce_sum3A_73 = vector.multi_reduction <add>, %convert_element_type3A_71, %reduce_sum3A_72 [1, 2] : vector<16x128x128xi32> to vector<16xi32>
    %broadcast_in_dim3A_74 = vector.shape_cast %reduce_sum3A_73 : vector<16xi32> to vector<16x1x1xi32>
    %ge3A_75 = arith.constant 512 : i32
    %ge3A_76 = vector.broadcast %ge3A_75 : i32 to vector<16x1x1xi32>
    %ge3A_77 = arith.cmpi sge, %broadcast_in_dim3A_74, %ge3A_76 : vector<16x1x1xi32>
    %select_n3A_78 = arith.select %ge3A_77, %or3A_68, %select_n3A_65 : vector<16x1x1xi1>, vector<16x1x1xi32>
    %or3A_79 = arith.constant 33554432 : i32
    %or3A_80 = vector.broadcast %or3A_79 : i32 to vector<16x1x1xi32>
    %or3A_81 = arith.ori %select_n3A_78, %or3A_80 : vector<16x1x1xi32>
    %ge3A_82 = vector.broadcast %or3A_81 : vector<16x1x1xi32> to vector<16x128x128xi32>
    %ge3A_83 = arith.cmpi sge, %reshape3A, %ge3A_82 : vector<16x128x128xi32>
    %convert_element_type3A_84 = arith.extui %ge3A_83 : vector<16x128x128xi1> to vector<16x128x128xi32>
    %reduce_sum3A_85 = arith.constant dense<0> : vector<16xi32>
    %reduce_sum3A_86 = vector.multi_reduction <add>, %convert_element_type3A_84, %reduce_sum3A_85 [1, 2] : vector<16x128x128xi32> to vector<16xi32>
    %broadcast_in_dim3A_87 = vector.shape_cast %reduce_sum3A_86 : vector<16xi32> to vector<16x1x1xi32>
    %ge3A_88 = arith.constant 512 : i32
    %ge3A_89 = vector.broadcast %ge3A_88 : i32 to vector<16x1x1xi32>
    %ge3A_90 = arith.cmpi sge, %broadcast_in_dim3A_87, %ge3A_89 : vector<16x1x1xi32>
    %select_n3A_91 = arith.select %ge3A_90, %or3A_81, %select_n3A_78 : vector<16x1x1xi1>, vector<16x1x1xi32>
    %or3A_92 = arith.constant 16777216 : i32
    %or3A_93 = vector.broadcast %or3A_92 : i32 to vector<16x1x1xi32>
    %or3A_94 = arith.ori %select_n3A_91, %or3A_93 : vector<16x1x1xi32>
    %ge3A_95 = vector.broadcast %or3A_94 : vector<16x1x1xi32> to vector<16x128x128xi32>
    %ge3A_96 = arith.cmpi sge, %reshape3A, %ge3A_95 : vector<16x128x128xi32>
    %convert_element_type3A_97 = arith.extui %ge3A_96 : vector<16x128x128xi1> to vector<16x128x128xi32>
    %reduce_sum3A_98 = arith.constant dense<0> : vector<16xi32>
    %reduce_sum3A_99 = vector.multi_reduction <add>, %convert_element_type3A_97, %reduce_sum3A_98 [1, 2] : vector<16x128x128xi32> to vector<16xi32>
    %broadcast_in_dim3A_100 = vector.shape_cast %reduce_sum3A_99 : vector<16xi32> to vector<16x1x1xi32>
    %ge3A_101 = arith.constant 512 : i32
    %ge3A_102 = vector.broadcast %ge3A_101 : i32 to vector<16x1x1xi32>
    %ge3A_103 = arith.cmpi sge, %broadcast_in_dim3A_100, %ge3A_102 : vector<16x1x1xi32>
    %select_n3A_104 = arith.select %ge3A_103, %or3A_94, %select_n3A_91 : vector<16x1x1xi1>, vector<16x1x1xi32>
    %or3A_105 = arith.constant 8388608 : i32
    %or3A_106 = vector.broadcast %or3A_105 : i32 to vector<16x1x1xi32>
    %or3A_107 = arith.ori %select_n3A_104, %or3A_106 : vector<16x1x1xi32>
    %ge3A_108 = vector.broadcast %or3A_107 : vector<16x1x1xi32> to vector<16x128x128xi32>
    %ge3A_109 = arith.cmpi sge, %reshape3A, %ge3A_108 : vector<16x128x128xi32>
    %convert_element_type3A_110 = arith.extui %ge3A_109 : vector<16x128x128xi1> to vector<16x128x128xi32>
    %reduce_sum3A_111 = arith.constant dense<0> : vector<16xi32>
    %reduce_sum3A_112 = vector.multi_reduction <add>, %convert_element_type3A_110, %reduce_sum3A_111 [1, 2] : vector<16x128x128xi32> to vector<16xi32>
    %broadcast_in_dim3A_113 = vector.shape_cast %reduce_sum3A_112 : vector<16xi32> to vector<16x1x1xi32>
    %ge3A_114 = arith.constant 512 : i32
    %ge3A_115 = vector.broadcast %ge3A_114 : i32 to vector<16x1x1xi32>
    %ge3A_116 = arith.cmpi sge, %broadcast_in_dim3A_113, %ge3A_115 : vector<16x1x1xi32>
    %select_n3A_117 = arith.select %ge3A_116, %or3A_107, %select_n3A_104 : vector<16x1x1xi1>, vector<16x1x1xi32>
    %or3A_118 = arith.constant 4194304 : i32
    %or3A_119 = vector.broadcast %or3A_118 : i32 to vector<16x1x1xi32>
    %or3A_120 = arith.ori %select_n3A_117, %or3A_119 : vector<16x1x1xi32>
    %ge3A_121 = vector.broadcast %or3A_120 : vector<16x1x1xi32> to vector<16x128x128xi32>
    %ge3A_122 = arith.cmpi sge, %reshape3A, %ge3A_121 : vector<16x128x128xi32>
    %convert_element_type3A_123 = arith.extui %ge3A_122 : vector<16x128x128xi1> to vector<16x128x128xi32>
    %reduce_sum3A_124 = arith.constant dense<0> : vector<16xi32>
    %reduce_sum3A_125 = vector.multi_reduction <add>, %convert_element_type3A_123, %reduce_sum3A_124 [1, 2] : vector<16x128x128xi32> to vector<16xi32>
    %broadcast_in_dim3A_126 = vector.shape_cast %reduce_sum3A_125 : vector<16xi32> to vector<16x1x1xi32>
    %ge3A_127 = arith.constant 512 : i32
    %ge3A_128 = vector.broadcast %ge3A_127 : i32 to vector<16x1x1xi32>
    %ge3A_129 = arith.cmpi sge, %broadcast_in_dim3A_126, %ge3A_128 : vector<16x1x1xi32>
    %select_n3A_130 = arith.select %ge3A_129, %or3A_120, %select_n3A_117 : vector<16x1x1xi1>, vector<16x1x1xi32>
    %or3A_131 = arith.constant 2097152 : i32
    %or3A_132 = vector.broadcast %or3A_131 : i32 to vector<16x1x1xi32>
    %or3A_133 = arith.ori %select_n3A_130, %or3A_132 : vector<16x1x1xi32>
    %ge3A_134 = vector.broadcast %or3A_133 : vector<16x1x1xi32> to vector<16x128x128xi32>
    %ge3A_135 = arith.cmpi sge, %reshape3A, %ge3A_134 : vector<16x128x128xi32>
    %convert_element_type3A_136 = arith.extui %ge3A_135 : vector<16x128x128xi1> to vector<16x128x128xi32>
    %reduce_sum3A_137 = arith.constant dense<0> : vector<16xi32>
    %reduce_sum3A_138 = vector.multi_reduction <add>, %convert_element_type3A_136, %reduce_sum3A_137 [1, 2] : vector<16x128x128xi32> to vector<16xi32>
    %broadcast_in_dim3A_139 = vector.shape_cast %reduce_sum3A_138 : vector<16xi32> to vector<16x1x1xi32>
    %ge3A_140 = arith.constant 512 : i32
    %ge3A_141 = vector.broadcast %ge3A_140 : i32 to vector<16x1x1xi32>
    %ge3A_142 = arith.cmpi sge, %broadcast_in_dim3A_139, %ge3A_141 : vector<16x1x1xi32>
    %select_n3A_143 = arith.select %ge3A_142, %or3A_133, %select_n3A_130 : vector<16x1x1xi1>, vector<16x1x1xi32>
    %or3A_144 = arith.constant 1048576 : i32
    %or3A_145 = vector.broadcast %or3A_144 : i32 to vector<16x1x1xi32>
    %or3A_146 = arith.ori %select_n3A_143, %or3A_145 : vector<16x1x1xi32>
    %ge3A_147 = vector.broadcast %or3A_146 : vector<16x1x1xi32> to vector<16x128x128xi32>
    %ge3A_148 = arith.cmpi sge, %reshape3A, %ge3A_147 : vector<16x128x128xi32>
    %convert_element_type3A_149 = arith.extui %ge3A_148 : vector<16x128x128xi1> to vector<16x128x128xi32>
    %reduce_sum3A_150 = arith.constant dense<0> : vector<16xi32>
    %reduce_sum3A_151 = vector.multi_reduction <add>, %convert_element_type3A_149, %reduce_sum3A_150 [1, 2] : vector<16x128x128xi32> to vector<16xi32>
    %broadcast_in_dim3A_152 = vector.shape_cast %reduce_sum3A_151 : vector<16xi32> to vector<16x1x1xi32>
    %ge3A_153 = arith.constant 512 : i32
    %ge3A_154 = vector.broadcast %ge3A_153 : i32 to vector<16x1x1xi32>
    %ge3A_155 = arith.cmpi sge, %broadcast_in_dim3A_152, %ge3A_154 : vector<16x1x1xi32>
    %select_n3A_156 = arith.select %ge3A_155, %or3A_146, %select_n3A_143 : vector<16x1x1xi1>, vector<16x1x1xi32>
    %or3A_157 = arith.constant 524288 : i32
    %or3A_158 = vector.broadcast %or3A_157 : i32 to vector<16x1x1xi32>
    %or3A_159 = arith.ori %select_n3A_156, %or3A_158 : vector<16x1x1xi32>
    %ge3A_160 = vector.broadcast %or3A_159 : vector<16x1x1xi32> to vector<16x128x128xi32>
    %ge3A_161 = arith.cmpi sge, %reshape3A, %ge3A_160 : vector<16x128x128xi32>
    %convert_element_type3A_162 = arith.extui %ge3A_161 : vector<16x128x128xi1> to vector<16x128x128xi32>
    %reduce_sum3A_163 = arith.constant dense<0> : vector<16xi32>
    %reduce_sum3A_164 = vector.multi_reduction <add>, %convert_element_type3A_162, %reduce_sum3A_163 [1, 2] : vector<16x128x128xi32> to vector<16xi32>
    %broadcast_in_dim3A_165 = vector.shape_cast %reduce_sum3A_164 : vector<16xi32> to vector<16x1x1xi32>
    %ge3A_166 = arith.constant 512 : i32
    %ge3A_167 = vector.broadcast %ge3A_166 : i32 to vector<16x1x1xi32>
    %ge3A_168 = arith.cmpi sge, %broadcast_in_dim3A_165, %ge3A_167 : vector<16x1x1xi32>
    %select_n3A_169 = arith.select %ge3A_168, %or3A_159, %select_n3A_156 : vector<16x1x1xi1>, vector<16x1x1xi32>
    %or3A_170 = arith.constant 262144 : i32
    %or3A_171 = vector.broadcast %or3A_170 : i32 to vector<16x1x1xi32>
    %or3A_172 = arith.ori %select_n3A_169, %or3A_171 : vector<16x1x1xi32>
    %ge3A_173 = vector.broadcast %or3A_172 : vector<16x1x1xi32> to vector<16x128x128xi32>
    %ge3A_174 = arith.cmpi sge, %reshape3A, %ge3A_173 : vector<16x128x128xi32>
    %convert_element_type3A_175 = arith.extui %ge3A_174 : vector<16x128x128xi1> to vector<16x128x128xi32>
    %reduce_sum3A_176 = arith.constant dense<0> : vector<16xi32>
    %reduce_sum3A_177 = vector.multi_reduction <add>, %convert_element_type3A_175, %reduce_sum3A_176 [1, 2] : vector<16x128x128xi32> to vector<16xi32>
    %broadcast_in_dim3A_178 = vector.shape_cast %reduce_sum3A_177 : vector<16xi32> to vector<16x1x1xi32>
    %ge3A_179 = arith.constant 512 : i32
    %ge3A_180 = vector.broadcast %ge3A_179 : i32 to vector<16x1x1xi32>
    %ge3A_181 = arith.cmpi sge, %broadcast_in_dim3A_178, %ge3A_180 : vector<16x1x1xi32>
    %select_n3A_182 = arith.select %ge3A_181, %or3A_172, %select_n3A_169 : vector<16x1x1xi1>, vector<16x1x1xi32>
    %or3A_183 = arith.constant 131072 : i32
    %or3A_184 = vector.broadcast %or3A_183 : i32 to vector<16x1x1xi32>
    %or3A_185 = arith.ori %select_n3A_182, %or3A_184 : vector<16x1x1xi32>
    %ge3A_186 = vector.broadcast %or3A_185 : vector<16x1x1xi32> to vector<16x128x128xi32>
    %ge3A_187 = arith.cmpi sge, %reshape3A, %ge3A_186 : vector<16x128x128xi32>
    %convert_element_type3A_188 = arith.extui %ge3A_187 : vector<16x128x128xi1> to vector<16x128x128xi32>
    %reduce_sum3A_189 = arith.constant dense<0> : vector<16xi32>
    %reduce_sum3A_190 = vector.multi_reduction <add>, %convert_element_type3A_188, %reduce_sum3A_189 [1, 2] : vector<16x128x128xi32> to vector<16xi32>
    %broadcast_in_dim3A_191 = vector.shape_cast %reduce_sum3A_190 : vector<16xi32> to vector<16x1x1xi32>
    %ge3A_192 = arith.constant 512 : i32
    %ge3A_193 = vector.broadcast %ge3A_192 : i32 to vector<16x1x1xi32>
    %ge3A_194 = arith.cmpi sge, %broadcast_in_dim3A_191, %ge3A_193 : vector<16x1x1xi32>
    %select_n3A_195 = arith.select %ge3A_194, %or3A_185, %select_n3A_182 : vector<16x1x1xi1>, vector<16x1x1xi32>
    %or3A_196 = arith.constant 65536 : i32
    %or3A_197 = vector.broadcast %or3A_196 : i32 to vector<16x1x1xi32>
    %or3A_198 = arith.ori %select_n3A_195, %or3A_197 : vector<16x1x1xi32>
    %ge3A_199 = vector.broadcast %or3A_198 : vector<16x1x1xi32> to vector<16x128x128xi32>
    %ge3A_200 = arith.cmpi sge, %reshape3A, %ge3A_199 : vector<16x128x128xi32>
    %convert_element_type3A_201 = arith.extui %ge3A_200 : vector<16x128x128xi1> to vector<16x128x128xi32>
    %reduce_sum3A_202 = arith.constant dense<0> : vector<16xi32>
    %reduce_sum3A_203 = vector.multi_reduction <add>, %convert_element_type3A_201, %reduce_sum3A_202 [1, 2] : vector<16x128x128xi32> to vector<16xi32>
    %broadcast_in_dim3A_204 = vector.shape_cast %reduce_sum3A_203 : vector<16xi32> to vector<16x1x1xi32>
    %ge3A_205 = arith.constant 512 : i32
    %ge3A_206 = vector.broadcast %ge3A_205 : i32 to vector<16x1x1xi32>
    %ge3A_207 = arith.cmpi sge, %broadcast_in_dim3A_204, %ge3A_206 : vector<16x1x1xi32>
    %select_n3A_208 = arith.select %ge3A_207, %or3A_198, %select_n3A_195 : vector<16x1x1xi1>, vector<16x1x1xi32>
    %or3A_209 = arith.constant 32768 : i32
    %or3A_210 = vector.broadcast %or3A_209 : i32 to vector<16x1x1xi32>
    %or3A_211 = arith.ori %select_n3A_208, %or3A_210 : vector<16x1x1xi32>
    %ge3A_212 = vector.broadcast %or3A_211 : vector<16x1x1xi32> to vector<16x128x128xi32>
    %ge3A_213 = arith.cmpi sge, %reshape3A, %ge3A_212 : vector<16x128x128xi32>
    %convert_element_type3A_214 = arith.extui %ge3A_213 : vector<16x128x128xi1> to vector<16x128x128xi32>
    %reduce_sum3A_215 = arith.constant dense<0> : vector<16xi32>
    %reduce_sum3A_216 = vector.multi_reduction <add>, %convert_element_type3A_214, %reduce_sum3A_215 [1, 2] : vector<16x128x128xi32> to vector<16xi32>
    %broadcast_in_dim3A_217 = vector.shape_cast %reduce_sum3A_216 : vector<16xi32> to vector<16x1x1xi32>
    %ge3A_218 = arith.constant 512 : i32
    %ge3A_219 = vector.broadcast %ge3A_218 : i32 to vector<16x1x1xi32>
    %ge3A_220 = arith.cmpi sge, %broadcast_in_dim3A_217, %ge3A_219 : vector<16x1x1xi32>
    %select_n3A_221 = arith.select %ge3A_220, %or3A_211, %select_n3A_208 : vector<16x1x1xi1>, vector<16x1x1xi32>
    %or3A_222 = arith.constant 16384 : i32
    %or3A_223 = vector.broadcast %or3A_222 : i32 to vector<16x1x1xi32>
    %or3A_224 = arith.ori %select_n3A_221, %or3A_223 : vector<16x1x1xi32>
    %ge3A_225 = vector.broadcast %or3A_224 : vector<16x1x1xi32> to vector<16x128x128xi32>
    %ge3A_226 = arith.cmpi sge, %reshape3A, %ge3A_225 : vector<16x128x128xi32>
    %convert_element_type3A_227 = arith.extui %ge3A_226 : vector<16x128x128xi1> to vector<16x128x128xi32>
    %reduce_sum3A_228 = arith.constant dense<0> : vector<16xi32>
    %reduce_sum3A_229 = vector.multi_reduction <add>, %convert_element_type3A_227, %reduce_sum3A_228 [1, 2] : vector<16x128x128xi32> to vector<16xi32>
    %broadcast_in_dim3A_230 = vector.shape_cast %reduce_sum3A_229 : vector<16xi32> to vector<16x1x1xi32>
    %ge3A_231 = arith.constant 512 : i32
    %ge3A_232 = vector.broadcast %ge3A_231 : i32 to vector<16x1x1xi32>
    %ge3A_233 = arith.cmpi sge, %broadcast_in_dim3A_230, %ge3A_232 : vector<16x1x1xi32>
    %select_n3A_234 = arith.select %ge3A_233, %or3A_224, %select_n3A_221 : vector<16x1x1xi1>, vector<16x1x1xi32>
    %or3A_235 = arith.constant 8192 : i32
    %or3A_236 = vector.broadcast %or3A_235 : i32 to vector<16x1x1xi32>
    %or3A_237 = arith.ori %select_n3A_234, %or3A_236 : vector<16x1x1xi32>
    %ge3A_238 = vector.broadcast %or3A_237 : vector<16x1x1xi32> to vector<16x128x128xi32>
    %ge3A_239 = arith.cmpi sge, %reshape3A, %ge3A_238 : vector<16x128x128xi32>
    %convert_element_type3A_240 = arith.extui %ge3A_239 : vector<16x128x128xi1> to vector<16x128x128xi32>
    %reduce_sum3A_241 = arith.constant dense<0> : vector<16xi32>
    %reduce_sum3A_242 = vector.multi_reduction <add>, %convert_element_type3A_240, %reduce_sum3A_241 [1, 2] : vector<16x128x128xi32> to vector<16xi32>
    %broadcast_in_dim3A_243 = vector.shape_cast %reduce_sum3A_242 : vector<16xi32> to vector<16x1x1xi32>
    %ge3A_244 = arith.constant 512 : i32
    %ge3A_245 = vector.broadcast %ge3A_244 : i32 to vector<16x1x1xi32>
    %ge3A_246 = arith.cmpi sge, %broadcast_in_dim3A_243, %ge3A_245 : vector<16x1x1xi32>
    %select_n3A_247 = arith.select %ge3A_246, %or3A_237, %select_n3A_234 : vector<16x1x1xi1>, vector<16x1x1xi32>
    %or3A_248 = arith.constant 4096 : i32
    %or3A_249 = vector.broadcast %or3A_248 : i32 to vector<16x1x1xi32>
    %or3A_250 = arith.ori %select_n3A_247, %or3A_249 : vector<16x1x1xi32>
    %ge3A_251 = vector.broadcast %or3A_250 : vector<16x1x1xi32> to vector<16x128x128xi32>
    %ge3A_252 = arith.cmpi sge, %reshape3A, %ge3A_251 : vector<16x128x128xi32>
    %convert_element_type3A_253 = arith.extui %ge3A_252 : vector<16x128x128xi1> to vector<16x128x128xi32>
    %reduce_sum3A_254 = arith.constant dense<0> : vector<16xi32>
    %reduce_sum3A_255 = vector.multi_reduction <add>, %convert_element_type3A_253, %reduce_sum3A_254 [1, 2] : vector<16x128x128xi32> to vector<16xi32>
    %broadcast_in_dim3A_256 = vector.shape_cast %reduce_sum3A_255 : vector<16xi32> to vector<16x1x1xi32>
    %ge3A_257 = arith.constant 512 : i32
    %ge3A_258 = vector.broadcast %ge3A_257 : i32 to vector<16x1x1xi32>
    %ge3A_259 = arith.cmpi sge, %broadcast_in_dim3A_256, %ge3A_258 : vector<16x1x1xi32>
    %select_n3A_260 = arith.select %ge3A_259, %or3A_250, %select_n3A_247 : vector<16x1x1xi1>, vector<16x1x1xi32>
    %or3A_261 = arith.constant 2048 : i32
    %or3A_262 = vector.broadcast %or3A_261 : i32 to vector<16x1x1xi32>
    %or3A_263 = arith.ori %select_n3A_260, %or3A_262 : vector<16x1x1xi32>
    %ge3A_264 = vector.broadcast %or3A_263 : vector<16x1x1xi32> to vector<16x128x128xi32>
    %ge3A_265 = arith.cmpi sge, %reshape3A, %ge3A_264 : vector<16x128x128xi32>
    %convert_element_type3A_266 = arith.extui %ge3A_265 : vector<16x128x128xi1> to vector<16x128x128xi32>
    %reduce_sum3A_267 = arith.constant dense<0> : vector<16xi32>
    %reduce_sum3A_268 = vector.multi_reduction <add>, %convert_element_type3A_266, %reduce_sum3A_267 [1, 2] : vector<16x128x128xi32> to vector<16xi32>
    %broadcast_in_dim3A_269 = vector.shape_cast %reduce_sum3A_268 : vector<16xi32> to vector<16x1x1xi32>
    %ge3A_270 = arith.constant 512 : i32
    %ge3A_271 = vector.broadcast %ge3A_270 : i32 to vector<16x1x1xi32>
    %ge3A_272 = arith.cmpi sge, %broadcast_in_dim3A_269, %ge3A_271 : vector<16x1x1xi32>
    %select_n3A_273 = arith.select %ge3A_272, %or3A_263, %select_n3A_260 : vector<16x1x1xi1>, vector<16x1x1xi32>
    %or3A_274 = arith.constant 1024 : i32
    %or3A_275 = vector.broadcast %or3A_274 : i32 to vector<16x1x1xi32>
    %or3A_276 = arith.ori %select_n3A_273, %or3A_275 : vector<16x1x1xi32>
    %ge3A_277 = vector.broadcast %or3A_276 : vector<16x1x1xi32> to vector<16x128x128xi32>
    %ge3A_278 = arith.cmpi sge, %reshape3A, %ge3A_277 : vector<16x128x128xi32>
    %convert_element_type3A_279 = arith.extui %ge3A_278 : vector<16x128x128xi1> to vector<16x128x128xi32>
    %reduce_sum3A_280 = arith.constant dense<0> : vector<16xi32>
    %reduce_sum3A_281 = vector.multi_reduction <add>, %convert_element_type3A_279, %reduce_sum3A_280 [1, 2] : vector<16x128x128xi32> to vector<16xi32>
    %broadcast_in_dim3A_282 = vector.shape_cast %reduce_sum3A_281 : vector<16xi32> to vector<16x1x1xi32>
    %ge3A_283 = arith.constant 512 : i32
    %ge3A_284 = vector.broadcast %ge3A_283 : i32 to vector<16x1x1xi32>
    %ge3A_285 = arith.cmpi sge, %broadcast_in_dim3A_282, %ge3A_284 : vector<16x1x1xi32>
    %select_n3A_286 = arith.select %ge3A_285, %or3A_276, %select_n3A_273 : vector<16x1x1xi1>, vector<16x1x1xi32>
    %or3A_287 = arith.constant 512 : i32
    %or3A_288 = vector.broadcast %or3A_287 : i32 to vector<16x1x1xi32>
    %or3A_289 = arith.ori %select_n3A_286, %or3A_288 : vector<16x1x1xi32>
    %ge3A_290 = vector.broadcast %or3A_289 : vector<16x1x1xi32> to vector<16x128x128xi32>
    %ge3A_291 = arith.cmpi sge, %reshape3A, %ge3A_290 : vector<16x128x128xi32>
    %convert_element_type3A_292 = arith.extui %ge3A_291 : vector<16x128x128xi1> to vector<16x128x128xi32>
    %reduce_sum3A_293 = arith.constant dense<0> : vector<16xi32>
    %reduce_sum3A_294 = vector.multi_reduction <add>, %convert_element_type3A_292, %reduce_sum3A_293 [1, 2] : vector<16x128x128xi32> to vector<16xi32>
    %broadcast_in_dim3A_295 = vector.shape_cast %reduce_sum3A_294 : vector<16xi32> to vector<16x1x1xi32>
    %ge3A_296 = arith.constant 512 : i32
    %ge3A_297 = vector.broadcast %ge3A_296 : i32 to vector<16x1x1xi32>
    %ge3A_298 = arith.cmpi sge, %broadcast_in_dim3A_295, %ge3A_297 : vector<16x1x1xi32>
    %select_n3A_299 = arith.select %ge3A_298, %or3A_289, %select_n3A_286 : vector<16x1x1xi1>, vector<16x1x1xi32>
    %or3A_300 = arith.constant 256 : i32
    %or3A_301 = vector.broadcast %or3A_300 : i32 to vector<16x1x1xi32>
    %or3A_302 = arith.ori %select_n3A_299, %or3A_301 : vector<16x1x1xi32>
    %ge3A_303 = vector.broadcast %or3A_302 : vector<16x1x1xi32> to vector<16x128x128xi32>
    %ge3A_304 = arith.cmpi sge, %reshape3A, %ge3A_303 : vector<16x128x128xi32>
    %convert_element_type3A_305 = arith.extui %ge3A_304 : vector<16x128x128xi1> to vector<16x128x128xi32>
    %reduce_sum3A_306 = arith.constant dense<0> : vector<16xi32>
    %reduce_sum3A_307 = vector.multi_reduction <add>, %convert_element_type3A_305, %reduce_sum3A_306 [1, 2] : vector<16x128x128xi32> to vector<16xi32>
    %broadcast_in_dim3A_308 = vector.shape_cast %reduce_sum3A_307 : vector<16xi32> to vector<16x1x1xi32>
    %ge3A_309 = arith.constant 512 : i32
    %ge3A_310 = vector.broadcast %ge3A_309 : i32 to vector<16x1x1xi32>
    %ge3A_311 = arith.cmpi sge, %broadcast_in_dim3A_308, %ge3A_310 : vector<16x1x1xi32>
    %select_n3A_312 = arith.select %ge3A_311, %or3A_302, %select_n3A_299 : vector<16x1x1xi1>, vector<16x1x1xi32>
    %or3A_313 = arith.constant 128 : i32
    %or3A_314 = vector.broadcast %or3A_313 : i32 to vector<16x1x1xi32>
    %or3A_315 = arith.ori %select_n3A_312, %or3A_314 : vector<16x1x1xi32>
    %ge3A_316 = vector.broadcast %or3A_315 : vector<16x1x1xi32> to vector<16x128x128xi32>
    %ge3A_317 = arith.cmpi sge, %reshape3A, %ge3A_316 : vector<16x128x128xi32>
    %convert_element_type3A_318 = arith.extui %ge3A_317 : vector<16x128x128xi1> to vector<16x128x128xi32>
    %reduce_sum3A_319 = arith.constant dense<0> : vector<16xi32>
    %reduce_sum3A_320 = vector.multi_reduction <add>, %convert_element_type3A_318, %reduce_sum3A_319 [1, 2] : vector<16x128x128xi32> to vector<16xi32>
    %broadcast_in_dim3A_321 = vector.shape_cast %reduce_sum3A_320 : vector<16xi32> to vector<16x1x1xi32>
    %ge3A_322 = arith.constant 512 : i32
    %ge3A_323 = vector.broadcast %ge3A_322 : i32 to vector<16x1x1xi32>
    %ge3A_324 = arith.cmpi sge, %broadcast_in_dim3A_321, %ge3A_323 : vector<16x1x1xi32>
    %select_n3A_325 = arith.select %ge3A_324, %or3A_315, %select_n3A_312 : vector<16x1x1xi1>, vector<16x1x1xi32>
    %or3A_326 = arith.constant 64 : i32
    %or3A_327 = vector.broadcast %or3A_326 : i32 to vector<16x1x1xi32>
    %or3A_328 = arith.ori %select_n3A_325, %or3A_327 : vector<16x1x1xi32>
    %ge3A_329 = vector.broadcast %or3A_328 : vector<16x1x1xi32> to vector<16x128x128xi32>
    %ge3A_330 = arith.cmpi sge, %reshape3A, %ge3A_329 : vector<16x128x128xi32>
    %convert_element_type3A_331 = arith.extui %ge3A_330 : vector<16x128x128xi1> to vector<16x128x128xi32>
    %reduce_sum3A_332 = arith.constant dense<0> : vector<16xi32>
    %reduce_sum3A_333 = vector.multi_reduction <add>, %convert_element_type3A_331, %reduce_sum3A_332 [1, 2] : vector<16x128x128xi32> to vector<16xi32>
    %broadcast_in_dim3A_334 = vector.shape_cast %reduce_sum3A_333 : vector<16xi32> to vector<16x1x1xi32>
    %ge3A_335 = arith.constant 512 : i32
    %ge3A_336 = vector.broadcast %ge3A_335 : i32 to vector<16x1x1xi32>
    %ge3A_337 = arith.cmpi sge, %broadcast_in_dim3A_334, %ge3A_336 : vector<16x1x1xi32>
    %select_n3A_338 = arith.select %ge3A_337, %or3A_328, %select_n3A_325 : vector<16x1x1xi1>, vector<16x1x1xi32>
    %or3A_339 = arith.constant 32 : i32
    %or3A_340 = vector.broadcast %or3A_339 : i32 to vector<16x1x1xi32>
    %or3A_341 = arith.ori %select_n3A_338, %or3A_340 : vector<16x1x1xi32>
    %ge3A_342 = vector.broadcast %or3A_341 : vector<16x1x1xi32> to vector<16x128x128xi32>
    %ge3A_343 = arith.cmpi sge, %reshape3A, %ge3A_342 : vector<16x128x128xi32>
    %convert_element_type3A_344 = arith.extui %ge3A_343 : vector<16x128x128xi1> to vector<16x128x128xi32>
    %reduce_sum3A_345 = arith.constant dense<0> : vector<16xi32>
    %reduce_sum3A_346 = vector.multi_reduction <add>, %convert_element_type3A_344, %reduce_sum3A_345 [1, 2] : vector<16x128x128xi32> to vector<16xi32>
    %broadcast_in_dim3A_347 = vector.shape_cast %reduce_sum3A_346 : vector<16xi32> to vector<16x1x1xi32>
    %ge3A_348 = arith.constant 512 : i32
    %ge3A_349 = vector.broadcast %ge3A_348 : i32 to vector<16x1x1xi32>
    %ge3A_350 = arith.cmpi sge, %broadcast_in_dim3A_347, %ge3A_349 : vector<16x1x1xi32>
    %select_n3A_351 = arith.select %ge3A_350, %or3A_341, %select_n3A_338 : vector<16x1x1xi1>, vector<16x1x1xi32>
    %or3A_352 = arith.constant 16 : i32
    %or3A_353 = vector.broadcast %or3A_352 : i32 to vector<16x1x1xi32>
    %or3A_354 = arith.ori %select_n3A_351, %or3A_353 : vector<16x1x1xi32>
    %ge3A_355 = vector.broadcast %or3A_354 : vector<16x1x1xi32> to vector<16x128x128xi32>
    %ge3A_356 = arith.cmpi sge, %reshape3A, %ge3A_355 : vector<16x128x128xi32>
    %convert_element_type3A_357 = arith.extui %ge3A_356 : vector<16x128x128xi1> to vector<16x128x128xi32>
    %reduce_sum3A_358 = arith.constant dense<0> : vector<16xi32>
    %reduce_sum3A_359 = vector.multi_reduction <add>, %convert_element_type3A_357, %reduce_sum3A_358 [1, 2] : vector<16x128x128xi32> to vector<16xi32>
    %broadcast_in_dim3A_360 = vector.shape_cast %reduce_sum3A_359 : vector<16xi32> to vector<16x1x1xi32>
    %ge3A_361 = arith.constant 512 : i32
    %ge3A_362 = vector.broadcast %ge3A_361 : i32 to vector<16x1x1xi32>
    %ge3A_363 = arith.cmpi sge, %broadcast_in_dim3A_360, %ge3A_362 : vector<16x1x1xi32>
    %select_n3A_364 = arith.select %ge3A_363, %or3A_354, %select_n3A_351 : vector<16x1x1xi1>, vector<16x1x1xi32>
    %or3A_365 = arith.constant 8 : i32
    %or3A_366 = vector.broadcast %or3A_365 : i32 to vector<16x1x1xi32>
    %or3A_367 = arith.ori %select_n3A_364, %or3A_366 : vector<16x1x1xi32>
    %ge3A_368 = vector.broadcast %or3A_367 : vector<16x1x1xi32> to vector<16x128x128xi32>
    %ge3A_369 = arith.cmpi sge, %reshape3A, %ge3A_368 : vector<16x128x128xi32>
    %convert_element_type3A_370 = arith.extui %ge3A_369 : vector<16x128x128xi1> to vector<16x128x128xi32>
    %reduce_sum3A_371 = arith.constant dense<0> : vector<16xi32>
    %reduce_sum3A_372 = vector.multi_reduction <add>, %convert_element_type3A_370, %reduce_sum3A_371 [1, 2] : vector<16x128x128xi32> to vector<16xi32>
    %broadcast_in_dim3A_373 = vector.shape_cast %reduce_sum3A_372 : vector<16xi32> to vector<16x1x1xi32>
    %ge3A_374 = arith.constant 512 : i32
    %ge3A_375 = vector.broadcast %ge3A_374 : i32 to vector<16x1x1xi32>
    %ge3A_376 = arith.cmpi sge, %broadcast_in_dim3A_373, %ge3A_375 : vector<16x1x1xi32>
    %select_n3A_377 = arith.select %ge3A_376, %or3A_367, %select_n3A_364 : vector<16x1x1xi1>, vector<16x1x1xi32>
    %or3A_378 = arith.constant 4 : i32
    %or3A_379 = vector.broadcast %or3A_378 : i32 to vector<16x1x1xi32>
    %or3A_380 = arith.ori %select_n3A_377, %or3A_379 : vector<16x1x1xi32>
    %ge3A_381 = vector.broadcast %or3A_380 : vector<16x1x1xi32> to vector<16x128x128xi32>
    %ge3A_382 = arith.cmpi sge, %reshape3A, %ge3A_381 : vector<16x128x128xi32>
    %convert_element_type3A_383 = arith.extui %ge3A_382 : vector<16x128x128xi1> to vector<16x128x128xi32>
    %reduce_sum3A_384 = arith.constant dense<0> : vector<16xi32>
    %reduce_sum3A_385 = vector.multi_reduction <add>, %convert_element_type3A_383, %reduce_sum3A_384 [1, 2] : vector<16x128x128xi32> to vector<16xi32>
    %broadcast_in_dim3A_386 = vector.shape_cast %reduce_sum3A_385 : vector<16xi32> to vector<16x1x1xi32>
    %ge3A_387 = arith.constant 512 : i32
    %ge3A_388 = vector.broadcast %ge3A_387 : i32 to vector<16x1x1xi32>
    %ge3A_389 = arith.cmpi sge, %broadcast_in_dim3A_386, %ge3A_388 : vector<16x1x1xi32>
    %select_n3A_390 = arith.select %ge3A_389, %or3A_380, %select_n3A_377 : vector<16x1x1xi1>, vector<16x1x1xi32>
    %or3A_391 = arith.constant 2 : i32
    %or3A_392 = vector.broadcast %or3A_391 : i32 to vector<16x1x1xi32>
    %or3A_393 = arith.ori %select_n3A_390, %or3A_392 : vector<16x1x1xi32>
    %ge3A_394 = vector.broadcast %or3A_393 : vector<16x1x1xi32> to vector<16x128x128xi32>
    %ge3A_395 = arith.cmpi sge, %reshape3A, %ge3A_394 : vector<16x128x128xi32>
    %convert_element_type3A_396 = arith.extui %ge3A_395 : vector<16x128x128xi1> to vector<16x128x128xi32>
    %reduce_sum3A_397 = arith.constant dense<0> : vector<16xi32>
    %reduce_sum3A_398 = vector.multi_reduction <add>, %convert_element_type3A_396, %reduce_sum3A_397 [1, 2] : vector<16x128x128xi32> to vector<16xi32>
    %broadcast_in_dim3A_399 = vector.shape_cast %reduce_sum3A_398 : vector<16xi32> to vector<16x1x1xi32>
    %ge3A_400 = arith.constant 512 : i32
    %ge3A_401 = vector.broadcast %ge3A_400 : i32 to vector<16x1x1xi32>
    %ge3A_402 = arith.cmpi sge, %broadcast_in_dim3A_399, %ge3A_401 : vector<16x1x1xi32>
    %select_n3A_403 = arith.select %ge3A_402, %or3A_393, %select_n3A_390 : vector<16x1x1xi1>, vector<16x1x1xi32>
    %or3A_404 = arith.constant 1 : i32
    %or3A_405 = vector.broadcast %or3A_404 : i32 to vector<16x1x1xi32>
    %or3A_406 = arith.ori %select_n3A_403, %or3A_405 : vector<16x1x1xi32>
    %ge3A_407 = vector.broadcast %or3A_406 : vector<16x1x1xi32> to vector<16x128x128xi32>
    %ge3A_408 = arith.cmpi sge, %reshape3A, %ge3A_407 : vector<16x128x128xi32>
    %convert_element_type3A_409 = arith.extui %ge3A_408 : vector<16x128x128xi1> to vector<16x128x128xi32>
    %reduce_sum3A_410 = arith.constant dense<0> : vector<16xi32>
    %reduce_sum3A_411 = vector.multi_reduction <add>, %convert_element_type3A_409, %reduce_sum3A_410 [1, 2] : vector<16x128x128xi32> to vector<16xi32>
    %broadcast_in_dim3A_412 = vector.shape_cast %reduce_sum3A_411 : vector<16xi32> to vector<16x1x1xi32>
    %ge3A_413 = arith.constant 512 : i32
    %ge3A_414 = vector.broadcast %ge3A_413 : i32 to vector<16x1x1xi32>
    %ge3A_415 = arith.cmpi sge, %broadcast_in_dim3A_412, %ge3A_414 : vector<16x1x1xi32>
    %select_n3A_416 = arith.select %ge3A_415, %or3A_406, %select_n3A_403 : vector<16x1x1xi1>, vector<16x1x1xi32>
    %ge3A_417 = vector.broadcast %select_n3A_416 : vector<16x1x1xi32> to vector<16x128x128xi32>
    %ge3A_418 = arith.cmpi sge, %reshape3A, %ge3A_417 : vector<16x128x128xi32>
    %reshape3A_419 = vector.shape_cast %ge3A_418 : vector<16x128x128xi1> to vector<2048x128xi1>
    %convert_element_type3A_420 = arith.extui %reshape3A_419 : vector<2048x128xi1> to vector<2048x128xi32>
    %convert_element_type3A_421 = arith.sitofp %convert_element_type3A_420 : vector<2048x128xi32> to vector<2048x128xf32>
    %iota3A = tpu.iota {dimensions = array<i32: 0>} : vector<128x128xi32>
    %iota3A_422 = tpu.iota {dimensions = array<i32: 1>} : vector<128x128xi32>
    %lt3A = arith.cmpi slt, %iota3A, %iota3A_422 : vector<128x128xi32>
    %convert_element_type3A_423 = arith.extui %lt3A : vector<128x128xi1> to vector<128x128xi32>
    %convert_element_type3A_424 = arith.sitofp %convert_element_type3A_423 : vector<128x128xi32> to vector<128x128xf32>
    %dot_general3A = arith.constant dense<0.000000e+00> : vector<2048x128xf32>
    %dot_general3A_425 = tpu.matmul %convert_element_type3A_421, %convert_element_type3A_424, %dot_general3A {dimension_numbers = #tpu.dot_dimension_numbers<[1], [0], [0], [1], [0, 0, 1, 1], [], []>, transpose_lhs_hint = false} : vector<2048x128xf32>, vector<128x128xf32>, vector<2048x128xf32> -> vector<2048x128xf32>
    %broadcast_in_dim3A_426 = arith.constant 1.000000e+00 : f32
    %broadcast_in_dim3A_427 = vector.broadcast %broadcast_in_dim3A_426 : f32 to vector<128x1xf32>
    %dot_general3A_428 = arith.constant dense<0.000000e+00> : vector<2048x1xf32>
    %dot_general3A_429 = tpu.matmul %convert_element_type3A_421, %broadcast_in_dim3A_427, %dot_general3A_428 {dimension_numbers = #tpu.dot_dimension_numbers<[1], [0], [0], [1], [0, 0, 1, 1], [], []>, transpose_lhs_hint = false} : vector<2048x128xf32>, vector<128x1xf32>, vector<2048x1xf32> -> vector<2048x1xf32>
    %iota3A_430 = tpu.iota {dimensions = array<i32: 0>} : vector<2048x2048xi32>
    %iota3A_431 = tpu.iota {dimensions = array<i32: 1>} : vector<2048x2048xi32>
    %lt3A_432 = arith.cmpi slt, %iota3A_431, %iota3A_430 : vector<2048x2048xi32>
    %jit3A = arith.constant 128 : i32
    %div3A = vector.broadcast %jit3A : i32 to vector<2048x2048xi32>
    %div3A_433 = arith.divsi %iota3A_431, %div3A : vector<2048x2048xi32>
    %sign3A = arith.constant 0 : i32
    %sign3A_434 = vector.broadcast %sign3A : i32 to vector<2048x2048xi32>
    %sign3A_435 = arith.cmpi sgt, %iota3A_431, %sign3A_434 : vector<2048x2048xi32>
    %sign3A_436 = arith.extui %sign3A_435 : vector<2048x2048xi1> to vector<2048x2048xi32>
    %sign3A_437 = arith.constant 0 : i32
    %sign3A_438 = vector.broadcast %sign3A_437 : i32 to vector<2048x2048xi32>
    %sign3A_439 = arith.cmpi slt, %iota3A_431, %sign3A_438 : vector<2048x2048xi32>
    %sign3A_440 = arith.extui %sign3A_439 : vector<2048x2048xi1> to vector<2048x2048xi32>
    %sign3A_441 = arith.subi %sign3A_436, %sign3A_440 : vector<2048x2048xi32>
    %sign3A_442 = arith.constant 0 : i32
    %sign3A_443 = arith.cmpi sgt, %jit3A, %sign3A_442 : i32
    %sign3A_444 = arith.extui %sign3A_443 : i1 to i32
    %sign3A_445 = arith.constant 0 : i32
    %sign3A_446 = arith.cmpi slt, %jit3A, %sign3A_445 : i32
    %sign3A_447 = arith.extui %sign3A_446 : i1 to i32
    %sign3A_448 = arith.subi %sign3A_444, %sign3A_447 : i32
    %ne3A = vector.broadcast %sign3A_448 : i32 to vector<2048x2048xi32>
    %ne3A_449 = arith.cmpi ne, %sign3A_441, %ne3A : vector<2048x2048xi32>
    %rem3A = vector.broadcast %jit3A : i32 to vector<2048x2048xi32>
    %rem3A_450 = arith.remsi %iota3A_431, %rem3A : vector<2048x2048xi32>
    %ne3A_451 = arith.constant 0 : i32
    %ne3A_452 = vector.broadcast %ne3A_451 : i32 to vector<2048x2048xi32>
    %ne3A_453 = arith.cmpi ne, %rem3A_450, %ne3A_452 : vector<2048x2048xi32>
    %and3A_454 = arith.andi %ne3A_449, %ne3A_453 : vector<2048x2048xi1>
    %sub3A = arith.constant 1 : i32
    %sub3A_455 = vector.broadcast %sub3A : i32 to vector<2048x2048xi32>
    %sub3A_456 = arith.subi %div3A_433, %sub3A_455 : vector<2048x2048xi32>
    %select_n3A_457 = arith.select %and3A_454, %sub3A_456, %div3A_433 : vector<2048x2048xi1>, vector<2048x2048xi32>
    %jit3A_458 = arith.constant 128 : i32
    %div3A_459 = vector.broadcast %jit3A_458 : i32 to vector<2048x2048xi32>
    %div3A_460 = arith.divsi %iota3A_430, %div3A_459 : vector<2048x2048xi32>
    %sign3A_461 = arith.constant 0 : i32
    %sign3A_462 = vector.broadcast %sign3A_461 : i32 to vector<2048x2048xi32>
    %sign3A_463 = arith.cmpi sgt, %iota3A_430, %sign3A_462 : vector<2048x2048xi32>
    %sign3A_464 = arith.extui %sign3A_463 : vector<2048x2048xi1> to vector<2048x2048xi32>
    %sign3A_465 = arith.constant 0 : i32
    %sign3A_466 = vector.broadcast %sign3A_465 : i32 to vector<2048x2048xi32>
    %sign3A_467 = arith.cmpi slt, %iota3A_430, %sign3A_466 : vector<2048x2048xi32>
    %sign3A_468 = arith.extui %sign3A_467 : vector<2048x2048xi1> to vector<2048x2048xi32>
    %sign3A_469 = arith.subi %sign3A_464, %sign3A_468 : vector<2048x2048xi32>
    %sign3A_470 = arith.constant 0 : i32
    %sign3A_471 = arith.cmpi sgt, %jit3A_458, %sign3A_470 : i32
    %sign3A_472 = arith.extui %sign3A_471 : i1 to i32
    %sign3A_473 = arith.constant 0 : i32
    %sign3A_474 = arith.cmpi slt, %jit3A_458, %sign3A_473 : i32
    %sign3A_475 = arith.extui %sign3A_474 : i1 to i32
    %sign3A_476 = arith.subi %sign3A_472, %sign3A_475 : i32
    %ne3A_477 = vector.broadcast %sign3A_476 : i32 to vector<2048x2048xi32>
    %ne3A_478 = arith.cmpi ne, %sign3A_469, %ne3A_477 : vector<2048x2048xi32>
    %rem3A_479 = vector.broadcast %jit3A_458 : i32 to vector<2048x2048xi32>
    %rem3A_480 = arith.remsi %iota3A_430, %rem3A_479 : vector<2048x2048xi32>
    %ne3A_481 = arith.constant 0 : i32
    %ne3A_482 = vector.broadcast %ne3A_481 : i32 to vector<2048x2048xi32>
    %ne3A_483 = arith.cmpi ne, %rem3A_480, %ne3A_482 : vector<2048x2048xi32>
    %and3A_484 = arith.andi %ne3A_478, %ne3A_483 : vector<2048x2048xi1>
    %sub3A_485 = arith.constant 1 : i32
    %sub3A_486 = vector.broadcast %sub3A_485 : i32 to vector<2048x2048xi32>
    %sub3A_487 = arith.subi %div3A_460, %sub3A_486 : vector<2048x2048xi32>
    %select_n3A_488 = arith.select %and3A_484, %sub3A_487, %div3A_460 : vector<2048x2048xi1>, vector<2048x2048xi32>
    %eq3A = arith.cmpi eq, %select_n3A_457, %select_n3A_488 : vector<2048x2048xi32>
    %and3A_489 = arith.andi %lt3A_432, %eq3A : vector<2048x2048xi1>
    %convert_element_type3A_490 = arith.extui %and3A_489 : vector<2048x2048xi1> to vector<2048x2048xi32>
    %convert_element_type3A_491 = arith.sitofp %convert_element_type3A_490 : vector<2048x2048xi32> to vector<2048x2048xf32>
    %dot_general3A_492 = arith.constant dense<0.000000e+00> : vector<2048x1xf32>
    %dot_general3A_493 = tpu.matmul %convert_element_type3A_491, %dot_general3A_429, %dot_general3A_492 {dimension_numbers = #tpu.dot_dimension_numbers<[1], [0], [0], [1], [0, 0, 1, 1], [], []>, transpose_lhs_hint = false} : vector<2048x2048xf32>, vector<2048x1xf32>, vector<2048x1xf32> -> vector<2048x1xf32>
    %add3A = vector.broadcast %dot_general3A_493 : vector<2048x1xf32> to vector<2048x128xf32>
    %add3A_494 = arith.addf %dot_general3A_425, %add3A : vector<2048x128xf32>
    %convert_element_type3A_495 = arith.fptosi %add3A_494 : vector<2048x128xf32> to vector<2048x128xi32>
    %jit3A_496 = arith.constant 640 : i32
    %broadcast_in_dim3A_497 = vector.broadcast %jit3A_496 : i32 to vector<2048x128xi32>
    %select_n3A_498 = arith.select %reshape3A_419, %convert_element_type3A_495, %broadcast_in_dim3A_497 : vector<2048x128xi1>, vector<2048x128xi32>
    %swap3A = arith.constant 0 : index
    %swap3A_499 = arith.constant 0 : index
    %swap3A_500 = vector.load %arg1[%swap3A, %swap3A_499] : memref<2048x128xi32, #tpu.memory_space<vmem>>, vector<2048x128xi32>
    tpu.vector_store %arg1[%swap3A, %swap3A_499], %select_n3A_498 {strides = array<i32>} : memref<2048x128xi32, #tpu.memory_space<vmem>>, vector<2048x128xi32>,
    return
  }
}

</mosaic_0001>

<sc_bundles>
// kernel: kernel.6.cloned.1.call-start
scs
__scs_entry_jumppad:
0x0: {  	(pc) =	sbr.rel $0x88, $3  }
0x1: {  	(tag) =	ssettag $0x0;
	lr =	simm.s32 $0x1  }
0x2: {  	[smem:$0x3F9D] =	sst lr;
	_ =	strace $0xD0000000  }
0x3: {  	_ = 	snop  }
0x4: {  	_ = 	snop  }
0x5: {  	_ = 	snop  }
0x6: {  	_ = 	snop  }
0x7: {  	_ = 	snop  }
__scs_overlays_trampoline_lowered:
0x8: {  	[smem:$0x3FAC] =	sst s0  }
0x9: {  	[smem:$0x3FAD] =	sst s1  }
0xa: {  	[smem:$0x3FAE] =	sst s2  }
0xb: {  	[smem:$0x3FAF] =	sst s3  }
0xc: {  	[smem:$0x3FB0] =	sst s4  }
0xd: {  	[smem:$0x3FB1] =	sst s5  }
0xe: {  	[smem:$0x3FB2] =	sst s6  }
0xf: {  	[smem:$0x3FB3] =	sst s7  }
0x10: {  	[smem:$0x3FB4] =	sst s8  }
0x11: {  	[smem:$0x3FB5] =	sst s9;
	s0 =	simm.s32 @!p0 $0x0  }
0x12: {  	s1 =	sld [smem:$0x3F9B];
	s0 =	simm.s32 @p0 $0x1  }
0x13: {  	[smem:$0x3FB6] =	sst s0;
	s0 =	simm.s32 @!p1 $0x0  }
0x14: {  	s2 =	sld [smem:$0x3F9A];
	s0 =	simm.s32 @p1 $0x1  }
0x15: {  	[smem:$0x3FB7] =	sst s0;
	s0 =	simm.s32 @!p2 $0x0  }
0x16: {  	s3 =	sld [smem:$0x3FDB];
	s0 =	simm.s32 @p2 $0x1  }
0x17: {  	s4 =	simm.s32 $0x1BF5;
	[smem:$0x3FB9] =	sst s0  }
0x18: {  	s0 =	sld [smem:$0x3F9C];
	_ =	swait.ge [sflag:s4], $0x0  }
0x19: {  	s7 =	sld [smem:$0x3F9D]  }
0x1a: {  	s8 =	sadd.s32 $0xFFFFE003, lr  }
0x1b: {  	s9 =	sadd.s32 $0xFFFFFEF7, lr;
	s5 =	simm.s32 $0xFFFFFFFF;
	p2 =	slt.u32 s8, $0xFFFFF086  }
0x1c: {  	p1 =	slt.u32 s9, $0xF7A;
	s5 =	simm.s32 @!p2 $0x0  }
0x1d: {  	s5 =	simm.s32 @p1 $0x1;
	p0 =	seq.s32 s7, s2  }
0x1e: {  	s7 =	smul.u32 @!p0 $0xF7A, s2;
	p2 =	seq.s32 @!p0 s5, $0x0  }
0x1f: {  	s9 =	smul.u32 $0xF7A, s1;
	s8 =	simm.s32 @!p0 $0x1BF5;
	p2 =	por !p2, p0  }
0x20: {  	[sflag:s8] =	ssyncset.s32 @!p0 $0xFFFFF086;
	s6 =	sadd.s32 @!p0 s3, s7;
	s7 =	simm.s32 @!p0 $0x108  }
0x21: {  	s3 =	sadd.s32 s3, s9;
	s6 =	sadd.s32 @!p0 $0x88, s6;
	s7 =	simm.s32 @p2 $0x1082  }
0x22: {  	[simem:s7], [sflag:s8] =	dma.local @!p0 [hbm:s6], $0xF7A  }
0x23: {  	s9 =	sor.u32 $0xD0000000, s2;
	s6 =	simm.s32 $0x108;
	_ =	swait.ge @!p0 [sflag:s8], $0x0  }
0x24: {  	s3 =	sadd.s32 $0x88, s3;
	s6 =	simm.s32 @!p1 $0x1082;
	[sflag:s4] =	ssyncset.s32 $0xFFFFF086  }
0x25: {  	[simem:s6], [sflag:s4] =	dma.local [hbm:s3], $0xF7A  }
0x26: {  	[smem:$0x3F9D] =	sst s1;
	(tag) =	ssettag s2;
	_ =	strace s9  }
0x27: {  	s1 =	sld [smem:$0x3FAD]  }
0x28: {  	s2 =	sld [smem:$0x3FAE]  }
0x29: {  	s4 =	sld [smem:$0x3FB0]  }
0x2a: {  	p0 =	seq.s32 s5, $0x0;
	s5 =	sld [smem:$0x3FB1]  }
0x2b: {  	s6 =	sld [smem:$0x3FB2]  }
0x2c: {  	s7 =	sld [smem:$0x3FB3]  }
0x2d: {  	s3 =	simm.s32 $0x108;
	s8 =	sld [smem:$0x3FB4]  }
0x2e: {  	s3 =	simm.s32 @!p0 $0x1082;
	s9 =	sld [smem:$0x3FB5]  }
0x2f: {  	lr =	sadd.s32 s0, s3;
	s0 =	sld [smem:$0x3FAC]  }
0x30: {  	s3 =	sld [smem:$0x3FAF]  }
0x31: {  	[smem:$0x3FB8] =	sst s10  }
0x32: {  	s10 =	sld [smem:$0x3FB6];
	_ =	sdelay $0x3  }
0x33: {  	p0 =	seq.s32 s10, $0x1;
	s10 =	sld [smem:$0x3FB8];
	_ =	sdelay $0x3  }
0x34: {  	[smem:$0x3FB8] =	sst s10  }
0x35: {  	s10 =	sld [smem:$0x3FB7];
	_ =	sdelay $0x3  }
0x36: {  	p1 =	seq.s32 s10, $0x1;
	s10 =	sld [smem:$0x3FB8];
	_ =	sdelay $0x3  }
0x37: {  	[smem:$0x3FB8] =	sst s10  }
0x38: {  	s10 =	sld [smem:$0x3FB9]  }
0x39: {  	_ = 	snop;
	(pc) =	sbr.ind lr, $3  }
0x3a: {  	_ = 	snop  }
0x3b: {  	_ = 	snop  }
0x3c: {  	p2 =	seq.s32 s10, $0x1;
	s10 =	sld [smem:$0x3FB8]  }
0x3d: {  	_ =	shalt  }
0x3e: {  	_ =	shalt  }
0x3f: {  	_ =	shalt  }
0x40: {  	_ =	shalt  }
0x41: {  	_ =	shalt  }
0x42: {  	_ =	shalt  }
0x43: {  	_ =	shalt  }
0x44: {  	_ =	shalt  }
0x45: {  	_ =	shalt  }
0x46: {  	_ =	shalt  }
0x47: {  	_ =	shalt  }
0x48: {  	_ =	shalt  }
0x49: {  	_ =	shalt  }
0x4a: {  	_ =	shalt  }
0x4b: {  	_ =	shalt  }
0x4c: {  	_ =	shalt  }
0x4d: {  	_ =	shalt  }
0x4e: {  	_ =	shalt  }
0x4f: {  	_ =	shalt  }
0x50: {  	_ =	shalt  }
0x51: {  	_ =	shalt  }
0x52: {  	_ =	shalt  }
0x53: {  	_ =	shalt  }
0x54: {  	_ =	shalt  }
0x55: {  	_ =	shalt  }
0x56: {  	_ =	shalt  }
0x57: {  	_ =	shalt  }
0x58: {  	_ =	shalt  }
0x59: {  	_ =	shalt  }
0x5a: {  	_ =	shalt  }
0x5b: {  	_ =	shalt  }
0x5c: {  	_ =	shalt  }
0x5d: {  	_ =	shalt  }
0x5e: {  	_ =	shalt  }
0x5f: {  	_ =	shalt  }
0x60: {  	_ =	shalt  }
0x61: {  	_ =	shalt  }
0x62: {  	_ =	shalt  }
0x63: {  	_ =	shalt  }
0x64: {  	_ =	shalt  }
0x65: {  	_ =	shalt  }
0x66: {  	_ =	shalt  }
0x67: {  	_ =	shalt  }
0x68: {  	_ =	shalt  }
0x69: {  	_ =	shalt  }
0x6a: {  	_ =	shalt  }
0x6b: {  	_ =	shalt  }
0x6c: {  	_ =	shalt  }
0x6d: {  	_ =	shalt  }
0x6e: {  	_ =	shalt  }
0x6f: {  	_ =	shalt  }
0x70: {  	_ =	shalt  }
0x71: {  	_ =	shalt  }
0x72: {  	_ =	shalt  }
0x73: {  	_ =	shalt  }
0x74: {  	_ =	shalt  }
0x75: {  	_ =	shalt  }
0x76: {  	_ =	shalt  }
0x77: {  	_ =	shalt  }
0x78: {  	_ =	shalt  }
0x79: {  	_ =	shalt  }
0x7a: {  	_ =	shalt  }
0x7b: {  	_ =	shalt  }
0x7c: {  	_ =	shalt  }
0x7d: {  	_ =	shalt  }
0x7e: {  	_ =	shalt  }
0x7f: {  	_ =	shalt  }
0x80: {  	_ =	shalt  }
0x81: {  	_ =	shalt  }
0x82: {  	_ =	shalt  }
0x83: {  	_ =	shalt  }
0x84: {  	_ =	shalt  }
0x85: {  	_ =	shalt  }
0x86: {  	_ =	shalt  }
0x87: {  	_ =	shalt  }
.Lfunc_end0:
.L_simem_size_0:
called_computation_lowered:
.L_overlay_start_0:
0x88: {  	s2 =	sld [smem:$0x3FD9]  }
0x89: {  	s3 =	sld [smem:$0x3FFE];
	_ =	sdelay $0x1  }
0x8a: {  	s1 =	srdreg.scid  }
0x8b: {  	s0 =	sand.u32 $0x1, s1  }
0x8c: {  	s15 =	sshll.u32 s0, $0xA;
	s2 =	sadd.s32 s3, s2  }
0x8d: {  	s2 =	sadd.s32 s2, s15  }
0x8e: {  	[smem:$0x3FC4] =	sst s2  }
0x8f: {  	_ = 	snop  }
0x90: {  	s2 =	sld [smem:$0x3FD0];
	_ =	sdelay $0x2  }
0x91: {  	s4 =	simm.s32 $0xA;
	s5 =	simm.s32 $0x10;
	s16 =	sld [smem:$0x3FC9]  }
0x92: {  	[smem:s5], [sflag:s4] =	dma.local [hbm:s2], $0x1  }
0x93: {  	_ =	swait.eq [sflag:s4], $0x1  }
0x94: {  	s17 =	sld [smem:$0x10];
	[sflag:s4] =	ssyncset.done $0x0  }
0x95: {  	s18 =	sld [smem:$0x11];
	[sflag:s4] =	ssyncadd.s32 $0xFFFFFFFF  }
0x96: {  	s19 =	sld [smem:$0x12];
	(tm) =	ssettm $0x1  }
0x97: {  	s6 =	sld [smem:$0x3FFB];
	_ =	sdelay $0x3  }
0x98: {  	_ =	strace s6  }
0x99: {  	s6 =	sld [smem:$0x3FFC];
	_ =	sdelay $0x3  }
0x9a: {  	_ =	strace s6  }
0x9b: {  	s6 =	sld [smem:$0x3FFD];
	_ =	sdelay $0x3  }
0x9c: {  	_ =	strace s6  }
0x9d: {  	_ =	strace $0x8FFFFFFF  }
0x9e: {  	s20 =	sld [smem:$0x3FDB];
	_ =	sdelay $0x1  }
0x9f: {  	s7 =	simm.s32 $_scs_section_size  }
0xa0: {  	s8 =	simm.s32 $_size__tile_overlayer_lowered;
	s9 =	simm.s32 $_tile_overlayer_lowered  }
0xa1: {  	s23 =	simm.s32 $0x1BFF;
	s22 =	sshll.u32 s9, $0x1;
	s6 =	sadd.s32 s7, s20  }
0xa2: {  	s10 =	simm.s32 $0x0;
	s21 =	sshll.u32 s8, $0x1;
	s8 =	sadd.s32 s22, s6  }
0xa3: {  	[timem:s10], [sflag:s23] =	dma.local [hbm:s8], s21  }
0xa4: {  	_ =	swait.ge [sflag:s23], s21  }
0xa5: {  	s7 =	ssub.s32 $0x0, s21;
	[sflag:s23] =	ssyncset.done $0x0  }
0xa6: {  	[sflag:s23] =	ssyncadd.s32 s7;
	_ =	sdelay $0x1  }
0xa7: {  	s24 =	simm.s32 $0x1B8B  }
0xa8: {  	_ =	swait.ge [sflag:s24], $0x1  }
0xa9: {  	[sflag:s24] =	ssyncset.done $0x0  }
0xaa: {  	s25 =	simm.s32 $0x1B8E;
	[sflag:s24] =	ssyncadd.s32 $0xFFFFFFFF  }
0xab: {  	s26 =	simm.s32 $execute0_lowered;
	[smem:$0x3FD2] =	sst s25  }
0xac: {  	s7 =	sshll.u32 s26, $0x1;
	_ =	strace $0x80000046;
	[dreg:$0x1] =	wrdreg $0xFFFFFFFF  }
0xad: {  	s28 =	simm.s32 $_size_execute0_lowered;
	s6 =	sadd.s32 s6, s7;
	[dreg:$0x0] =	wrdreg $0x0  }
0xae: {  	s7 =	sshll.u32 s28, $0x1;
	[dreg:$0x2] =	wrdreg s6  }
0xaf: {  	[dreg:$0x3] =	wrdreg s7  }
0xb0: {  	[dreg:$0x4] =	wrdreg $0xC0  }
0xb1: {  	_ =	task [dreg:s10], $0x5FFFF  }
0xb2: {  	[dreg:$0x1] =	wrdreg $0xFFFFFFFF  }
0xb3: {  	[dreg:$0x0] =	wrdreg $0x60  }
0xb4: {  	[dreg:$0x2] =	wrdreg s16  }
0xb5: {  	[dreg:$0x3] =	wrdreg s17  }
0xb6: {  	[dreg:$0x4] =	wrdreg s19  }
0xb7: {  	[dreg:$0x5] =	wrdreg s18  }
0xb8: {  	[dreg:$0x6] =	wrdreg $0x9  }
0xb9: {  	_ =	task.clear_ibuf [dreg:s10], $0x7FFFF;
	_ =	strace $0x90000046  }
0xba: {  	s29 =	simm.s32 $0x9;
	_ =	strace $0x80000048  }
0xbb: {  	_ =	swait.ge [sflag:s29], $0x1  }
0xbc: {  	[sflag:s29] =	ssyncadd.s32 $0xFFFFFFFF  }
0xbd: {  	_ =	strace $0x90000048  }
0xbe: {  	_ =	sfence  }
0xbf: {  	s30 =	sld [smem:$0x0];
	_ =	sdelay $0x2  }
0xc0: {  	s31 =	sshll.u32 s1, $0xD;
	s1 =	sshrl.u32 s1, $0x2  }
0xc1: {  	s3 =	sand.u32 $0x4000, s31;
	s1 =	sadd.s32 s1, s30  }
0xc2: {  	s0 =	sor.u32 s3, s0;
	s1 =	sshll.u32 s1, $0x11  }
0xc3: {  	s0 =	sor.u32 s1, s0  }
0xc4: {  	s0 =	sadd.s32 $0x8F2B, s0  }
0xc5: {  	[sflag:s0] =	ssyncadd.remote.s32 $0x1  }
0xc6: {  	_ =	sfence.sel $0xFFFF  }
0xc7: {  	[dreg:$0x0] =	wrdreg $0xFFFFFFFF;
	(pc) =	sbr.abs _section_cstart, $3  }
0xc8: {  	[dreg:$0x1] =	wrdreg $0xFFFFFFFF  }
0xc9: {  	_ =	task.clear_ibuf [dreg:s10], $0x2FFFF;
	_ =	strace $0x9FFFFFFF  }
0xca: {  	(tm) =	ssettm $0x7FFFFFFF  }
0xcb: {  	_ =	shalt  }
tec
execute0_lowered:
.L_overlay_start_1:
0x0: {  	(tag) =	ssettag $0x1  }
0x1: {  	s1 =	srdreg.scid  }
0x2: {  	s1 =	sand.u32 $0x1, s1  }
0x3: {  	s3 =	rddreg [dreg:$0x0];
	p0 =	seq.s32 s1, $0x1  }
.Ltmp0:
0x4: {  	s6 =	rddreg [dreg:$0x1];
	(pc) =	sbr.rel @p0 .LBB2_6-.Ltmp0, $4  }
0x5: {  	s2 =	rddreg [dreg:$0x2]  }
0x6: {  	s5 =	rddreg [dreg:$0x3];
	s4 =	simm.s32 $0x0  }
0x7: {  	[smem:$0x7FF] =	sst s4  }
0x8: {  	s0 =	rddreg [dreg:$0x4];
	_ =	strace $0x80000047;
	s1 =	stileid.u32  }
0x9: {  	s7 =	sshll.u32 s1, $0xB  }
0xa: {  	s8 =	sadd.s32 s6, s7;
	s6 =	simm.s32 $0x4000  }
0xb: {  	[tilespmem:s6], [sflag:$0x1] =	stream.linear.gather [hbm4b:s8+s4], $0x4000, $0x38;
	[tilespmem:$0x8600] =	vst v63  }
0xc: {  	s28 =	simm.s32 $0x2;
	s3 =	sadd.s32 s3, s7  }
0xd: {  	[tilespmem:s4], [sflag:$0x2] =	stream.linear.gather [hbm4b:s3+s4], $0x4000, $0x38;
	[tilespmem:$0x8600] =	vst v63  }
0xe: {  	s29 =	sshrl.u32 s1, $0x3;
	_ =	swait.ge [sflag:s28], $0x4000  }
0xf: {  	s30 =	sshll.u32 s1, $0x7;
	s7 =	smul.u32 $0x1400, s29;
	[sflag:s28] =	ssyncset.done $0x0  }
0x10: {  	s9 =	simm.s32 $0x1;
	s8 =	sand.u32 $0x380, s30;
	[sflag:s28] =	ssyncadd.s32 $0xFFFFC000  }
0x11: {  	s31 =	sor.u32 s8, s7;
	_ =	swait.ge [sflag:s9], $0x4000  }
0x12: {  	s7 =	sshrl.u32 s31, $0x3;
	[sflag:s9] =	ssyncset.done $0x0  }
0x13: {  	v0 =	vimm.f32 $-Inf;
	v1 =	vimm.s32 $0x20000000;
	s3 =	sadd.s32 s2, s7;
	s2 =	sadd.s32 s5, s7;
	[sflag:s9] =	ssyncadd.s32 $0xFFFFC000  }
.LBB2_2:
0x14: {  	p0 =	sne.s32 s4, $0xA00  }
.Ltmp1:
0x15: {  	_ = 	snop;
	(pc) =	sbr.rel @p0 .LBB2_2-.Ltmp1, $4  }
0x16: {  	_ = 	snop  }
0x17: {  	s5 =	sshra.s32 s4, $0x2  }
0x18: {  	[tilespmem:s5+$0x8000] =	vst v0  }
0x19: {  	s4 =	sadd.s32 $0x40, s4;
	[tilespmem:s5+$0x8300] =	vst v1  }
0x1a: {  	v1 =	vld [tilespmem:s6+$0x0];
	_ =	sdelay $0x4  }
0x1b: {  	s4 =	simm.s32 $0x0;
	vm0 =	vlt.s32 v1, $0x280  }
0x1c: {  	v2 =	vld [tilespmem:s4+$0x0];
	_ =	sdelay $0x3  }
0x1d: {  	s5 =	simm.s32 $0x8000;
	v0 =	vlaneseq.u32  }
0x1e: {  	s6 =	simm.s32 $0x8300;
	[tilespmem:v1+s5+$0x0] =	vst.idx.msk vm0, v2;
	v2 =	vor.u32 s4, v0  }
0x1f: {  	s8 =	simm.s32 $0x4010;
	[tilespmem:v1+s6+$0x0] =	vst.idx.msk vm0, v2  }
0x20: {  	v1 =	vld [tilespmem:s8+$0x0]  }
0x21: {  	s7 =	simm.s32 $0x10;
	s9 =	simm.s32 $0x20  }
.LBB2_4:
0x22: {  	p0 =	sne.s32 s9, $0x3FF0;
	_ =	sdelay $0x2  }
0x23: {  	s4 =	sadd.s32 $0x10, s4;
	vm0 =	vlt.s32 v1, $0x280  }
0x24: {  	v2 =	vld [tilespmem:s4+$0x0];
	_ =	sdelay $0x3  }
.Ltmp2:
0x25: {  	(pc) =	sbr.rel @p0 .LBB2_4-.Ltmp2, $4  }
0x26: {  	[tilespmem:v1+s5+$0x0] =	vst.idx.msk vm0, v2;
	v2 =	vor.u32 s7, v0;
	s7 =	smov.u32 s9  }
0x27: {  	s8 =	sadd.s32 $0x10, s8;
	[tilespmem:v1+s6+$0x0] =	vst.idx.msk vm0, v2  }
0x28: {  	v1 =	vld [tilespmem:s8+$0x0]  }
0x29: {  	s9 =	sadd.s32 $0x10, s9  }
0x2a: {  	_ =	sdelay $0x2  }
0x2b: {  	s4 =	sadd.s32 $0x10, s4;
	vm0 =	vlt.s32 v1, $0x280  }
0x2c: {  	v2 =	vld [tilespmem:s4+$0x0];
	_ =	sdelay $0x4  }
0x2d: {  	v0 =	vor.u32 s7, v0;
	s26 =	simm.s32 $0x80;
	[tilespmem:v1+s5+$0x0] =	vst.idx.msk vm0, v2  }
0x2e: {  	s28 =	simm.s32 $0x400;
	s29 =	simm.s32 $0x8000;
	s30 =	simm.s32 $0x2;
	[tilespmem:v1+s6+$0x0] =	vst.idx.msk vm0, v0  }
0x2f: {  	[hbm4b:s3+s26] =	stream.strided.scatter [tilespmem:s29], [sflag:$0x2], $0x280, s28, s26, $0x38;
	[tilespmem:$0x8600] =	vst v63  }
0x30: {  	_ =	swait.ge [sflag:s30], $0x280  }
0x31: {  	[sflag:s30] =	ssyncset.done $0x0  }
0x32: {  	s31 =	simm.s32 $0x8300;
	[sflag:s30] =	ssyncadd.s32 $0xFFFFFD80  }
0x33: {  	[hbm4b:s2+s26] =	stream.strided.scatter [tilespmem:s31], [sflag:$0x2], $0x280, s28, s26, $0x38;
	[tilespmem:$0x8600] =	vst v63  }
0x34: {  	_ =	swait.ge [sflag:s30], $0x280  }
0x35: {  	[sflag:s30] =	ssyncset.done $0x0  }
0x36: {  	[sflag:s30] =	ssyncadd.s32 $0xFFFFFD80  }
.LBB2_6:
0x37: {  	_ =	sfence.sel $0x180000  }
0x38: {  	[bflag:$0x0] =	sbarrier.arrive $0xFFFF  }
0x39: {  	p0 =	sne.s32 s1, $0x0;
	_ =	strace $0x90000047  }
0x3a: {  	s0 =	sadd.s32 @!p0 $0x100000, s0;
	[bflag:$0x2] =	sbarrier.arrive $0xFFFF  }
0x3b: {  	[sflag:s0] =	ssyncadd.tile.s32 @!p0 $0x1;
	_ =	shalt  }
.Lfunc_end2:
_tile_overlayer_lowered:
.L_overlay_start_2:
0x3c: {  	(tag) =	ssettag $0x2  }
0x3d: {  	s0 =	rddreg [dreg:$0x0];
	s2 =	stileid.u32  }
0x3e: {  	s1 =	rddreg [dreg:$0x1];
	p0 =	sne.s32 s2, $0x0  }
0x3f: {  	s3 =	rddreg [dreg:$0x2];
	[bflag:$0x3] =	sbarrier.arrive $0xFFFF;
	s2 =	simm.s32 @!p0 $0x1C02  }
0x40: {  	[timem:s3], [sflag:s2] =	dma.local @!p0 [hbm:s0], s1  }
0x41: {  	s0 =	simm.s32 @!p0 $0x2  }
0x42: {  	_ =	swait.ge @!p0 [sflag:s0], s1  }
0x43: {  	s1 =	ssub.s32 @!p0 $0x0, s1;
	[sflag:s0] =	ssyncset.done @!p0 $0x0  }
0x44: {  	[sflag:s0] =	ssyncadd.s32 @!p0 s1  }
0x45: {  	[bflag:$0x3] =	sbarrier.arrive $0xFFFF  }
0x46: {  	_ =	shalt  }

// kernel: kernel.9.cloned.1.call-start
scs
__scs_entry_jumppad:
0x0: {  	(pc) =	sbr.rel $0x88, $3  }
0x1: {  	(tag) =	ssettag $0x0;
	lr =	simm.s32 $0x1  }
0x2: {  	[smem:$0x3F9D] =	sst lr;
	_ =	strace $0xD0000000  }
0x3: {  	_ = 	snop  }
0x4: {  	_ = 	snop  }
0x5: {  	_ = 	snop  }
0x6: {  	_ = 	snop  }
0x7: {  	_ = 	snop  }
__scs_overlays_trampoline_lowered:
0x8: {  	[smem:$0x3FAC] =	sst s0  }
0x9: {  	[smem:$0x3FAD] =	sst s1  }
0xa: {  	[smem:$0x3FAE] =	sst s2  }
0xb: {  	[smem:$0x3FAF] =	sst s3  }
0xc: {  	[smem:$0x3FB0] =	sst s4  }
0xd: {  	[smem:$0x3FB1] =	sst s5  }
0xe: {  	[smem:$0x3FB2] =	sst s6  }
0xf: {  	[smem:$0x3FB3] =	sst s7  }
0x10: {  	[smem:$0x3FB4] =	sst s8  }
0x11: {  	[smem:$0x3FB5] =	sst s9;
	s0 =	simm.s32 @!p0 $0x0  }
0x12: {  	s1 =	sld [smem:$0x3F9B];
	s0 =	simm.s32 @p0 $0x1  }
0x13: {  	[smem:$0x3FB6] =	sst s0;
	s0 =	simm.s32 @!p1 $0x0  }
0x14: {  	s2 =	sld [smem:$0x3F9A];
	s0 =	simm.s32 @p1 $0x1  }
0x15: {  	[smem:$0x3FB7] =	sst s0;
	s0 =	simm.s32 @!p2 $0x0  }
0x16: {  	s3 =	sld [smem:$0x3FDB];
	s0 =	simm.s32 @p2 $0x1  }
0x17: {  	s4 =	simm.s32 $0x1BF5;
	[smem:$0x3FB9] =	sst s0  }
0x18: {  	s0 =	sld [smem:$0x3F9C];
	_ =	swait.ge [sflag:s4], $0x0  }
0x19: {  	s7 =	sld [smem:$0x3F9D]  }
0x1a: {  	s8 =	sadd.s32 $0xFFFFE003, lr  }
0x1b: {  	s9 =	sadd.s32 $0xFFFFFEF7, lr;
	s5 =	simm.s32 $0xFFFFFFFF;
	p2 =	slt.u32 s8, $0xFFFFF086  }
0x1c: {  	p1 =	slt.u32 s9, $0xF7A;
	s5 =	simm.s32 @!p2 $0x0  }
0x1d: {  	s5 =	simm.s32 @p1 $0x1;
	p0 =	seq.s32 s7, s2  }
0x1e: {  	s7 =	smul.u32 @!p0 $0xF7A, s2;
	p2 =	seq.s32 @!p0 s5, $0x0  }
0x1f: {  	s9 =	smul.u32 $0xF7A, s1;
	s8 =	simm.s32 @!p0 $0x1BF5;
	p2 =	por !p2, p0  }
0x20: {  	[sflag:s8] =	ssyncset.s32 @!p0 $0xFFFFF086;
	s6 =	sadd.s32 @!p0 s3, s7;
	s7 =	simm.s32 @!p0 $0x108  }
0x21: {  	s3 =	sadd.s32 s3, s9;
	s6 =	sadd.s32 @!p0 $0x88, s6;
	s7 =	simm.s32 @p2 $0x1082  }
0x22: {  	[simem:s7], [sflag:s8] =	dma.local @!p0 [hbm:s6], $0xF7A  }
0x23: {  	s9 =	sor.u32 $0xD0000000, s2;
	s6 =	simm.s32 $0x108;
	_ =	swait.ge @!p0 [sflag:s8], $0x0  }
0x24: {  	s3 =	sadd.s32 $0x88, s3;
	s6 =	simm.s32 @!p1 $0x1082;
	[sflag:s4] =	ssyncset.s32 $0xFFFFF086  }
0x25: {  	[simem:s6], [sflag:s4] =	dma.local [hbm:s3], $0xF7A  }
0x26: {  	[smem:$0x3F9D] =	sst s1;
	(tag) =	ssettag s2;
	_ =	strace s9  }
0x27: {  	s1 =	sld [smem:$0x3FAD]  }
0x28: {  	s2 =	sld [smem:$0x3FAE]  }
0x29: {  	s4 =	sld [smem:$0x3FB0]  }
0x2a: {  	p0 =	seq.s32 s5, $0x0;
	s5 =	sld [smem:$0x3FB1]  }
0x2b: {  	s6 =	sld [smem:$0x3FB2]  }
0x2c: {  	s7 =	sld [smem:$0x3FB3]  }
0x2d: {  	s3 =	simm.s32 $0x108;
	s8 =	sld [smem:$0x3FB4]  }
0x2e: {  	s3 =	simm.s32 @!p0 $0x1082;
	s9 =	sld [smem:$0x3FB5]  }
0x2f: {  	lr =	sadd.s32 s0, s3;
	s0 =	sld [smem:$0x3FAC]  }
0x30: {  	s3 =	sld [smem:$0x3FAF]  }
0x31: {  	[smem:$0x3FB8] =	sst s10  }
0x32: {  	s10 =	sld [smem:$0x3FB6];
	_ =	sdelay $0x3  }
0x33: {  	p0 =	seq.s32 s10, $0x1;
	s10 =	sld [smem:$0x3FB8];
	_ =	sdelay $0x3  }
0x34: {  	[smem:$0x3FB8] =	sst s10  }
0x35: {  	s10 =	sld [smem:$0x3FB7];
	_ =	sdelay $0x3  }
0x36: {  	p1 =	seq.s32 s10, $0x1;
	s10 =	sld [smem:$0x3FB8];
	_ =	sdelay $0x3  }
0x37: {  	[smem:$0x3FB8] =	sst s10  }
0x38: {  	s10 =	sld [smem:$0x3FB9]  }
0x39: {  	_ = 	snop;
	(pc) =	sbr.ind lr, $3  }
0x3a: {  	_ = 	snop  }
0x3b: {  	_ = 	snop  }
0x3c: {  	p2 =	seq.s32 s10, $0x1;
	s10 =	sld [smem:$0x3FB8]  }
0x3d: {  	_ =	shalt  }
0x3e: {  	_ =	shalt  }
0x3f: {  	_ =	shalt  }
0x40: {  	_ =	shalt  }
0x41: {  	_ =	shalt  }
0x42: {  	_ =	shalt  }
0x43: {  	_ =	shalt  }
0x44: {  	_ =	shalt  }
0x45: {  	_ =	shalt  }
0x46: {  	_ =	shalt  }
0x47: {  	_ =	shalt  }
0x48: {  	_ =	shalt  }
0x49: {  	_ =	shalt  }
0x4a: {  	_ =	shalt  }
0x4b: {  	_ =	shalt  }
0x4c: {  	_ =	shalt  }
0x4d: {  	_ =	shalt  }
0x4e: {  	_ =	shalt  }
0x4f: {  	_ =	shalt  }
0x50: {  	_ =	shalt  }
0x51: {  	_ =	shalt  }
0x52: {  	_ =	shalt  }
0x53: {  	_ =	shalt  }
0x54: {  	_ =	shalt  }
0x55: {  	_ =	shalt  }
0x56: {  	_ =	shalt  }
0x57: {  	_ =	shalt  }
0x58: {  	_ =	shalt  }
0x59: {  	_ =	shalt  }
0x5a: {  	_ =	shalt  }
0x5b: {  	_ =	shalt  }
0x5c: {  	_ =	shalt  }
0x5d: {  	_ =	shalt  }
0x5e: {  	_ =	shalt  }
0x5f: {  	_ =	shalt  }
0x60: {  	_ =	shalt  }
0x61: {  	_ =	shalt  }
0x62: {  	_ =	shalt  }
0x63: {  	_ =	shalt  }
0x64: {  	_ =	shalt  }
0x65: {  	_ =	shalt  }
0x66: {  	_ =	shalt  }
0x67: {  	_ =	shalt  }
0x68: {  	_ =	shalt  }
0x69: {  	_ =	shalt  }
0x6a: {  	_ =	shalt  }
0x6b: {  	_ =	shalt  }
0x6c: {  	_ =	shalt  }
0x6d: {  	_ =	shalt  }
0x6e: {  	_ =	shalt  }
0x6f: {  	_ =	shalt  }
0x70: {  	_ =	shalt  }
0x71: {  	_ =	shalt  }
0x72: {  	_ =	shalt  }
0x73: {  	_ =	shalt  }
0x74: {  	_ =	shalt  }
0x75: {  	_ =	shalt  }
0x76: {  	_ =	shalt  }
0x77: {  	_ =	shalt  }
0x78: {  	_ =	shalt  }
0x79: {  	_ =	shalt  }
0x7a: {  	_ =	shalt  }
0x7b: {  	_ =	shalt  }
0x7c: {  	_ =	shalt  }
0x7d: {  	_ =	shalt  }
0x7e: {  	_ =	shalt  }
0x7f: {  	_ =	shalt  }
0x80: {  	_ =	shalt  }
0x81: {  	_ =	shalt  }
0x82: {  	_ =	shalt  }
0x83: {  	_ =	shalt  }
0x84: {  	_ =	shalt  }
0x85: {  	_ =	shalt  }
0x86: {  	_ =	shalt  }
0x87: {  	_ =	shalt  }
.Lfunc_end0:
.L_simem_size_0:
called_computation.1_lowered:
.L_overlay_start_0:
0x88: {  	s2 =	sld [smem:$0x3FD9]  }
0x89: {  	s3 =	sld [smem:$0x3FFE];
	_ =	sdelay $0x1  }
0x8a: {  	s1 =	srdreg.scid  }
0x8b: {  	s0 =	sand.u32 $0x1, s1  }
0x8c: {  	s14 =	sshll.u32 s0, $0xA;
	s2 =	sadd.s32 s3, s2  }
0x8d: {  	s2 =	sadd.s32 s2, s14  }
0x8e: {  	[smem:$0x3FC4] =	sst s2  }
0x8f: {  	_ = 	snop  }
0x90: {  	s2 =	sld [smem:$0x3FD0]  }
0x91: {  	s15 =	sld [smem:$0x3FC8]  }
0x92: {  	s4 =	sld [smem:$0x3FC7]  }
0x93: {  	s6 =	simm.s32 $0xA;
	s7 =	simm.s32 $0x10;
	s5 =	sld [smem:$0x3FC6]  }
0x94: {  	[smem:s7], [sflag:s6] =	dma.local [hbm:s2], $0x1  }
0x95: {  	_ =	swait.eq [sflag:s6], $0x1  }
0x96: {  	s16 =	sld [smem:$0x10]  }
0x97: {  	s17 =	sld [smem:$0x11];
	[sflag:s6] =	ssyncset.done $0x0  }
0x98: {  	s8 =	sld [smem:$0x12];
	[sflag:s6] =	ssyncadd.s32 $0xFFFFFFFF  }
0x99: {  	s18 =	sld [smem:$0x13];
	(tm) =	ssettm $0x1  }
0x9a: {  	s9 =	sld [smem:$0x3FFB];
	_ =	sdelay $0x3  }
0x9b: {  	_ =	strace s9  }
0x9c: {  	s9 =	sld [smem:$0x3FFC];
	_ =	sdelay $0x3  }
0x9d: {  	_ =	strace s9  }
0x9e: {  	s9 =	sld [smem:$0x3FFD];
	_ =	sdelay $0x3  }
0x9f: {  	_ =	strace s9  }
0xa0: {  	_ =	strace $0x8FFFFFFF  }
0xa1: {  	s19 =	sld [smem:$0x3FDB];
	_ =	sdelay $0x1  }
0xa2: {  	s10 =	simm.s32 $_scs_section_size  }
0xa3: {  	s11 =	simm.s32 $_size__tile_overlayer_lowered;
	s12 =	simm.s32 $_tile_overlayer_lowered  }
0xa4: {  	s22 =	simm.s32 $0x1BFF;
	s21 =	sshll.u32 s12, $0x1;
	s9 =	sadd.s32 s10, s19  }
0xa5: {  	s13 =	simm.s32 $0x0;
	s20 =	sshll.u32 s11, $0x1;
	s11 =	sadd.s32 s21, s9  }
0xa6: {  	[timem:s13], [sflag:s22] =	dma.local [hbm:s11], s20  }
0xa7: {  	_ =	swait.ge [sflag:s22], s20  }
0xa8: {  	s10 =	ssub.s32 $0x0, s20;
	[sflag:s22] =	ssyncset.done $0x0  }
0xa9: {  	[sflag:s22] =	ssyncadd.s32 s10;
	_ =	sdelay $0x1  }
0xaa: {  	s23 =	simm.s32 $0x1B8B  }
0xab: {  	_ =	swait.ge [sflag:s23], $0x1  }
0xac: {  	[sflag:s23] =	ssyncset.done $0x0  }
0xad: {  	s25 =	simm.s32 $0x1B8E;
	s24 =	sld [smem:$0x3FFE];
	[sflag:s23] =	ssyncadd.s32 $0xFFFFFFFF  }
0xae: {  	s26 =	simm.s32 $execute0_lowered;
	[smem:$0x3FD2] =	sst s25  }
0xaf: {  	s11 =	sshll.u32 s26, $0x1;
	_ =	strace $0x80000049;
	[dreg:$0x1] =	wrdreg $0xFFFFFFFF  }
0xb0: {  	s28 =	simm.s32 $_size_execute0_lowered;
	s9 =	sadd.s32 s9, s11;
	[dreg:$0x0] =	wrdreg $0x0  }
0xb1: {  	s11 =	sshll.u32 s28, $0x1;
	[dreg:$0x2] =	wrdreg s9  }
0xb2: {  	[dreg:$0x3] =	wrdreg s11  }
0xb3: {  	[dreg:$0x4] =	wrdreg $0xC0  }
0xb4: {  	_ =	task [dreg:s13], $0x5FFFF  }
0xb5: {  	[dreg:$0x1] =	wrdreg $0xFFFFFFFF  }
0xb6: {  	[dreg:$0x0] =	wrdreg $0x60  }
0xb7: {  	[dreg:$0x2] =	wrdreg s17  }
0xb8: {  	[dreg:$0x3] =	wrdreg s8  }
0xb9: {  	[dreg:$0x4] =	wrdreg s15  }
0xba: {  	[dreg:$0x5] =	wrdreg s4  }
0xbb: {  	[dreg:$0x6] =	wrdreg s5  }
0xbc: {  	[dreg:$0x7] =	wrdreg s16  }
0xbd: {  	[dreg:$0x8] =	wrdreg s24  }
0xbe: {  	[dreg:$0x9] =	wrdreg s18  }
0xbf: {  	[dreg:$0xa] =	wrdreg $0x9  }
0xc0: {  	_ =	task.clear_ibuf [dreg:s13], $0xBFFFF;
	_ =	strace $0x90000049  }
0xc1: {  	s29 =	simm.s32 $0x9;
	_ =	strace $0x8000004B  }
0xc2: {  	_ =	swait.ge [sflag:s29], $0x1  }
0xc3: {  	[sflag:s29] =	ssyncadd.s32 $0xFFFFFFFF  }
0xc4: {  	_ =	strace $0x9000004B  }
0xc5: {  	_ =	sfence  }
0xc6: {  	s30 =	sld [smem:$0x0];
	_ =	sdelay $0x2  }
0xc7: {  	s31 =	sshll.u32 s1, $0xD;
	s1 =	sshrl.u32 s1, $0x2  }
0xc8: {  	s3 =	sand.u32 $0x4000, s31;
	s1 =	sadd.s32 s1, s30  }
0xc9: {  	s0 =	sor.u32 s3, s0;
	s1 =	sshll.u32 s1, $0x11  }
0xca: {  	s0 =	sor.u32 s1, s0  }
0xcb: {  	s0 =	sadd.s32 $0x8F2B, s0  }
0xcc: {  	[sflag:s0] =	ssyncadd.remote.s32 $0x1  }
0xcd: {  	_ =	sfence.sel $0xFFFF  }
0xce: {  	[dreg:$0x0] =	wrdreg $0xFFFFFFFF;
	(pc) =	sbr.abs _section_cstart, $3  }
0xcf: {  	[dreg:$0x1] =	wrdreg $0xFFFFFFFF  }
0xd0: {  	_ =	task.clear_ibuf [dreg:s13], $0x2FFFF;
	_ =	strace $0x9FFFFFFF  }
0xd1: {  	(tm) =	ssettm $0x7FFFFFFF  }
tec
execute0_lowered:
.L_overlay_start_1:
0x0: {  	(tag) =	ssettag $0x1  }
0x1: {  	s0 =	rddreg [dreg:$0x0]  }
0x2: {  	s3 =	rddreg [dreg:$0x1]  }
0x3: {  	s1 =	rddreg [dreg:$0x2]  }
0x4: {  	s4 =	rddreg [dreg:$0x5]  }
0x5: {  	s6 =	rddreg [dreg:$0x6]  }
0x6: {  	s7 =	rddreg [dreg:$0x7];
	s5 =	simm.s32 $0x0;
	s8 =	srdreg.scid  }
0x7: {  	s14 =	stileid.u32;
	s16 =	simm.s32 $0x80;
	s28 =	simm.s32 $0x0  }
0x8: {  	[smem:$0x7FF] =	sst s5;
	s8 =	sand.u32 $0x1, s8;
	s9 =	sshll.u32 s14, $0xD  }
0x9: {  	s10 =	sshrl.u32 s14, $0x3;
	s12 =	sshll.u32 s14, $0x7;
	s21 =	sshll.u32 s14, $0xE  }
0xa: {  	_ =	strace $0x8000004A;
	s11 =	sshll.u32 s8, $0xC;
	s13 =	smul.u32 $0x1400, s10  }
0xb: {  	s18 =	ssub.s32 $0x2, s8;
	s12 =	sand.u32 $0x380, s12;
	s20 =	sshll.u32 s8, $0x8  }
0xc: {  	s22 =	sshll.u32 s8, $0xD;
	s10 =	sshll.u32 s10, $0xC;
	s15 =	sshll.u32 s8, $0xB  }
0xd: {  	s8 =	simm.s32 $0x7300;
	s9 =	sor.u32 s11, s9;
	s19 =	sshrl.u32 s18, $0x1  }
0xe: {  	v6 =	vlaneseq.u32;
	vm0 =	vmmov $0xffff;
	s14 =	sor.u32 s22, s21;
	v0 =	vmov s20;
	s23 =	sor.u32 s15, s10;
	s20 =	simm.s32 $0x500  }
0xf: {  	v2 =	vmul.u32 $0x100, v6;
	v3 =	vmul.u32 $0x80, v6;
	v1 =	vmov s21;
	s21 =	simm.s32 $0x700;
	s22 =	simm.s32 $0x800;
	s15 =	simm.s32 $0x3  }
0x10: {  	v5 =	vshrl.u32 v6, $0x3;
	v4 =	vand.u32 $0x7, v6;
	v6 =	vor.u32 $0x8, v6;
	s10 =	simm.s32 $0x6300;
	s11 =	simm.s32 $0x6B00;
	s6 =	sadd.s32 s9, s6  }
0x11: {  	v5 =	vmul.u32 $0x8, v5;
	v7 =	vor.u32 $0x80, v2;
	v8 =	vor.u32 $0x1, v3;
	s13 =	sor.u32 s12, s13;
	s9 =	ssub.s32 s18, s19;
	s4 =	sadd.s32 s4, s14  }
0x12: {  	v9 =	vor.u32 $0x1000, v2;
	v10 =	vor.u32 $0x1080, v2;
	v11 =	vor.u32 $0x800, v3;
	s18 =	simm.s32 $0x4;
	s19 =	simm.s32 $0x3300;
	s14 =	simm.s32 $0x8300  }
0x13: {  	v12 =	vor.u32 $0x801, v3;
	v13 =	vor.u32 $0x2000, v2;
	v14 =	vor.u32 $0x2080, v2;
	s13 =	sshrl.u32 s13, $0x3;
	s24 =	sadd.s32 $0x800, s4;
	[dreg:$0x12] =	wrdreg s4  }
0x14: {  	v15 =	vor.u32 $0x1000, v3;
	v16 =	vor.u32 $0x1001, v3;
	v17 =	vor.u32 $0x3000, v2;
	s25 =	sadd.s32 $0x1000, s4;
	s26 =	sadd.s32 $0x1800, s4;
	[dreg:$0xb] =	wrdreg s24  }
0x15: {  	v18 =	vor.u32 $0x3080, v2;
	v19 =	vor.u32 $0x1800, v3;
	v20 =	vor.u32 $0x1801, v3;
	s29 =	sadd.s32 $0x1C00, s6;
	s30 =	sadd.s32 $0x21C00, s6;
	[dreg:$0xc] =	wrdreg s25  }
0x16: {  	v21 =	vor.u32 $0x2000, v3;
	v22 =	vor.u32 $0x2001, v3;
	v23 =	vor.u32 $0x2800, v3;
	s31 =	smax.u32 s9, $0x1;
	s4 =	simm.s32 $0xB00;
	[dreg:$0xd] =	wrdreg s26  }
0x17: {  	v24 =	vor.u32 $0x2801, v3;
	v25 =	vor.u32 $0x3000, v3;
	v26 =	vor.u32 $0x3001, v3;
	s6 =	simm.s32 $0x4300;
	s9 =	simm.s32 $0x5B00;
	[dreg:$0xe] =	wrdreg s29  }
0x18: {  	v27 =	vor.u32 $0x3800, v3;
	v28 =	vor.u32 $0x3801, v3;
	v29 =	vor.u32 $0x4000, v3;
	s0 =	sadd.s32 s0, s13;
	s3 =	sadd.s32 s3, s13;
	[dreg:$0xf] =	wrdreg s30  }
0x19: {  	v30 =	vor.u32 $0x4001, v3;
	v31 =	vor.u32 $0x4800, v3;
	v32 =	vor.u32 $0x4801, v3;
	[dreg:$0x11] =	wrdreg s31;
	s25 =	simm.s32 $0xCB00;
	s26 =	simm.s32 $0x14C00  }
0x1a: {  	v33 =	vor.u32 $0x5000, v3;
	v34 =	vor.u32 $0x5001, v3;
	v35 =	vor.u32 $0x5800, v3;
	s13 =	simm.s32 $0x4B00;
	[dreg:$0x9] =	wrdreg s0;
	s0 =	sor.u32 s12, s23  }
0x1b: {  	v36 =	vor.u32 $0x5801, v3;
	v37 =	vor.u32 $0x6000, v3;
	v38 =	vor.u32 $0x6001, v3;
	[dreg:$0xa] =	wrdreg s3;
	s23 =	simm.s32 $0xA00;
	s0 =	sshrl.u32 s0, $0x3  }
0x1c: {  	v39 =	vor.u32 $0x6800, v3;
	v40 =	vor.u32 $0x6801, v3;
	v41 =	vor.u32 $0x7000, v3;
	s12 =	simm.s32 $0x8B00;
	s3 =	simm.s32 $0x3B00;
	s0 =	sadd.s32 s7, s0  }
0x1d: {  	v42 =	vor.u32 $0x7001, v3;
	v43 =	vor.u32 $0x7800, v3;
	v44 =	vor.u32 $0x7801, v3;
	s7 =	simm.s32 $0x5300;
	[dreg:$0x10] =	wrdreg s0;
	s0 =	simm.s32 $0x400  }
.LBB2_1:
0x1e: {  	s29 =	rddreg [dreg:$0x9]  }
0x1f: {  	[tilespmem:s5], [sflag:$0x4] =	stream.strided.gather [hbm4b:s29+s16], $0x280, s0, s16, $0x38;
	[tilespmem:$0x1CC00] =	vst v63  }
0x20: {  	_ =	swait.ge [sflag:s18], $0x280  }
0x21: {  	[sflag:s18] =	ssyncset.done $0x0  }
0x22: {  	s30 =	simm.s32 $0x280;
	s29 =	rddreg [dreg:$0xa];
	[sflag:s18] =	ssyncadd.s32 $0xFFFFFD80  }
0x23: {  	[tilespmem:s30], [sflag:$0x4] =	stream.strided.gather [hbm4b:s29+s16], $0x280, s0, s16, $0x38;
	[tilespmem:$0x1CC00] =	vst v63  }
0x24: {  	_ =	swait.ge [sflag:s18], $0x280  }
0x25: {  	[sflag:s18] =	ssyncset.done $0x0  }
0x26: {  	s29 =	simm.s32 $0x0;
	[sflag:s18] =	ssyncadd.s32 $0xFFFFFD80  }
0x27: {  	v45 =	vld [tilespmem:s29+$0x280];
	_ =	sdelay $0x4  }
0x28: {  	v46 =	vld [tilespmem:s29+$0x0];
	v47 =	vsub.s32 v45, v0;
	v48 =	vshll.u32 v45, $0x1  }
0x29: {  	v61 =	vand.u32 $0x3F, v45;
	vm1 =	vlt.u32 v47, $0x100;
	v48 =	vand.u32 $0x180, v48  }
0x2a: {  	v49 =	vor.u32 v61, v48  }
0x2b: {  	v45 =	vand.u32 $0xFF, v45;
	v47 =	vshll.u32 v61, $0x1  }
0x2c: {  	v47 =	vor.u32 v47, v48  }
0x2d: {  	v46 =	vadd.s32 v1, v46;
	v48 =	vor.u32 $0x1, v47  }
0x2e: {  	v50 =	vand.u32 $0x3FFFF, v46  }
0x2f: {  	v46 =	vshrl.u32 v50, $0x7;
	[tilespmem:v49+s20+$0x0] =	vst.idx.msk vm1, v50  }
0x30: {  	v62 =	vshll.u32 v46, $0x1;
	[tilespmem:v45+s21+$0x0] =	vst.idx.msk vm1, v50  }
0x31: {  	v63 =	vor.u32 $0x1, v62;
	[tilespmem:v47+s22+$0x0] =	vst.idx.msk vm1, v62  }
0x32: {  	s30 =	simm.s32 $0x80;
	s29 =	simm.s32 $0x40;
	[tilespmem:v48+s22+$0x0] =	vst.idx.msk vm1, v63  }
.LBB2_2:
0x33: {  	p0 =	sne.s32 s30, $0x9C0  }
0x34: {  	s31 =	sshra.s32 s29, $0x2;
	[tilespmem:v45+s23+$0x0] =	vst.idx.msk vm1, v46;
	s29 =	smov.u32 s30;
	s30 =	sadd.s32 $0x40, s30  }
0x35: {  	v45 =	vld [tilespmem:s31+$0x280];
	_ =	sdelay $0x4  }
0x36: {  	v46 =	vld [tilespmem:s31+$0x0];
	v47 =	vsub.s32 v45, v0;
	v48 =	vshll.u32 v45, $0x1  }
0x37: {  	vm1 =	vlt.u32 v47, $0x100;
	v47 =	vand.u32 $0x3F, v45;
	v48 =	vand.u32 $0x180, v48  }
0x38: {  	v49 =	vor.u32 v47, v48;
	v47 =	vshll.u32 v47, $0x1  }
0x39: {  	v45 =	vand.u32 $0xFF, v45;
	v47 =	vor.u32 v47, v48;
	_ =	sdelay $0x1  }
0x3a: {  	v48 =	vor.u32 $0x1, v47;
	v46 =	vadd.s32 v1, v46  }
.Ltmp0:
0x3b: {  	v50 =	vand.u32 $0x3FFFF, v46;
	(pc) =	sbr.rel @p0 .LBB2_2-.Ltmp0, $4  }
0x3c: {  	[tilespmem:v49+s20+$0x0] =	vst.idx.msk vm1, v50;
	v46 =	vshrl.u32 v50, $0x7  }
0x3d: {  	[tilespmem:v45+s21+$0x0] =	vst.idx.msk vm1, v50;
	v49 =	vshll.u32 v46, $0x1  }
0x3e: {  	[tilespmem:v47+s22+$0x0] =	vst.idx.msk vm1, v49;
	v47 =	vor.u32 $0x1, v49  }
0x3f: {  	[tilespmem:v48+s22+$0x0] =	vst.idx.msk vm1, v47  }
0x40: {  	_ =	sdelay $0x4  }
0x41: {  	s29 =	sshra.s32 s29, $0x2;
	[tilespmem:v45+s23+$0x0] =	vst.idx.msk vm1, v46  }
0x42: {  	v45 =	vld [tilespmem:s29+$0x280];
	_ =	sdelay $0x4  }
0x43: {  	v46 =	vld [tilespmem:s29+$0x0];
	v47 =	vsub.s32 v45, v0;
	v48 =	vshll.u32 v45, $0x1  }
0x44: {  	v57 =	vand.u32 $0x3F, v45;
	vm1 =	vlt.u32 v47, $0x100;
	v48 =	vand.u32 $0x180, v48  }
0x45: {  	v49 =	vor.u32 v57, v48  }
0x46: {  	v45 =	vand.u32 $0xFF, v45;
	v47 =	vshll.u32 v57, $0x1  }
0x47: {  	v47 =	vor.u32 v47, v48  }
0x48: {  	v46 =	vadd.s32 v1, v46;
	v48 =	vor.u32 $0x1, v47  }
0x49: {  	v46 =	vand.u32 $0x3FFFF, v46  }
0x4a: {  	v58 =	vshrl.u32 v46, $0x7;
	[tilespmem:v49+s20+$0x0] =	vst.idx.msk vm1, v46  }
0x4b: {  	v59 =	vshll.u32 v58, $0x1;
	[tilespmem:v45+s21+$0x0] =	vst.idx.msk vm1, v46  }
0x4c: {  	v46 =	vor.u32 $0x1, v59;
	[tilespmem:v47+s22+$0x0] =	vst.idx.msk vm1, v59  }
0x4d: {  	[tilespmem:v48+s22+$0x0] =	vst.idx.msk vm1, v46  }
0x4e: {  	[tilespmem:v45+s23+$0x0] =	vst.idx.msk vm1, v58  }
0x4f: {  	v45 =	vld [tilespmem:$0x500];
	_ =	sdelay $0x4  }
0x50: {  	v60 =	vshll.u32 v45, $0x1  }
0x51: {  	v45 =	vand.u32 $0x7, v45;
	v46 =	vand.u32 $0xFFFFFFF0, v60  }
0x52: {  	v45 =	vor.u32 v45, v46  }
0x53: {  	v46 =	vperm.xlane v45, v4;
	_ =	sdelay $0x1  }
0x54: {  	v45 =	vperm.xlane v45, v6;
	v46 =	vadd.s32 v5, v46;
	_ =	sdelay $0x1  }
0x55: {  	v45 =	vadd.s32 v5, v45;
	_ =	sdelay $0x2  }
0x56: {  	[tilespmem:s4], [sflag:$0x1] =	stream.indirect_vreg.gather [hbm4b:s1+s5], $0x80, v46, vm0, $0xb8;
	[tilespmem:$0x1CC00] =	vst v63  }
0x57: {  	s29 =	simm.s32 $0x1300  }
0x58: {  	[tilespmem:s29], [sflag:$0x1] =	stream.indirect_vreg.gather [hbm4b:s1+s5], $0x80, v45, vm0, $0xb8;
	[tilespmem:$0x1CC00] =	vst v63  }
0x59: {  	v45 =	vld [tilespmem:$0x510];
	_ =	sdelay $0x4  }
0x5a: {  	v61 =	vshll.u32 v45, $0x1  }
0x5b: {  	v45 =	vand.u32 $0x7, v45;
	v46 =	vand.u32 $0xFFFFFFF0, v61  }
0x5c: {  	v45 =	vor.u32 v45, v46  }
0x5d: {  	v46 =	vperm.xlane v45, v4;
	_ =	sdelay $0x1  }
0x5e: {  	v45 =	vperm.xlane v45, v6;
	v46 =	vadd.s32 v5, v46;
	_ =	sdelay $0x1  }
0x5f: {  	v45 =	vadd.s32 v5, v45;
	_ =	sdelay $0x1  }
0x60: {  	s30 =	simm.s32 $0x1B00  }
0x61: {  	[tilespmem:s30], [sflag:$0x1] =	stream.indirect_vreg.gather [hbm4b:s1+s5], $0x80, v46, vm0, $0xb8;
	[tilespmem:$0x1CC00] =	vst v63  }
0x62: {  	s31 =	simm.s32 $0x2300  }
0x63: {  	[tilespmem:s31], [sflag:$0x1] =	stream.indirect_vreg.gather [hbm4b:s1+s5], $0x80, v45, vm0, $0xb8;
	[tilespmem:$0x1CC00] =	vst v63  }
0x64: {  	v45 =	vld [tilespmem:$0x520];
	_ =	sdelay $0x4  }
0x65: {  	v62 =	vshll.u32 v45, $0x1  }
0x66: {  	v45 =	vand.u32 $0x7, v45;
	v46 =	vand.u32 $0xFFFFFFF0, v62  }
0x67: {  	v45 =	vor.u32 v45, v46  }
0x68: {  	v46 =	vperm.xlane v45, v4;
	_ =	sdelay $0x1  }
0x69: {  	v45 =	vperm.xlane v45, v6;
	v46 =	vadd.s32 v5, v46;
	_ =	sdelay $0x1  }
0x6a: {  	v45 =	vadd.s32 v5, v45;
	_ =	sdelay $0x1  }
0x6b: {  	s0 =	simm.s32 $0x2B00  }
0x6c: {  	[tilespmem:s0], [sflag:$0x1] =	stream.indirect_vreg.gather [hbm4b:s1+s5], $0x80, v46, vm0, $0xb8;
	[tilespmem:$0x1CC00] =	vst v63  }
0x6d: {  	_ = 	snop  }
0x6e: {  	[tilespmem:s19], [sflag:$0x1] =	stream.indirect_vreg.gather [hbm4b:s1+s5], $0x80, v45, vm0, $0xb8;
	[tilespmem:$0x1CC00] =	vst v63  }
0x6f: {  	v45 =	vld [tilespmem:$0x530];
	_ =	sdelay $0x4  }
0x70: {  	v63 =	vshll.u32 v45, $0x1  }
0x71: {  	v45 =	vand.u32 $0x7, v45;
	v46 =	vand.u32 $0xFFFFFFF0, v63  }
0x72: {  	v45 =	vor.u32 v45, v46  }
0x73: {  	v46 =	vperm.xlane v45, v4;
	_ =	sdelay $0x1  }
0x74: {  	v45 =	vperm.xlane v45, v6;
	v46 =	vadd.s32 v5, v46;
	_ =	sdelay $0x1  }
0x75: {  	v45 =	vadd.s32 v5, v45;
	_ =	sdelay $0x2  }
0x76: {  	[tilespmem:s3], [sflag:$0x1] =	stream.indirect_vreg.gather [hbm4b:s1+s5], $0x80, v46, vm0, $0xb8;
	[tilespmem:$0x1CC00] =	vst v63  }
0x77: {  	_ = 	snop  }
0x78: {  	[tilespmem:s6], [sflag:$0x1] =	stream.indirect_vreg.gather [hbm4b:s1+s5], $0x80, v45, vm0, $0xb8;
	[tilespmem:$0x1CC00] =	vst v63  }
0x79: {  	v45 =	vld [tilespmem:$0x580];
	_ =	sdelay $0x4  }
0x7a: {  	v48 =	vshll.u32 v45, $0x1  }
0x7b: {  	v45 =	vand.u32 $0x7, v45;
	v46 =	vand.u32 $0xFFFFFFF0, v48  }
0x7c: {  	v45 =	vor.u32 v45, v46  }
0x7d: {  	v46 =	vperm.xlane v45, v4;
	_ =	sdelay $0x1  }
0x7e: {  	v45 =	vperm.xlane v45, v6;
	v46 =	vadd.s32 v5, v46;
	_ =	sdelay $0x1  }
0x7f: {  	v45 =	vadd.s32 v5, v45;
	_ =	sdelay $0x2  }
0x80: {  	[tilespmem:s13], [sflag:$0x2] =	stream.indirect_vreg.gather [hbm4b:s1+s5], $0x80, v46, vm0, $0xb8;
	[tilespmem:$0x1CC00] =	vst v63  }
0x81: {  	_ = 	snop  }
0x82: {  	[tilespmem:s7], [sflag:$0x2] =	stream.indirect_vreg.gather [hbm4b:s1+s5], $0x80, v45, vm0, $0xb8;
	[tilespmem:$0x1CC00] =	vst v63  }
0x83: {  	v45 =	vld [tilespmem:$0x590];
	_ =	sdelay $0x4  }
0x84: {  	v49 =	vshll.u32 v45, $0x1  }
0x85: {  	v45 =	vand.u32 $0x7, v45;
	v46 =	vand.u32 $0xFFFFFFF0, v49  }
0x86: {  	v45 =	vor.u32 v45, v46  }
0x87: {  	v46 =	vperm.xlane v45, v4;
	_ =	sdelay $0x1  }
0x88: {  	v45 =	vperm.xlane v45, v6;
	v46 =	vadd.s32 v5, v46;
	_ =	sdelay $0x1  }
0x89: {  	v45 =	vadd.s32 v5, v45;
	_ =	sdelay $0x2  }
0x8a: {  	[tilespmem:s9], [sflag:$0x2] =	stream.indirect_vreg.gather [hbm4b:s1+s5], $0x80, v46, vm0, $0xb8;
	[tilespmem:$0x1CC00] =	vst v63  }
0x8b: {  	_ = 	snop  }
0x8c: {  	[tilespmem:s10], [sflag:$0x2] =	stream.indirect_vreg.gather [hbm4b:s1+s5], $0x80, v45, vm0, $0xb8;
	[tilespmem:$0x1CC00] =	vst v63  }
0x8d: {  	v45 =	vld [tilespmem:$0x5A0];
	_ =	sdelay $0x4  }
0x8e: {  	v50 =	vshll.u32 v45, $0x1  }
0x8f: {  	v45 =	vand.u32 $0x7, v45;
	v46 =	vand.u32 $0xFFFFFFF0, v50  }
0x90: {  	v45 =	vor.u32 v45, v46  }
0x91: {  	v46 =	vperm.xlane v45, v4;
	_ =	sdelay $0x1  }
0x92: {  	v45 =	vperm.xlane v45, v6;
	v46 =	vadd.s32 v5, v46;
	_ =	sdelay $0x1  }
0x93: {  	v45 =	vadd.s32 v5, v45;
	_ =	sdelay $0x2  }
0x94: {  	[tilespmem:s11], [sflag:$0x2] =	stream.indirect_vreg.gather [hbm4b:s1+s5], $0x80, v46, vm0, $0xb8;
	[tilespmem:$0x1CC00] =	vst v63  }
0x95: {  	_ = 	snop  }
0x96: {  	[tilespmem:s8], [sflag:$0x2] =	stream.indirect_vreg.gather [hbm4b:s1+s5], $0x80, v45, vm0, $0xb8;
	[tilespmem:$0x1CC00] =	vst v63  }
0x97: {  	v45 =	vld [tilespmem:$0x5B0];
	_ =	sdelay $0x4  }
0x98: {  	v51 =	vshll.u32 v45, $0x1  }
0x99: {  	v45 =	vand.u32 $0x7, v45;
	v46 =	vand.u32 $0xFFFFFFF0, v51  }
0x9a: {  	v45 =	vor.u32 v45, v46  }
0x9b: {  	v46 =	vperm.xlane v45, v4;
	_ =	sdelay $0x1  }
0x9c: {  	v45 =	vperm.xlane v45, v6;
	v46 =	vadd.s32 v5, v46;
	_ =	sdelay $0x1  }
0x9d: {  	v45 =	vadd.s32 v5, v45;
	_ =	sdelay $0x1  }
0x9e: {  	s2 =	simm.s32 $0x7B00  }
0x9f: {  	[tilespmem:s2], [sflag:$0x2] =	stream.indirect_vreg.gather [hbm4b:s1+s5], $0x80, v46, vm0, $0xb8;
	[tilespmem:$0x1CC00] =	vst v63  }
0xa0: {  	_ = 	snop  }
0xa1: {  	[tilespmem:s14], [sflag:$0x2] =	stream.indirect_vreg.gather [hbm4b:s1+s5], $0x80, v45, vm0, $0xb8;
	[tilespmem:$0x1CC00] =	vst v63  }
0xa2: {  	s24 =	rddreg [dreg:$0x3]  }
0xa3: {  	[tilespmem:s12], [sflag:$0x3] =	stream.indirect.gather [hbm4b:s24+s16], $0x80, s22, s16, $0xb8;
	[tilespmem:$0x1CC00] =	vst v63  }
0xa4: {  	s16 =	simm.s32 $0x1  }
0xa5: {  	_ =	swait.ge [sflag:s16], $0x4000  }
0xa6: {  	[sflag:s16] =	ssyncset.done $0x0  }
0xa7: {  	s17 =	rddreg [dreg:$0x12];
	[sflag:s16] =	ssyncadd.s32 $0xFFFFC000  }
0xa8: {  	[hbm4b:s17+s5] =	stream.linear.scatter [tilespmem:s4], [sflag:$0x4], $0x4000, $0x38;
	[tilespmem:$0x1CC00] =	vst v63  }
0xa9: {  	_ =	swait.ge [sflag:s18], $0x4000  }
0xaa: {  	[sflag:s18] =	ssyncset.done $0x0  }
0xab: {  	[sflag:s18] =	ssyncadd.s32 $0xFFFFC000  }
0xac: {  	v52 =	vld [tilespmem:$0x600];
	_ =	sdelay $0x4  }
0xad: {  	v53 =	vshll.u32 v52, $0x1  }
0xae: {  	v45 =	vand.u32 $0x7, v52;
	v46 =	vand.u32 $0xFFFFFFF0, v53  }
0xaf: {  	v45 =	vor.u32 v45, v46  }
0xb0: {  	v46 =	vperm.xlane v45, v4;
	_ =	sdelay $0x1  }
0xb1: {  	v45 =	vperm.xlane v45, v6;
	v46 =	vadd.s32 v5, v46;
	_ =	sdelay $0x1  }
0xb2: {  	v45 =	vadd.s32 v5, v45;
	_ =	sdelay $0x2  }
0xb3: {  	[tilespmem:s4], [sflag:$0x1] =	stream.indirect_vreg.gather [hbm4b:s1+s5], $0x80, v46, vm0, $0xb8;
	[tilespmem:$0x1CC00] =	vst v63  }
0xb4: {  	_ = 	snop  }
0xb5: {  	[tilespmem:s29], [sflag:$0x1] =	stream.indirect_vreg.gather [hbm4b:s1+s5], $0x80, v45, vm0, $0xb8;
	[tilespmem:$0x1CC00] =	vst v63  }
0xb6: {  	v45 =	vld [tilespmem:$0x610];
	_ =	sdelay $0x4  }
0xb7: {  	v54 =	vshll.u32 v45, $0x1  }
0xb8: {  	v45 =	vand.u32 $0x7, v45;
	v46 =	vand.u32 $0xFFFFFFF0, v54  }
0xb9: {  	v45 =	vor.u32 v45, v46  }
0xba: {  	v46 =	vperm.xlane v45, v4;
	_ =	sdelay $0x1  }
0xbb: {  	v45 =	vperm.xlane v45, v6;
	v46 =	vadd.s32 v5, v46;
	_ =	sdelay $0x1  }
0xbc: {  	v45 =	vadd.s32 v5, v45;
	_ =	sdelay $0x2  }
0xbd: {  	[tilespmem:s30], [sflag:$0x1] =	stream.indirect_vreg.gather [hbm4b:s1+s5], $0x80, v46, vm0, $0xb8;
	[tilespmem:$0x1CC00] =	vst v63  }
0xbe: {  	_ = 	snop  }
0xbf: {  	[tilespmem:s31], [sflag:$0x1] =	stream.indirect_vreg.gather [hbm4b:s1+s5], $0x80, v45, vm0, $0xb8;
	[tilespmem:$0x1CC00] =	vst v63  }
0xc0: {  	v45 =	vld [tilespmem:$0x620];
	_ =	sdelay $0x4  }
0xc1: {  	v55 =	vshll.u32 v45, $0x1  }
0xc2: {  	v45 =	vand.u32 $0x7, v45;
	v46 =	vand.u32 $0xFFFFFFF0, v55  }
0xc3: {  	v45 =	vor.u32 v45, v46  }
0xc4: {  	v46 =	vperm.xlane v45, v4;
	_ =	sdelay $0x1  }
0xc5: {  	v45 =	vperm.xlane v45, v6;
	v46 =	vadd.s32 v5, v46;
	_ =	sdelay $0x1  }
0xc6: {  	v45 =	vadd.s32 v5, v45;
	_ =	sdelay $0x2  }
0xc7: {  	[tilespmem:s0], [sflag:$0x1] =	stream.indirect_vreg.gather [hbm4b:s1+s5], $0x80, v46, vm0, $0xb8;
	[tilespmem:$0x1CC00] =	vst v63  }
0xc8: {  	_ = 	snop  }
0xc9: {  	[tilespmem:s19], [sflag:$0x1] =	stream.indirect_vreg.gather [hbm4b:s1+s5], $0x80, v45, vm0, $0xb8;
	[tilespmem:$0x1CC00] =	vst v63  }
0xca: {  	v45 =	vld [tilespmem:$0x630];
	_ =	sdelay $0x4  }
0xcb: {  	v56 =	vshll.u32 v45, $0x1  }
0xcc: {  	v45 =	vand.u32 $0x7, v45;
	v46 =	vand.u32 $0xFFFFFFF0, v56  }
0xcd: {  	v45 =	vor.u32 v45, v46  }
0xce: {  	v46 =	vperm.xlane v45, v4;
	_ =	sdelay $0x1  }
0xcf: {  	v45 =	vperm.xlane v45, v6;
	v46 =	vadd.s32 v5, v46;
	_ =	sdelay $0x1  }
0xd0: {  	v45 =	vadd.s32 v5, v45;
	_ =	sdelay $0x2  }
0xd1: {  	[tilespmem:s3], [sflag:$0x1] =	stream.indirect_vreg.gather [hbm4b:s1+s5], $0x80, v46, vm0, $0xb8;
	[tilespmem:$0x1CC00] =	vst v63  }
0xd2: {  	s17 =	simm.s32 $0x2  }
0xd3: {  	[tilespmem:s6], [sflag:$0x1] =	stream.indirect_vreg.gather [hbm4b:s1+s5], $0x80, v45, vm0, $0xb8;
	[tilespmem:$0x1CC00] =	vst v63  }
0xd4: {  	_ =	swait.ge [sflag:s17], $0x4000  }
0xd5: {  	[sflag:s17] =	ssyncset.done $0x0  }
0xd6: {  	s30 =	rddreg [dreg:$0xb];
	[sflag:s17] =	ssyncadd.s32 $0xFFFFC000  }
0xd7: {  	[hbm4b:s30+s5] =	stream.linear.scatter [tilespmem:s13], [sflag:$0x4], $0x4000, $0x38;
	[tilespmem:$0x1CC00] =	vst v63  }
0xd8: {  	_ =	swait.ge [sflag:s18], $0x4000  }
0xd9: {  	[sflag:s18] =	ssyncset.done $0x0  }
0xda: {  	[sflag:s18] =	ssyncadd.s32 $0xFFFFC000  }
0xdb: {  	v57 =	vld [tilespmem:$0x680];
	_ =	sdelay $0x4  }
0xdc: {  	v58 =	vshll.u32 v57, $0x1  }
0xdd: {  	v45 =	vand.u32 $0x7, v57;
	v46 =	vand.u32 $0xFFFFFFF0, v58  }
0xde: {  	v45 =	vor.u32 v45, v46  }
0xdf: {  	v46 =	vperm.xlane v45, v4;
	_ =	sdelay $0x1  }
0xe0: {  	v45 =	vperm.xlane v45, v6;
	v46 =	vadd.s32 v5, v46;
	_ =	sdelay $0x1  }
0xe1: {  	v45 =	vadd.s32 v5, v45;
	_ =	sdelay $0x2  }
0xe2: {  	[tilespmem:s13], [sflag:$0x2] =	stream.indirect_vreg.gather [hbm4b:s1+s5], $0x80, v46, vm0, $0xb8;
	[tilespmem:$0x1CC00] =	vst v63  }
0xe3: {  	_ = 	snop  }
0xe4: {  	[tilespmem:s7], [sflag:$0x2] =	stream.indirect_vreg.gather [hbm4b:s1+s5], $0x80, v45, vm0, $0xb8;
	[tilespmem:$0x1CC00] =	vst v63  }
0xe5: {  	v45 =	vld [tilespmem:$0x690];
	_ =	sdelay $0x4  }
0xe6: {  	v59 =	vshll.u32 v45, $0x1  }
0xe7: {  	v45 =	vand.u32 $0x7, v45;
	v46 =	vand.u32 $0xFFFFFFF0, v59  }
0xe8: {  	v45 =	vor.u32 v45, v46  }
0xe9: {  	v46 =	vperm.xlane v45, v4;
	_ =	sdelay $0x1  }
0xea: {  	v45 =	vperm.xlane v45, v6;
	v46 =	vadd.s32 v5, v46;
	_ =	sdelay $0x1  }
0xeb: {  	v45 =	vadd.s32 v5, v45;
	_ =	sdelay $0x2  }
0xec: {  	[tilespmem:s9], [sflag:$0x2] =	stream.indirect_vreg.gather [hbm4b:s1+s5], $0x80, v46, vm0, $0xb8;
	[tilespmem:$0x1CC00] =	vst v63  }
0xed: {  	_ = 	snop  }
0xee: {  	[tilespmem:s10], [sflag:$0x2] =	stream.indirect_vreg.gather [hbm4b:s1+s5], $0x80, v45, vm0, $0xb8;
	[tilespmem:$0x1CC00] =	vst v63  }
0xef: {  	v45 =	vld [tilespmem:$0x6A0];
	_ =	sdelay $0x4  }
0xf0: {  	v60 =	vshll.u32 v45, $0x1  }
0xf1: {  	v45 =	vand.u32 $0x7, v45;
	v46 =	vand.u32 $0xFFFFFFF0, v60  }
0xf2: {  	v45 =	vor.u32 v45, v46  }
0xf3: {  	v46 =	vperm.xlane v45, v4;
	_ =	sdelay $0x1  }
0xf4: {  	v45 =	vperm.xlane v45, v6;
	v46 =	vadd.s32 v5, v46;
	_ =	sdelay $0x1  }
0xf5: {  	v45 =	vadd.s32 v5, v45;
	_ =	sdelay $0x2  }
0xf6: {  	[tilespmem:s11], [sflag:$0x2] =	stream.indirect_vreg.gather [hbm4b:s1+s5], $0x80, v46, vm0, $0xb8;
	[tilespmem:$0x1CC00] =	vst v63  }
0xf7: {  	_ = 	snop  }
0xf8: {  	[tilespmem:s8], [sflag:$0x2] =	stream.indirect_vreg.gather [hbm4b:s1+s5], $0x80, v45, vm0, $0xb8;
	[tilespmem:$0x1CC00] =	vst v63  }
0xf9: {  	v45 =	vld [tilespmem:$0x6B0];
	_ =	sdelay $0x4  }
0xfa: {  	v61 =	vshll.u32 v45, $0x1  }
0xfb: {  	v45 =	vand.u32 $0x7, v45;
	v46 =	vand.u32 $0xFFFFFFF0, v61  }
0xfc: {  	v45 =	vor.u32 v45, v46  }
0xfd: {  	v46 =	vperm.xlane v45, v4;
	_ =	sdelay $0x1  }
0xfe: {  	v45 =	vperm.xlane v45, v6;
	v46 =	vadd.s32 v5, v46;
	_ =	sdelay $0x1  }
0xff: {  	v45 =	vadd.s32 v5, v45;
	_ =	sdelay $0x2  }
0x100: {  	[tilespmem:s2], [sflag:$0x2] =	stream.indirect_vreg.gather [hbm4b:s1+s5], $0x80, v46, vm0, $0xb8;
	[tilespmem:$0x1CC00] =	vst v63  }
0x101: {  	_ = 	snop  }
0x102: {  	[tilespmem:s14], [sflag:$0x2] =	stream.indirect_vreg.gather [hbm4b:s1+s5], $0x80, v45, vm0, $0xb8;
	[tilespmem:$0x1CC00] =	vst v63  }
0x103: {  	_ =	swait.ge [sflag:s16], $0x4000  }
0x104: {  	[sflag:s16] =	ssyncset.done $0x0  }
0x105: {  	s31 =	rddreg [dreg:$0xc];
	[sflag:s16] =	ssyncadd.s32 $0xFFFFC000  }
0x106: {  	[hbm4b:s31+s5] =	stream.linear.scatter [tilespmem:s4], [sflag:$0x4], $0x4000, $0x38;
	[tilespmem:$0x1CC00] =	vst v63  }
0x107: {  	_ =	swait.ge [sflag:s18], $0x4000  }
0x108: {  	[sflag:s18] =	ssyncset.done $0x0  }
0x109: {  	[sflag:s18] =	ssyncadd.s32 $0xFFFFC000  }
0x10a: {  	_ =	swait.ge [sflag:s17], $0x4000  }
0x10b: {  	[sflag:s17] =	ssyncset.done $0x0  }
0x10c: {  	s0 =	rddreg [dreg:$0xd];
	[sflag:s17] =	ssyncadd.s32 $0xFFFFC000  }
0x10d: {  	[hbm4b:s0+s5] =	stream.linear.scatter [tilespmem:s13], [sflag:$0x4], $0x4000, $0x38;
	[tilespmem:$0x1CC00] =	vst v63  }
0x10e: {  	_ =	swait.ge [sflag:s18], $0x4000  }
0x10f: {  	[sflag:s18] =	ssyncset.done $0x0  }
0x110: {  	[sflag:s18] =	ssyncadd.s32 $0xFFFFC000  }
0x111: {  	_ =	swait.ge [sflag:s15], $0x4000  }
0x112: {  	[sflag:s15] =	ssyncset.done $0x0  }
0x113: {  	[sflag:s15] =	ssyncadd.s32 $0xFFFFC000  }
0x114: {  	v62 =	vld [tilespmem:$0x700];
	_ =	sdelay $0x4  }
0x115: {  	v45 =	vand.u32 $0x7F, v62  }
0x116: {  	v63 =	vor.u32 v2, v45  }
0x117: {  	v45 =	vor.u32 v7, v45;
	_ =	sdelay $0x3  }
0x118: {  	v46 =	vld.idx.msk [tilespmem:v63+s12+$0x0], $0xffff  }
0x119: {  	v45 =	vld.idx.msk [tilespmem:v45+s12+$0x0], $0xffff;
	_ =	sdelay $0x3  }
0x11a: {  	[tilespmem:v3+s25+$0x0] =	vst.idx.msk $0xffff, v46  }
0x11b: {  	[tilespmem:v8+s25+$0x0] =	vst.idx.msk $0xffff, v45  }
0x11c: {  	v45 =	vld [tilespmem:$0x710];
	_ =	sdelay $0x4  }
0x11d: {  	v45 =	vand.u32 $0x7F, v45  }
0x11e: {  	v48 =	vor.u32 v9, v45  }
0x11f: {  	v45 =	vor.u32 v10, v45;
	_ =	sdelay $0x3  }
0x120: {  	v46 =	vld.idx.msk [tilespmem:v48+s12+$0x0], $0xffff  }
0x121: {  	v45 =	vld.idx.msk [tilespmem:v45+s12+$0x0], $0xffff;
	_ =	sdelay $0x3  }
0x122: {  	[tilespmem:v11+s25+$0x0] =	vst.idx.msk $0xffff, v46  }
0x123: {  	[tilespmem:v12+s25+$0x0] =	vst.idx.msk $0xffff, v45  }
0x124: {  	v45 =	vld [tilespmem:$0x720];
	_ =	sdelay $0x4  }
0x125: {  	v45 =	vand.u32 $0x7F, v45  }
0x126: {  	v49 =	vor.u32 v13, v45  }
0x127: {  	v45 =	vor.u32 v14, v45;
	_ =	sdelay $0x3  }
0x128: {  	v46 =	vld.idx.msk [tilespmem:v49+s12+$0x0], $0xffff  }
0x129: {  	v45 =	vld.idx.msk [tilespmem:v45+s12+$0x0], $0xffff;
	_ =	sdelay $0x3  }
0x12a: {  	[tilespmem:v15+s25+$0x0] =	vst.idx.msk $0xffff, v46  }
0x12b: {  	[tilespmem:v16+s25+$0x0] =	vst.idx.msk $0xffff, v45  }
0x12c: {  	v45 =	vld [tilespmem:$0x730];
	_ =	sdelay $0x4  }
0x12d: {  	v45 =	vand.u32 $0x7F, v45  }
0x12e: {  	v50 =	vor.u32 v17, v45  }
0x12f: {  	v45 =	vor.u32 v18, v45;
	_ =	sdelay $0x3  }
0x130: {  	v46 =	vld.idx.msk [tilespmem:v50+s12+$0x0], $0xffff  }
0x131: {  	v45 =	vld.idx.msk [tilespmem:v45+s12+$0x0], $0xffff;
	_ =	sdelay $0x3  }
0x132: {  	[tilespmem:v19+s25+$0x0] =	vst.idx.msk $0xffff, v46  }
0x133: {  	s2 =	simm.s32 $0x880;
	s16 =	simm.s32 $0x80;
	[tilespmem:v20+s25+$0x0] =	vst.idx.msk $0xffff, v45  }
0x134: {  	[tilespmem:s12], [sflag:$0x3] =	stream.indirect.gather [hbm4b:s24+s16], $0x80, s2, s16, $0xb8;
	[tilespmem:$0x1CC00] =	vst v63  }
0x135: {  	_ =	swait.ge [sflag:s15], $0x4000  }
0x136: {  	[sflag:s15] =	ssyncset.done $0x0  }
0x137: {  	[sflag:s15] =	ssyncadd.s32 $0xFFFFC000  }
0x138: {  	v51 =	vld [tilespmem:$0x740];
	_ =	sdelay $0x4  }
0x139: {  	v45 =	vand.u32 $0x7F, v51  }
0x13a: {  	v52 =	vor.u32 v2, v45  }
0x13b: {  	v45 =	vor.u32 v7, v45;
	_ =	sdelay $0x3  }
0x13c: {  	v46 =	vld.idx.msk [tilespmem:v52+s12+$0x0], $0xffff  }
0x13d: {  	v45 =	vld.idx.msk [tilespmem:v45+s12+$0x0], $0xffff;
	_ =	sdelay $0x3  }
0x13e: {  	[tilespmem:v21+s25+$0x0] =	vst.idx.msk $0xffff, v46  }
0x13f: {  	[tilespmem:v22+s25+$0x0] =	vst.idx.msk $0xffff, v45  }
0x140: {  	v45 =	vld [tilespmem:$0x750];
	_ =	sdelay $0x4  }
0x141: {  	v45 =	vand.u32 $0x7F, v45  }
0x142: {  	v53 =	vor.u32 v9, v45  }
0x143: {  	v45 =	vor.u32 v10, v45;
	_ =	sdelay $0x3  }
0x144: {  	v46 =	vld.idx.msk [tilespmem:v53+s12+$0x0], $0xffff  }
0x145: {  	v45 =	vld.idx.msk [tilespmem:v45+s12+$0x0], $0xffff;
	_ =	sdelay $0x3  }
0x146: {  	[tilespmem:v23+s25+$0x0] =	vst.idx.msk $0xffff, v46  }
0x147: {  	[tilespmem:v24+s25+$0x0] =	vst.idx.msk $0xffff, v45  }
0x148: {  	v45 =	vld [tilespmem:$0x760];
	_ =	sdelay $0x4  }
0x149: {  	v45 =	vand.u32 $0x7F, v45  }
0x14a: {  	v54 =	vor.u32 v13, v45  }
0x14b: {  	v45 =	vor.u32 v14, v45;
	_ =	sdelay $0x3  }
0x14c: {  	v46 =	vld.idx.msk [tilespmem:v54+s12+$0x0], $0xffff  }
0x14d: {  	v45 =	vld.idx.msk [tilespmem:v45+s12+$0x0], $0xffff;
	_ =	sdelay $0x3  }
0x14e: {  	[tilespmem:v25+s25+$0x0] =	vst.idx.msk $0xffff, v46  }
0x14f: {  	[tilespmem:v26+s25+$0x0] =	vst.idx.msk $0xffff, v45  }
0x150: {  	v45 =	vld [tilespmem:$0x770];
	_ =	sdelay $0x4  }
0x151: {  	v45 =	vand.u32 $0x7F, v45  }
0x152: {  	v55 =	vor.u32 v17, v45  }
0x153: {  	v45 =	vor.u32 v18, v45;
	_ =	sdelay $0x3  }
0x154: {  	v46 =	vld.idx.msk [tilespmem:v55+s12+$0x0], $0xffff  }
0x155: {  	v45 =	vld.idx.msk [tilespmem:v45+s12+$0x0], $0xffff;
	_ =	sdelay $0x3  }
0x156: {  	[tilespmem:v27+s25+$0x0] =	vst.idx.msk $0xffff, v46  }
0x157: {  	s17 =	simm.s32 $0x900;
	[tilespmem:v28+s25+$0x0] =	vst.idx.msk $0xffff, v45  }
0x158: {  	[tilespmem:s12], [sflag:$0x3] =	stream.indirect.gather [hbm4b:s24+s16], $0x80, s17, s16, $0xb8;
	[tilespmem:$0x1CC00] =	vst v63  }
0x159: {  	_ =	swait.ge [sflag:s15], $0x4000  }
0x15a: {  	[sflag:s15] =	ssyncset.done $0x0  }
0x15b: {  	[sflag:s15] =	ssyncadd.s32 $0xFFFFC000  }
0x15c: {  	v56 =	vld [tilespmem:$0x780];
	_ =	sdelay $0x4  }
0x15d: {  	v45 =	vand.u32 $0x7F, v56  }
0x15e: {  	v57 =	vor.u32 v2, v45  }
0x15f: {  	v45 =	vor.u32 v7, v45;
	_ =	sdelay $0x3  }
0x160: {  	v46 =	vld.idx.msk [tilespmem:v57+s12+$0x0], $0xffff  }
0x161: {  	v45 =	vld.idx.msk [tilespmem:v45+s12+$0x0], $0xffff;
	_ =	sdelay $0x3  }
0x162: {  	[tilespmem:v29+s25+$0x0] =	vst.idx.msk $0xffff, v46  }
0x163: {  	[tilespmem:v30+s25+$0x0] =	vst.idx.msk $0xffff, v45  }
0x164: {  	v45 =	vld [tilespmem:$0x790];
	_ =	sdelay $0x4  }
0x165: {  	v45 =	vand.u32 $0x7F, v45  }
0x166: {  	v58 =	vor.u32 v9, v45  }
0x167: {  	v45 =	vor.u32 v10, v45;
	_ =	sdelay $0x3  }
0x168: {  	v46 =	vld.idx.msk [tilespmem:v58+s12+$0x0], $0xffff  }
0x169: {  	v45 =	vld.idx.msk [tilespmem:v45+s12+$0x0], $0xffff;
	_ =	sdelay $0x3  }
0x16a: {  	[tilespmem:v31+s25+$0x0] =	vst.idx.msk $0xffff, v46  }
0x16b: {  	[tilespmem:v32+s25+$0x0] =	vst.idx.msk $0xffff, v45  }
0x16c: {  	v45 =	vld [tilespmem:$0x7A0];
	_ =	sdelay $0x4  }
0x16d: {  	v45 =	vand.u32 $0x7F, v45  }
0x16e: {  	v59 =	vor.u32 v13, v45  }
0x16f: {  	v45 =	vor.u32 v14, v45;
	_ =	sdelay $0x3  }
0x170: {  	v46 =	vld.idx.msk [tilespmem:v59+s12+$0x0], $0xffff  }
0x171: {  	v45 =	vld.idx.msk [tilespmem:v45+s12+$0x0], $0xffff;
	_ =	sdelay $0x3  }
0x172: {  	[tilespmem:v33+s25+$0x0] =	vst.idx.msk $0xffff, v46  }
0x173: {  	[tilespmem:v34+s25+$0x0] =	vst.idx.msk $0xffff, v45  }
0x174: {  	v45 =	vld [tilespmem:$0x7B0];
	_ =	sdelay $0x4  }
0x175: {  	v45 =	vand.u32 $0x7F, v45  }
0x176: {  	v60 =	vor.u32 v17, v45  }
0x177: {  	v45 =	vor.u32 v18, v45;
	_ =	sdelay $0x3  }
0x178: {  	v46 =	vld.idx.msk [tilespmem:v60+s12+$0x0], $0xffff  }
0x179: {  	v45 =	vld.idx.msk [tilespmem:v45+s12+$0x0], $0xffff;
	_ =	sdelay $0x3  }
0x17a: {  	[tilespmem:v35+s25+$0x0] =	vst.idx.msk $0xffff, v46  }
0x17b: {  	s29 =	simm.s32 $0x980;
	[tilespmem:v36+s25+$0x0] =	vst.idx.msk $0xffff, v45  }
0x17c: {  	[tilespmem:s12], [sflag:$0x3] =	stream.indirect.gather [hbm4b:s24+s16], $0x80, s29, s16, $0xb8;
	[tilespmem:$0x1CC00] =	vst v63  }
0x17d: {  	_ =	swait.ge [sflag:s15], $0x4000  }
0x17e: {  	[sflag:s15] =	ssyncset.done $0x0  }
0x17f: {  	[sflag:s15] =	ssyncadd.s32 $0xFFFFC000  }
0x180: {  	v61 =	vld [tilespmem:$0x7C0];
	_ =	sdelay $0x4  }
0x181: {  	v45 =	vand.u32 $0x7F, v61  }
0x182: {  	v62 =	vor.u32 v2, v45  }
0x183: {  	v45 =	vor.u32 v7, v45;
	_ =	sdelay $0x3  }
0x184: {  	v46 =	vld.idx.msk [tilespmem:v62+s12+$0x0], $0xffff  }
0x185: {  	v45 =	vld.idx.msk [tilespmem:v45+s12+$0x0], $0xffff;
	_ =	sdelay $0x3  }
0x186: {  	[tilespmem:v37+s25+$0x0] =	vst.idx.msk $0xffff, v46  }
0x187: {  	[tilespmem:v38+s25+$0x0] =	vst.idx.msk $0xffff, v45  }
0x188: {  	v45 =	vld [tilespmem:$0x7D0];
	_ =	sdelay $0x4  }
0x189: {  	v45 =	vand.u32 $0x7F, v45  }
0x18a: {  	v63 =	vor.u32 v9, v45  }
0x18b: {  	v45 =	vor.u32 v10, v45;
	_ =	sdelay $0x3  }
0x18c: {  	v46 =	vld.idx.msk [tilespmem:v63+s12+$0x0], $0xffff  }
0x18d: {  	v45 =	vld.idx.msk [tilespmem:v45+s12+$0x0], $0xffff;
	_ =	sdelay $0x3  }
0x18e: {  	[tilespmem:v39+s25+$0x0] =	vst.idx.msk $0xffff, v46  }
0x18f: {  	[tilespmem:v40+s25+$0x0] =	vst.idx.msk $0xffff, v45  }
0x190: {  	v45 =	vld [tilespmem:$0x7E0];
	_ =	sdelay $0x4  }
0x191: {  	v45 =	vand.u32 $0x7F, v45  }
0x192: {  	v48 =	vor.u32 v13, v45  }
0x193: {  	v45 =	vor.u32 v14, v45;
	_ =	sdelay $0x3  }
0x194: {  	v46 =	vld.idx.msk [tilespmem:v48+s12+$0x0], $0xffff  }
0x195: {  	v45 =	vld.idx.msk [tilespmem:v45+s12+$0x0], $0xffff;
	_ =	sdelay $0x3  }
0x196: {  	[tilespmem:v41+s25+$0x0] =	vst.idx.msk $0xffff, v46  }
0x197: {  	[tilespmem:v42+s25+$0x0] =	vst.idx.msk $0xffff, v45  }
0x198: {  	v45 =	vld [tilespmem:$0x7F0];
	_ =	sdelay $0x4  }
0x199: {  	v45 =	vand.u32 $0x7F, v45  }
0x19a: {  	v49 =	vor.u32 v17, v45  }
0x19b: {  	v45 =	vor.u32 v18, v45;
	_ =	sdelay $0x3  }
0x19c: {  	v46 =	vld.idx.msk [tilespmem:v49+s12+$0x0], $0xffff  }
0x19d: {  	v45 =	vld.idx.msk [tilespmem:v45+s12+$0x0], $0xffff;
	_ =	sdelay $0x3  }
0x19e: {  	[tilespmem:v43+s25+$0x0] =	vst.idx.msk $0xffff, v46  }
0x19f: {  	s30 =	rddreg [dreg:$0x4];
	[tilespmem:v44+s25+$0x0] =	vst.idx.msk $0xffff, v45  }
0x1a0: {  	[tilespmem:s12], [sflag:$0x3] =	stream.indirect.gather [hbm4b:s30+s16], $0x80, s23, s16, $0xb8;
	[tilespmem:$0x1CC00] =	vst v63  }
0x1a1: {  	_ =	swait.ge [sflag:s15], $0x4000  }
0x1a2: {  	[sflag:s15] =	ssyncset.done $0x0  }
0x1a3: {  	[sflag:s15] =	ssyncadd.s32 $0xFFFFC000  }
0x1a4: {  	v50 =	vld [tilespmem:$0x700];
	_ =	sdelay $0x4  }
0x1a5: {  	v45 =	vand.u32 $0x7F, v50  }
0x1a6: {  	v51 =	vld [tilespmem:$0x710];
	v45 =	vor.u32 v3, v45;
	_ =	sdelay $0x4  }
0x1a7: {  	v46 =	vand.u32 $0x7F, v51;
	v45 =	vld.idx.msk [tilespmem:v45+s12+$0x0], $0xffff  }
0x1a8: {  	v52 =	vld [tilespmem:$0x720];
	v46 =	vor.u32 v11, v46;
	_ =	sdelay $0x3  }
0x1a9: {  	[tilespmem:$0x14B00] =	vst v45  }
0x1aa: {  	v53 =	vand.u32 $0x7F, v52;
	v45 =	vld.idx.msk [tilespmem:v46+s12+$0x0], $0xffff  }
0x1ab: {  	v54 =	vld [tilespmem:$0x730];
	v46 =	vor.u32 v15, v53;
	_ =	sdelay $0x3  }
0x1ac: {  	[tilespmem:$0x14B10] =	vst v45  }
0x1ad: {  	v55 =	vand.u32 $0x7F, v54;
	v45 =	vld.idx.msk [tilespmem:v46+s12+$0x0], $0xffff  }
0x1ae: {  	v56 =	vld [tilespmem:$0x740];
	v46 =	vor.u32 v19, v55;
	_ =	sdelay $0x3  }
0x1af: {  	[tilespmem:$0x14B20] =	vst v45  }
0x1b0: {  	v57 =	vand.u32 $0x7F, v56;
	v45 =	vld.idx.msk [tilespmem:v46+s12+$0x0], $0xffff  }
0x1b1: {  	v58 =	vld [tilespmem:$0x750];
	v46 =	vor.u32 v21, v57;
	_ =	sdelay $0x3  }
0x1b2: {  	[tilespmem:$0x14B30] =	vst v45  }
0x1b3: {  	v59 =	vand.u32 $0x7F, v58;
	v45 =	vld.idx.msk [tilespmem:v46+s12+$0x0], $0xffff  }
0x1b4: {  	v60 =	vld [tilespmem:$0x760];
	v46 =	vor.u32 v23, v59;
	_ =	sdelay $0x3  }
0x1b5: {  	[tilespmem:$0x14B40] =	vst v45  }
0x1b6: {  	v61 =	vand.u32 $0x7F, v60;
	v45 =	vld.idx.msk [tilespmem:v46+s12+$0x0], $0xffff  }
0x1b7: {  	v62 =	vld [tilespmem:$0x770];
	v46 =	vor.u32 v25, v61;
	_ =	sdelay $0x3  }
0x1b8: {  	[tilespmem:$0x14B50] =	vst v45  }
0x1b9: {  	v63 =	vand.u32 $0x7F, v62;
	v45 =	vld.idx.msk [tilespmem:v46+s12+$0x0], $0xffff  }
0x1ba: {  	v46 =	vor.u32 v27, v63;
	_ =	sdelay $0x3  }
0x1bb: {  	[tilespmem:$0x14B60] =	vst v45  }
0x1bc: {  	v45 =	vld.idx.msk [tilespmem:v46+s12+$0x0], $0xffff;
	_ =	sdelay $0x4  }
0x1bd: {  	s31 =	simm.s32 $0xA80;
	[tilespmem:$0x14B70] =	vst v45  }
0x1be: {  	[tilespmem:s12], [sflag:$0x3] =	stream.indirect.gather [hbm4b:s30+s16], $0x80, s31, s16, $0xb8;
	[tilespmem:$0x1CC00] =	vst v63  }
0x1bf: {  	_ =	swait.ge [sflag:s15], $0x4000  }
0x1c0: {  	[sflag:s15] =	ssyncset.done $0x0  }
0x1c1: {  	[sflag:s15] =	ssyncadd.s32 $0xFFFFC000  }
0x1c2: {  	v48 =	vld [tilespmem:$0x780];
	_ =	sdelay $0x4  }
0x1c3: {  	v45 =	vand.u32 $0x7F, v48  }
0x1c4: {  	v49 =	vld [tilespmem:$0x790];
	v45 =	vor.u32 v3, v45;
	_ =	sdelay $0x4  }
0x1c5: {  	v46 =	vand.u32 $0x7F, v49;
	v45 =	vld.idx.msk [tilespmem:v45+s12+$0x0], $0xffff  }
0x1c6: {  	v50 =	vld [tilespmem:$0x7A0];
	v46 =	vor.u32 v11, v46;
	_ =	sdelay $0x3  }
0x1c7: {  	[tilespmem:$0x14B80] =	vst v45  }
0x1c8: {  	v51 =	vand.u32 $0x7F, v50;
	v45 =	vld.idx.msk [tilespmem:v46+s12+$0x0], $0xffff  }
0x1c9: {  	v52 =	vld [tilespmem:$0x7B0];
	v46 =	vor.u32 v15, v51;
	_ =	sdelay $0x3  }
0x1ca: {  	[tilespmem:$0x14B90] =	vst v45  }
0x1cb: {  	v53 =	vand.u32 $0x7F, v52;
	v45 =	vld.idx.msk [tilespmem:v46+s12+$0x0], $0xffff  }
0x1cc: {  	v54 =	vld [tilespmem:$0x7C0];
	v46 =	vor.u32 v19, v53;
	_ =	sdelay $0x3  }
0x1cd: {  	[tilespmem:$0x14BA0] =	vst v45  }
0x1ce: {  	v55 =	vand.u32 $0x7F, v54;
	v45 =	vld.idx.msk [tilespmem:v46+s12+$0x0], $0xffff  }
0x1cf: {  	v56 =	vld [tilespmem:$0x7D0];
	v46 =	vor.u32 v21, v55;
	_ =	sdelay $0x3  }
0x1d0: {  	[tilespmem:$0x14BB0] =	vst v45  }
0x1d1: {  	v57 =	vand.u32 $0x7F, v56;
	v45 =	vld.idx.msk [tilespmem:v46+s12+$0x0], $0xffff  }
0x1d2: {  	v58 =	vld [tilespmem:$0x7E0];
	v46 =	vor.u32 v23, v57;
	_ =	sdelay $0x3  }
0x1d3: {  	[tilespmem:$0x14BC0] =	vst v45  }
0x1d4: {  	v59 =	vand.u32 $0x7F, v58;
	v45 =	vld.idx.msk [tilespmem:v46+s12+$0x0], $0xffff  }
0x1d5: {  	v60 =	vld [tilespmem:$0x7F0];
	v46 =	vor.u32 v25, v59;
	_ =	sdelay $0x3  }
0x1d6: {  	[tilespmem:$0x14BD0] =	vst v45  }
0x1d7: {  	v61 =	vand.u32 $0x7F, v60;
	v45 =	vld.idx.msk [tilespmem:v46+s12+$0x0], $0xffff  }
0x1d8: {  	v46 =	vor.u32 v27, v61;
	_ =	sdelay $0x3  }
0x1d9: {  	v62 =	vld [tilespmem:$0x700];
	[tilespmem:$0x14BE0] =	vst v45  }
0x1da: {  	v46 =	vld.idx.msk [tilespmem:v46+s12+$0x0], $0xffff;
	_ =	sdelay $0x3  }
0x1db: {  	v63 =	vsub.s32 v62, v1  }
0x1dc: {  	v48 =	vshra.s32 v63, $0x7;
	v45 =	vand.u32 $0x7F, v62;
	[tilespmem:$0x14BF0] =	vst v46  }
0x1dd: {  	v45 =	vadd.s32 $0x1, v45;
	[tilespmem:v3+s26+$0x0] =	vst.idx.msk $0xffff, v48  }
0x1de: {  	[tilespmem:v8+s26+$0x0] =	vst.idx.msk $0xffff, v45  }
0x1df: {  	v45 =	vld [tilespmem:$0x710];
	_ =	sdelay $0x4  }
0x1e0: {  	v49 =	vsub.s32 v45, v1  }
0x1e1: {  	v45 =	vand.u32 $0x7F, v45;
	v46 =	vshra.s32 v49, $0x7  }
0x1e2: {  	v45 =	vadd.s32 $0x1, v45;
	[tilespmem:v11+s26+$0x0] =	vst.idx.msk $0xffff, v46  }
0x1e3: {  	[tilespmem:v12+s26+$0x0] =	vst.idx.msk $0xffff, v45  }
0x1e4: {  	v45 =	vld [tilespmem:$0x720];
	_ =	sdelay $0x4  }
0x1e5: {  	v50 =	vsub.s32 v45, v1  }
0x1e6: {  	v45 =	vand.u32 $0x7F, v45;
	v46 =	vshra.s32 v50, $0x7  }
0x1e7: {  	v45 =	vadd.s32 $0x1, v45;
	[tilespmem:v15+s26+$0x0] =	vst.idx.msk $0xffff, v46  }
0x1e8: {  	[tilespmem:v16+s26+$0x0] =	vst.idx.msk $0xffff, v45  }
0x1e9: {  	v45 =	vld [tilespmem:$0x730];
	_ =	sdelay $0x4  }
0x1ea: {  	v51 =	vsub.s32 v45, v1  }
0x1eb: {  	v45 =	vand.u32 $0x7F, v45;
	v46 =	vshra.s32 v51, $0x7  }
0x1ec: {  	v45 =	vadd.s32 $0x1, v45;
	[tilespmem:v19+s26+$0x0] =	vst.idx.msk $0xffff, v46  }
0x1ed: {  	[tilespmem:v20+s26+$0x0] =	vst.idx.msk $0xffff, v45  }
0x1ee: {  	v45 =	vld [tilespmem:$0x740];
	_ =	sdelay $0x4  }
0x1ef: {  	v52 =	vsub.s32 v45, v1  }
0x1f0: {  	v45 =	vand.u32 $0x7F, v45;
	v46 =	vshra.s32 v52, $0x7  }
0x1f1: {  	v45 =	vadd.s32 $0x1, v45;
	[tilespmem:v21+s26+$0x0] =	vst.idx.msk $0xffff, v46  }
0x1f2: {  	[tilespmem:v22+s26+$0x0] =	vst.idx.msk $0xffff, v45  }
0x1f3: {  	v45 =	vld [tilespmem:$0x750];
	_ =	sdelay $0x4  }
0x1f4: {  	v53 =	vsub.s32 v45, v1  }
0x1f5: {  	v45 =	vand.u32 $0x7F, v45;
	v46 =	vshra.s32 v53, $0x7  }
0x1f6: {  	v45 =	vadd.s32 $0x1, v45;
	[tilespmem:v23+s26+$0x0] =	vst.idx.msk $0xffff, v46  }
0x1f7: {  	[tilespmem:v24+s26+$0x0] =	vst.idx.msk $0xffff, v45  }
0x1f8: {  	v45 =	vld [tilespmem:$0x760];
	_ =	sdelay $0x4  }
0x1f9: {  	v54 =	vsub.s32 v45, v1  }
0x1fa: {  	v45 =	vand.u32 $0x7F, v45;
	v46 =	vshra.s32 v54, $0x7  }
0x1fb: {  	v45 =	vadd.s32 $0x1, v45;
	[tilespmem:v25+s26+$0x0] =	vst.idx.msk $0xffff, v46  }
0x1fc: {  	[tilespmem:v26+s26+$0x0] =	vst.idx.msk $0xffff, v45  }
0x1fd: {  	v45 =	vld [tilespmem:$0x770];
	_ =	sdelay $0x4  }
0x1fe: {  	v55 =	vsub.s32 v45, v1  }
0x1ff: {  	v45 =	vand.u32 $0x7F, v45;
	v46 =	vshra.s32 v55, $0x7  }
0x200: {  	v45 =	vadd.s32 $0x1, v45;
	[tilespmem:v27+s26+$0x0] =	vst.idx.msk $0xffff, v46  }
0x201: {  	[tilespmem:v28+s26+$0x0] =	vst.idx.msk $0xffff, v45  }
0x202: {  	v45 =	vld [tilespmem:$0x780];
	_ =	sdelay $0x4  }
0x203: {  	v56 =	vsub.s32 v45, v1  }
0x204: {  	v45 =	vand.u32 $0x7F, v45;
	v46 =	vshra.s32 v56, $0x7  }
0x205: {  	v45 =	vadd.s32 $0x1, v45;
	[tilespmem:v29+s26+$0x0] =	vst.idx.msk $0xffff, v46  }
0x206: {  	[tilespmem:v30+s26+$0x0] =	vst.idx.msk $0xffff, v45  }
0x207: {  	v45 =	vld [tilespmem:$0x790];
	_ =	sdelay $0x4  }
0x208: {  	v57 =	vsub.s32 v45, v1  }
0x209: {  	v45 =	vand.u32 $0x7F, v45;
	v46 =	vshra.s32 v57, $0x7  }
0x20a: {  	v45 =	vadd.s32 $0x1, v45;
	[tilespmem:v31+s26+$0x0] =	vst.idx.msk $0xffff, v46  }
0x20b: {  	[tilespmem:v32+s26+$0x0] =	vst.idx.msk $0xffff, v45  }
0x20c: {  	v45 =	vld [tilespmem:$0x7A0];
	_ =	sdelay $0x4  }
0x20d: {  	v58 =	vsub.s32 v45, v1  }
0x20e: {  	v45 =	vand.u32 $0x7F, v45;
	v46 =	vshra.s32 v58, $0x7  }
0x20f: {  	v45 =	vadd.s32 $0x1, v45;
	[tilespmem:v33+s26+$0x0] =	vst.idx.msk $0xffff, v46  }
0x210: {  	[tilespmem:v34+s26+$0x0] =	vst.idx.msk $0xffff, v45  }
0x211: {  	v45 =	vld [tilespmem:$0x7B0];
	_ =	sdelay $0x4  }
0x212: {  	v59 =	vsub.s32 v45, v1  }
0x213: {  	v45 =	vand.u32 $0x7F, v45;
	v46 =	vshra.s32 v59, $0x7  }
0x214: {  	v45 =	vadd.s32 $0x1, v45;
	[tilespmem:v35+s26+$0x0] =	vst.idx.msk $0xffff, v46  }
0x215: {  	[tilespmem:v36+s26+$0x0] =	vst.idx.msk $0xffff, v45  }
0x216: {  	v45 =	vld [tilespmem:$0x7C0];
	_ =	sdelay $0x4  }
0x217: {  	v60 =	vsub.s32 v45, v1  }
0x218: {  	v45 =	vand.u32 $0x7F, v45;
	v46 =	vshra.s32 v60, $0x7  }
0x219: {  	v45 =	vadd.s32 $0x1, v45;
	[tilespmem:v37+s26+$0x0] =	vst.idx.msk $0xffff, v46  }
0x21a: {  	[tilespmem:v38+s26+$0x0] =	vst.idx.msk $0xffff, v45  }
0x21b: {  	v45 =	vld [tilespmem:$0x7D0];
	_ =	sdelay $0x4  }
0x21c: {  	v61 =	vsub.s32 v45, v1  }
0x21d: {  	v45 =	vand.u32 $0x7F, v45;
	v46 =	vshra.s32 v61, $0x7  }
0x21e: {  	v45 =	vadd.s32 $0x1, v45;
	[tilespmem:v39+s26+$0x0] =	vst.idx.msk $0xffff, v46  }
0x21f: {  	[tilespmem:v40+s26+$0x0] =	vst.idx.msk $0xffff, v45  }
0x220: {  	v45 =	vld [tilespmem:$0x7E0];
	_ =	sdelay $0x4  }
0x221: {  	v62 =	vsub.s32 v45, v1  }
0x222: {  	v45 =	vand.u32 $0x7F, v45;
	v46 =	vshra.s32 v62, $0x7  }
0x223: {  	v45 =	vadd.s32 $0x1, v45;
	[tilespmem:v41+s26+$0x0] =	vst.idx.msk $0xffff, v46  }
0x224: {  	[tilespmem:v42+s26+$0x0] =	vst.idx.msk $0xffff, v45  }
0x225: {  	v45 =	vld [tilespmem:$0x7F0];
	_ =	sdelay $0x4  }
0x226: {  	v63 =	vsub.s32 v45, v1  }
0x227: {  	v45 =	vand.u32 $0x7F, v45;
	v46 =	vshra.s32 v63, $0x7  }
0x228: {  	v45 =	vadd.s32 $0x1, v45;
	[tilespmem:v43+s26+$0x0] =	vst.idx.msk $0xffff, v46  }
0x229: {  	s2 =	rddreg [dreg:$0xe];
	[tilespmem:v44+s26+$0x0] =	vst.idx.msk $0xffff, v45  }
0x22a: {  	[hbm4b:s2+s5] =	stream.linear.scatter [tilespmem:s26], [sflag:$0x4], $0x8000, $0x38;
	[tilespmem:$0x1CC00] =	vst v63  }
0x22b: {  	_ =	swait.ge [sflag:s18], $0x8000  }
0x22c: {  	[sflag:s18] =	ssyncset.done $0x0  }
0x22d: {  	s17 =	rddreg [dreg:$0xf];
	[sflag:s18] =	ssyncadd.s32 $0xFFFF8000  }
0x22e: {  	[hbm4b:s17+s5] =	stream.linear.scatter [tilespmem:s25], [sflag:$0x4], $0x8000, $0x38;
	[tilespmem:$0x1CC00] =	vst v63  }
0x22f: {  	_ =	swait.ge [sflag:s18], $0x8000  }
0x230: {  	s0 =	simm.s32 $0x400;
	[sflag:s18] =	ssyncset.done $0x0  }
0x231: {  	s30 =	simm.s32 $0x14B00;
	s24 =	rddreg [dreg:$0x10];
	[sflag:s18] =	ssyncadd.s32 $0xFFFF8000  }
0x232: {  	[hbm4b:s24+s16] =	stream.strided.scatter [tilespmem:s30], [sflag:$0x4], $0x100, s0, s16, $0x38;
	[tilespmem:$0x1CC00] =	vst v63  }
0x233: {  	_ =	swait.ge [sflag:s18], $0x100  }
0x234: {  	s28 =	sadd.s32 $0x1, s28;
	s31 =	rddreg [dreg:$0x11]  }
0x235: {  	p0 =	sne.s32 s28, s31  }
.Ltmp1:
0x236: {  	_ = 	snop;
	(pc) =	sbr.rel @p0 .LBB2_1-.Ltmp1, $3  }
0x237: {  	_ =	sdelay $0x1  }
0x238: {  	[sflag:s18] =	ssyncset.done $0x0  }
0x239: {  	[sflag:s18] =	ssyncadd.s32 $0xFFFFFF00  }
0x23a: {  	_ =	sfence.sel $0x180000  }
0x23b: {  	[bflag:$0x0] =	sbarrier.arrive $0xFFFF  }
0x23c: {  	_ =	strace $0x9000004A  }
0x23d: {  	s0 =	stileid.u32;
	[bflag:$0x2] =	sbarrier.arrive $0xFFFF  }
0x23e: {  	p0 =	sne.s32 s0, $0x0;
	s0 =	rddreg [dreg:$0x8]  }
0x23f: {  	s0 =	sadd.s32 @!p0 $0x100000, s0  }
0x240: {  	[sflag:s0] =	ssyncadd.tile.s32 @!p0 $0x1;
	_ =	shalt  }
.Lfunc_end2:
_tile_overlayer_lowered:
.L_overlay_start_2:
0x241: {  	(tag) =	ssettag $0x2  }
0x242: {  	s0 =	rddreg [dreg:$0x0];
	s2 =	stileid.u32  }
0x243: {  	s1 =	rddreg [dreg:$0x1];
	p0 =	sne.s32 s2, $0x0  }
0x244: {  	s3 =	rddreg [dreg:$0x2];
	[bflag:$0x3] =	sbarrier.arrive $0xFFFF;
	s2 =	simm.s32 @!p0 $0x1C04  }
0x245: {  	[timem:s3], [sflag:s2] =	dma.local @!p0 [hbm:s0], s1  }
0x246: {  	s0 =	simm.s32 @!p0 $0x4  }
0x247: {  	_ =	swait.ge @!p0 [sflag:s0], s1  }
0x248: {  	s1 =	ssub.s32 @!p0 $0x0, s1;
	[sflag:s0] =	ssyncset.done @!p0 $0x0  }
0x249: {  	[sflag:s0] =	ssyncadd.s32 @!p0 s1  }
0x24a: {  	[bflag:$0x3] =	sbarrier.arrive $0xFFFF  }
0x24b: {  	_ =	shalt  }

</sc_bundles>
